<compile_context>
chip_gen: v7x
topology: tpu7x:2x2x1
jax: 0.10.2.dev20260603
libtpu: 0.0.44.dev20260713+nightly
codegen_flags: <defaults>
</compile_context>

<pallas_src>
import jax
import jax.numpy as jnp
from jax import lax
from jax.experimental import pallas as pl
from jax.experimental.pallas import tpu as pltpu
from jax.experimental.pallas import tpu_sc as plsc
import functools

B = 819200
D = 64
NC = 2
NS = 16
NW = NC * NS
B_PER_W = B // NW
NBG = 2
CHUNK = NBG * 128
N_CHUNKS = B_PER_W // CHUNK
G_TOT = B // 128
G_PER_W = B_PER_W // 128
BLK = 1024

_mesh = plsc.VectorSubcoreMesh(core_axis_name="c", subcore_axis_name="s")


@functools.partial(
    pl.kernel,
    mesh=_mesh,
    out_type=jax.ShapeDtypeStruct((8, G_TOT, 8, 128), jnp.float32),
    scratch_types=[
        pltpu.VMEM((B_PER_W,), jnp.int32),
        pltpu.VMEM((NBG, 128, D), jnp.float32),
        pltpu.VMEM((NBG, 128, D), jnp.float32),
        pltpu.VMEM((NBG, 128, 65), jnp.float32),
        pltpu.VMEM((NBG, 8, 8, 128), jnp.float32),
        pltpu.VMEM((NBG, 8, 8, 128), jnp.float32),
        pltpu.HBM((NBG, 128, D), jnp.float32),
        pltpu.HBM((NBG, 8, 8, 128), jnp.float32),
        pltpu.SemaphoreType.DMA,
        pltpu.SemaphoreType.DMA,
        pltpu.SemaphoreType.DMA,
        pltpu.SemaphoreType.DMA,
    ],
    compiler_params=pltpu.CompilerParams(
        use_tc_tiling_on_sc=False, needs_layout_passes=False),
)
def _embed_gather_t(x_hbm, table_hbm, out4, idx_all, rows0, rows1, r65,
                    wt0, wt1, dummy_r, dummy_w, g0, g1, w0, w1):
    wid = lax.axis_index("s") * NC + lax.axis_index("c")
    base = wid * B_PER_W
    pltpu.sync_copy(x_hbm.at[pl.ds(base, B_PER_W)], idx_all)

    rows = (rows0, rows1)
    wt = (wt0, wt1)
    gsem = (g0, g1)
    wsem = (w0, w1)

    iota = lax.iota(jnp.int32, 16)

    def gstart(j, p):
        for g in range(NBG):
            pltpu.async_copy(
                table_hbm.at[idx_all.at[pl.ds(j * CHUNK + g * 128, 128)]],
                rows[p].at[g], gsem[p])

    gstart(0, 0)

    @pl.loop(0, N_CHUNKS, step=2)
    def _pair(i):
        for b in range(2):
            j = i + b
            p = b
            q = 1 - b

            @pl.when(j + 1 < N_CHUNKS)
            def _prefetch():
                gstart(j + 1, q)

            pltpu.make_async_copy(dummy_r, rows[p], gsem[p]).wait()
            @pl.when(j >= 2)
            def _drain_wb():
                pltpu.make_async_copy(dummy_w, wt[p], wsem[p]).wait()

            bgo = wid * G_PER_W + j * NBG
            for g in range(NBG):
                @plsc.parallel_loop(0, 128, unroll=8)
                def _cp(bp):
                    for k in range(4):
                        r65[g, bp, pl.ds(16 * k, 16)] = (
                            rows[p][g, bp, pl.ds(16 * k, 16)])
                @plsc.parallel_loop(0, D, unroll=4)
                def _d(d):
                    hi = d >> 3
                    lo = d & 7
                    dsp = lax.broadcast(d, (16,))
                    for kb in range(8):
                        v = plsc.load_gather(
                            r65.at[g], [kb * 16 + iota, dsp])
                        wt[p][g, hi, lo, pl.ds(kb * 16, 16)] = v
                pltpu.async_copy(
                    wt[p].at[g], out4.at[:, bgo + g, :, :], wsem[p])

    pltpu.make_async_copy(dummy_w, wt[0], wsem[0]).wait()
    pltpu.make_async_copy(dummy_w, wt[1], wsem[1]).wait()


def kernel(x, table):
    out4 = _embed_gather_t(x.astype(jnp.int32), table)
    return out4.transpose(1, 3, 0, 2).reshape(B, D)

# --- scband reference (transcript-rebuilt; emitter-appended) ---
"""Pipeline reference for scband-token-embedding-fixed-70927089926592 (READ-ONLY COPY).

The authoritative reference and input builder live on the scoring server;
editing this copy changes nothing except your own understanding.
"""

import jax, jax.numpy as jnp
import numpy as np

VOCAB = 100000
EMBED_DIM = 64

def setup_inputs(seed: int = 0) -> dict:
    key = jax.random.key(seed)
    k1, k2 = jax.random.split(key)
    # x plays the role of already-mapped phecode indices (the dict lookup in the
    # original module is a host-side python mapping; here indices are direct).
    x = jax.random.randint(k1, (819200,), 0, VOCAB, dtype=jnp.int64)
    # Frozen pretrained embedding table loaded from CSV in the original module,
    # with an extra zero padding row appended at index VOCAB.
    table_body = jax.random.normal(k2, (VOCAB, EMBED_DIM), dtype=jnp.float32)
    table = jnp.concatenate([table_body, jnp.zeros((1, EMBED_DIM), dtype=jnp.float32)], axis=0)
    return {"x": x, "table": table}

def reference(x, table):
    # map_phecodes_to_indices -> identity here (indices precomputed);
    # nn.Embedding lookup (frozen) followed by .detach()
    out = jnp.take(table, x, axis=0)
    return jax.lax.stop_gradient(out)

if __name__ == "__main__":
    import jax
    _d = setup_inputs()
    print(jax.jit(kernel)(*tuple(_d.values())))

</pallas_src>

<mosaic_0001>
#map = affine_map<(d0, d1) -> (0)>
#map1 = affine_map<(d0, d1) -> (0, 0)>
#map2 = affine_map<(d0, d1) -> (0, 0, 0, 0)>
module attributes {stable_mosaic.version = 14 : i64} {
  func.func @_embed_gather_t(%arg0: i32, %arg1: i32, %arg2: memref<819200xi32, #tpu.memory_space<hbm>>, %arg3: memref<100001x64xf32, #tpu.memory_space<hbm>>, %arg4: memref<8x6400x8x128xf32, #tpu.memory_space<hbm>>, %arg5: memref<25600xi32, #tpu.memory_space<vmem>>, %arg6: memref<2x128x64xf32, #tpu.memory_space<vmem>>, %arg7: memref<2x128x64xf32, #tpu.memory_space<vmem>>, %arg8: memref<2x128x65xf32, #tpu.memory_space<vmem>>, %arg9: memref<2x8x8x128xf32, #tpu.memory_space<vmem>>, %arg10: memref<2x8x8x128xf32, #tpu.memory_space<vmem>>, %arg11: memref<2x128x64xf32, #tpu.memory_space<hbm>>, %arg12: memref<2x8x8x128xf32, #tpu.memory_space<hbm>>, %arg13: memref<!tpu.dma_semaphore, #tpu.memory_space<semaphore_mem>>, %arg14: memref<!tpu.dma_semaphore, #tpu.memory_space<semaphore_mem>>, %arg15: memref<!tpu.dma_semaphore, #tpu.memory_space<semaphore_mem>>, %arg16: memref<!tpu.dma_semaphore, #tpu.memory_space<semaphore_mem>>) attributes {dimension_semantics = [#tpu.dimension_semantics<core_parallel>, #tpu.dimension_semantics<subcore_parallel>], iteration_bounds = array<i64: 2, 16>, scalar_prefetch = 0 : i64, scratch_operands = 12 : i64, tpu.core_type = #tpu.core_type<sc_vector_subcore>, window_params = [{transform_indices = #map}, {transform_indices = #map1}, {transform_indices = #map2}]} {
    %mul3A = arith.constant 2 : i32
    %mul3A_0 = arith.muli %arg1, %mul3A : i32
    %add3A = arith.addi %mul3A_0, %arg0 : i32
    %mul3A_1 = arith.constant 25600 : i32
    %mul3A_2 = arith.muli %add3A, %mul3A_1 : i32
    "tpu.region"() ({
      %run_scoped3A = tpu.sem_alloc : memref<!tpu.dma_semaphore, #tpu.memory_space<semaphore_mem>>
      %dma_start3A_26 = tpu.memref_slice %arg2[%mul3A_2] : memref<819200xi32, #tpu.memory_space<hbm>> -> memref<25600xi32, #tpu.memory_space<hbm>>
      %dma_start3A_27 = tpu.memref_slice %arg2[%mul3A_2] : memref<819200xi32, #tpu.memory_space<hbm>> -> memref<25600xi32, #tpu.memory_space<hbm>>
      tpu.enqueue_dma source(%dma_start3A_27 : memref<25600xi32, #tpu.memory_space<hbm>>) target(%arg5 : memref<25600xi32, #tpu.memory_space<vmem>>) target_semaphore(%run_scoped3A : memref<!tpu.dma_semaphore, #tpu.memory_space<semaphore_mem>>)
      %dma_wait3A = tpu.memref_slice %arg2[%mul3A_2] : memref<819200xi32, #tpu.memory_space<hbm>> -> memref<25600xi32, #tpu.memory_space<hbm>>
      %dma_wait3A_28 = tpu.memref_slice %arg2[%mul3A_2] : memref<819200xi32, #tpu.memory_space<hbm>> -> memref<25600xi32, #tpu.memory_space<hbm>>
      tpu.wait_dma2 semaphore(%run_scoped3A : memref<!tpu.dma_semaphore, #tpu.memory_space<semaphore_mem>>) src(%dma_wait3A_28 : memref<25600xi32, #tpu.memory_space<hbm>>) dst(%arg5 : memref<25600xi32, #tpu.memory_space<vmem>>)
      tpu.yield
    }) : () -> ()
    %iota3A = tpu.iota {dimensions = array<i32: 0>} : vector<16xi32>
    %dma_start3A = arith.constant 0 : i32
    %dma_start3A_3 = arith.constant 0 : i32
    %dma_start3A_4 = arith.constant 0 : i32
    %dma_start3A_5 = tpu.memref_slice %arg6[%dma_start3A, %dma_start3A_3, %dma_start3A_4] : memref<2x128x64xf32, #tpu.memory_space<vmem>> -> memref<1x128x64xf32, #tpu.memory_space<vmem>>
    %dma_start3A_6 = tpu.memref_squeeze %dma_start3A_5 : memref<1x128x64xf32, #tpu.memory_space<vmem>> -> memref<128x64xf32, #tpu.memory_space<vmem>>
    %dma_start3A_7 = arith.constant 0 : i32
    %dma_start3A_8 = tpu.memref_slice %arg5[%dma_start3A_7] : memref<25600xi32, #tpu.memory_space<vmem>> -> memref<128xi32, #tpu.memory_space<vmem>>
    %dma_start3A_9 = arith.constant 0 : i32
    %dma_start3A_10 = arith.constant 0 : i32
    %dma_start3A_11 = tpu.memref_slice %arg3[%dma_start3A_9, %dma_start3A_10] : memref<100001x64xf32, #tpu.memory_space<hbm>> -> memref<100001x64xf32, #tpu.memory_space<hbm>>
    tpu.enqueue_indirect_dma source(%dma_start3A_11 : memref<100001x64xf32, #tpu.memory_space<hbm>>) target(%dma_start3A_6 : memref<128x64xf32, #tpu.memory_space<vmem>>) offsets(%dma_start3A_8 : memref<128xi32, #tpu.memory_space<vmem>>) semaphore(%arg13 : memref<!tpu.dma_semaphore, #tpu.memory_space<semaphore_mem>>)
    %dma_start3A_12 = arith.constant 1 : i32
    %dma_start3A_13 = arith.constant 0 : i32
    %dma_start3A_14 = arith.constant 0 : i32
    %dma_start3A_15 = tpu.memref_slice %arg6[%dma_start3A_12, %dma_start3A_13, %dma_start3A_14] : memref<2x128x64xf32, #tpu.memory_space<vmem>> -> memref<1x128x64xf32, #tpu.memory_space<vmem>>
    %dma_start3A_16 = tpu.memref_squeeze %dma_start3A_15 : memref<1x128x64xf32, #tpu.memory_space<vmem>> -> memref<128x64xf32, #tpu.memory_space<vmem>>
    %dma_start3A_17 = arith.constant 128 : i32
    %dma_start3A_18 = tpu.memref_slice %arg5[%dma_start3A_17] : memref<25600xi32, #tpu.memory_space<vmem>> -> memref<128xi32, #tpu.memory_space<vmem>>
    %dma_start3A_19 = arith.constant 0 : i32
    %dma_start3A_20 = arith.constant 0 : i32
    %dma_start3A_21 = tpu.memref_slice %arg3[%dma_start3A_19, %dma_start3A_20] : memref<100001x64xf32, #tpu.memory_space<hbm>> -> memref<100001x64xf32, #tpu.memory_space<hbm>>
    tpu.enqueue_indirect_dma source(%dma_start3A_21 : memref<100001x64xf32, #tpu.memory_space<hbm>>) target(%dma_start3A_16 : memref<128x64xf32, #tpu.memory_space<vmem>>) offsets(%dma_start3A_18 : memref<128xi32, #tpu.memory_space<vmem>>) semaphore(%arg13 : memref<!tpu.dma_semaphore, #tpu.memory_space<semaphore_mem>>)
    %scan3A = arith.constant 0 : i32
    %scan3A_22 = arith.constant 50 : i32
    %scan3A_23 = arith.addi %scan3A, %scan3A_22 : i32
    %scan3A_24 = arith.constant 1 : i32
    scf.for %scan3A_26 = %scan3A to %scan3A_23 step %scan3A_24  : i32 {
      %mul3A_27 = arith.constant 2 : i32
      %mul3A_28 = arith.muli %scan3A_26, %mul3A_27 : i32
      %add3A_29 = arith.constant 0 : i32
      %add3A_30 = arith.addi %add3A_29, %mul3A_28 : i32
      %add3A_31 = arith.constant 0 : i32
      %add3A_32 = arith.addi %add3A_30, %add3A_31 : i32
      %add3A_33 = arith.constant 1 : i32
      %add3A_34 = arith.addi %add3A_32, %add3A_33 : i32
      %lt3A = arith.constant 100 : i32
      %lt3A_35 = arith.cmpi slt, %add3A_34, %lt3A : i32
      %convert_element_type3A = arith.extui %lt3A_35 : i1 to i32
      %cond3A = arith.constant 0 : i32
      %cond3A_36 = arith.cmpi ne, %convert_element_type3A, %cond3A : i32
      scf.if %cond3A_36 {
        %add3A_180 = arith.constant 1 : i32
        %add3A_181 = arith.addi %add3A_32, %add3A_180 : i32
        %mul3A_182 = arith.constant 256 : i32
        %mul3A_183 = arith.muli %add3A_181, %mul3A_182 : i32
        %add3A_184 = arith.constant 0 : i32
        %add3A_185 = arith.addi %mul3A_183, %add3A_184 : i32
        %dma_start3A_186 = arith.constant 0 : i32
        %dma_start3A_187 = arith.constant 0 : i32
        %dma_start3A_188 = arith.constant 0 : i32
        %dma_start3A_189 = tpu.memref_slice %arg7[%dma_start3A_186, %dma_start3A_187, %dma_start3A_188] : memref<2x128x64xf32, #tpu.memory_space<vmem>> -> memref<1x128x64xf32, #tpu.memory_space<vmem>>
        %dma_start3A_190 = tpu.memref_squeeze %dma_start3A_189 : memref<1x128x64xf32, #tpu.memory_space<vmem>> -> memref<128x64xf32, #tpu.memory_space<vmem>>
        %dma_start3A_191 = tpu.memref_slice %arg5[%add3A_185] : memref<25600xi32, #tpu.memory_space<vmem>> -> memref<128xi32, #tpu.memory_space<vmem>>
        %dma_start3A_192 = arith.constant 0 : i32
        %dma_start3A_193 = arith.constant 0 : i32
        %dma_start3A_194 = tpu.memref_slice %arg3[%dma_start3A_192, %dma_start3A_193] : memref<100001x64xf32, #tpu.memory_space<hbm>> -> memref<100001x64xf32, #tpu.memory_space<hbm>>
        tpu.enqueue_indirect_dma source(%dma_start3A_194 : memref<100001x64xf32, #tpu.memory_space<hbm>>) target(%dma_start3A_190 : memref<128x64xf32, #tpu.memory_space<vmem>>) offsets(%dma_start3A_191 : memref<128xi32, #tpu.memory_space<vmem>>) semaphore(%arg14 : memref<!tpu.dma_semaphore, #tpu.memory_space<semaphore_mem>>)
        %mul3A_195 = arith.constant 256 : i32
        %mul3A_196 = arith.muli %add3A_181, %mul3A_195 : i32
        %add3A_197 = arith.constant 128 : i32
        %add3A_198 = arith.addi %mul3A_196, %add3A_197 : i32
        %dma_start3A_199 = arith.constant 1 : i32
        %dma_start3A_200 = arith.constant 0 : i32
        %dma_start3A_201 = arith.constant 0 : i32
        %dma_start3A_202 = tpu.memref_slice %arg7[%dma_start3A_199, %dma_start3A_200, %dma_start3A_201] : memref<2x128x64xf32, #tpu.memory_space<vmem>> -> memref<1x128x64xf32, #tpu.memory_space<vmem>>
        %dma_start3A_203 = tpu.memref_squeeze %dma_start3A_202 : memref<1x128x64xf32, #tpu.memory_space<vmem>> -> memref<128x64xf32, #tpu.memory_space<vmem>>
        %dma_start3A_204 = tpu.memref_slice %arg5[%add3A_198] : memref<25600xi32, #tpu.memory_space<vmem>> -> memref<128xi32, #tpu.memory_space<vmem>>
        %dma_start3A_205 = arith.constant 0 : i32
        %dma_start3A_206 = arith.constant 0 : i32
        %dma_start3A_207 = tpu.memref_slice %arg3[%dma_start3A_205, %dma_start3A_206] : memref<100001x64xf32, #tpu.memory_space<hbm>> -> memref<100001x64xf32, #tpu.memory_space<hbm>>
        tpu.enqueue_indirect_dma source(%dma_start3A_207 : memref<100001x64xf32, #tpu.memory_space<hbm>>) target(%dma_start3A_203 : memref<128x64xf32, #tpu.memory_space<vmem>>) offsets(%dma_start3A_204 : memref<128xi32, #tpu.memory_space<vmem>>) semaphore(%arg14 : memref<!tpu.dma_semaphore, #tpu.memory_space<semaphore_mem>>)
      } else {
      }
      tpu.wait_dma2 semaphore(%arg13 : memref<!tpu.dma_semaphore, #tpu.memory_space<semaphore_mem>>) src(%arg11 : memref<2x128x64xf32, #tpu.memory_space<hbm>>) dst(%arg6 : memref<2x128x64xf32, #tpu.memory_space<vmem>>)
      %ge3A = arith.constant 2 : i32
      %ge3A_37 = arith.cmpi sge, %add3A_32, %ge3A : i32
      %convert_element_type3A_38 = arith.extui %ge3A_37 : i1 to i32
      %cond3A_39 = arith.constant 0 : i32
      %cond3A_40 = arith.cmpi ne, %convert_element_type3A_38, %cond3A_39 : i32
      scf.if %cond3A_40 {
        tpu.wait_dma2 semaphore(%arg15 : memref<!tpu.dma_semaphore, #tpu.memory_space<semaphore_mem>>) src(%arg12 : memref<2x8x8x128xf32, #tpu.memory_space<hbm>>) dst(%arg9 : memref<2x8x8x128xf32, #tpu.memory_space<vmem>>)
      } else {
      }
      %mul3A_41 = arith.constant 200 : i32
      %mul3A_42 = arith.muli %add3A, %mul3A_41 : i32
      %mul3A_43 = arith.constant 2 : i32
      %mul3A_44 = arith.muli %add3A_32, %mul3A_43 : i32
      %add3A_45 = arith.addi %mul3A_42, %mul3A_44 : i32
      %parallel_loop3A = arith.constant 0 : i32
      %parallel_loop3A_46 = arith.constant 128 : i32
      %parallel_loop3A_47 = arith.constant 1 : i32
      scf.for %parallel_loop3A_180 = %parallel_loop3A to %parallel_loop3A_46 step %parallel_loop3A_47  : i32 {
        %parallel_loop3A_181 = arith.constant 0 : i32
        %parallel_loop3A_182 = arith.index_cast %parallel_loop3A_181 : i32 to index
        %parallel_loop3A_183 = arith.index_cast %parallel_loop3A_180 : i32 to index
        %parallel_loop3A_184 = arith.constant 0 : index
        %parallel_loop3A_185 = tpu.vector_load %arg6[%parallel_loop3A_182, %parallel_loop3A_183, %parallel_loop3A_184] {strides = array<i32>} : memref<2x128x64xf32, #tpu.memory_space<vmem>>, vector<16xf32>,
        %parallel_loop3A_186 = arith.constant 0 : i32
        %parallel_loop3A_187 = arith.index_cast %parallel_loop3A_186 : i32 to index
        %parallel_loop3A_188 = arith.index_cast %parallel_loop3A_180 : i32 to index
        %parallel_loop3A_189 = arith.constant 0 : index
        %parallel_loop3A_190 = tpu.vector_load %arg8[%parallel_loop3A_187, %parallel_loop3A_188, %parallel_loop3A_189] {strides = array<i32>} : memref<2x128x65xf32, #tpu.memory_space<vmem>>, vector<16xf32>,
        tpu.vector_store %arg8[%parallel_loop3A_187, %parallel_loop3A_188, %parallel_loop3A_189], %parallel_loop3A_185 {strides = array<i32>} : memref<2x128x65xf32, #tpu.memory_space<vmem>>, vector<16xf32>,
        %parallel_loop3A_191 = arith.constant 0 : i32
        %parallel_loop3A_192 = arith.index_cast %parallel_loop3A_191 : i32 to index
        %parallel_loop3A_193 = arith.index_cast %parallel_loop3A_180 : i32 to index
        %parallel_loop3A_194 = arith.constant 16 : index
        %parallel_loop3A_195 = tpu.vector_load %arg6[%parallel_loop3A_192, %parallel_loop3A_193, %parallel_loop3A_194] {strides = array<i32>} : memref<2x128x64xf32, #tpu.memory_space<vmem>>, vector<16xf32>,
        %parallel_loop3A_196 = arith.constant 0 : i32
        %parallel_loop3A_197 = arith.index_cast %parallel_loop3A_196 : i32 to index
        %parallel_loop3A_198 = arith.index_cast %parallel_loop3A_180 : i32 to index
        %parallel_loop3A_199 = arith.constant 16 : index
        %parallel_loop3A_200 = tpu.vector_load %arg8[%parallel_loop3A_197, %parallel_loop3A_198, %parallel_loop3A_199] {strides = array<i32>} : memref<2x128x65xf32, #tpu.memory_space<vmem>>, vector<16xf32>,
        tpu.vector_store %arg8[%parallel_loop3A_197, %parallel_loop3A_198, %parallel_loop3A_199], %parallel_loop3A_195 {strides = array<i32>} : memref<2x128x65xf32, #tpu.memory_space<vmem>>, vector<16xf32>,
        %parallel_loop3A_201 = arith.constant 0 : i32
        %parallel_loop3A_202 = arith.index_cast %parallel_loop3A_201 : i32 to index
        %parallel_loop3A_203 = arith.index_cast %parallel_loop3A_180 : i32 to index
        %parallel_loop3A_204 = arith.constant 32 : index
        %parallel_loop3A_205 = tpu.vector_load %arg6[%parallel_loop3A_202, %parallel_loop3A_203, %parallel_loop3A_204] {strides = array<i32>} : memref<2x128x64xf32, #tpu.memory_space<vmem>>, vector<16xf32>,
        %parallel_loop3A_206 = arith.constant 0 : i32
        %parallel_loop3A_207 = arith.index_cast %parallel_loop3A_206 : i32 to index
        %parallel_loop3A_208 = arith.index_cast %parallel_loop3A_180 : i32 to index
        %parallel_loop3A_209 = arith.constant 32 : index
        %parallel_loop3A_210 = tpu.vector_load %arg8[%parallel_loop3A_207, %parallel_loop3A_208, %parallel_loop3A_209] {strides = array<i32>} : memref<2x128x65xf32, #tpu.memory_space<vmem>>, vector<16xf32>,
        tpu.vector_store %arg8[%parallel_loop3A_207, %parallel_loop3A_208, %parallel_loop3A_209], %parallel_loop3A_205 {strides = array<i32>} : memref<2x128x65xf32, #tpu.memory_space<vmem>>, vector<16xf32>,
        %parallel_loop3A_211 = arith.constant 0 : i32
        %parallel_loop3A_212 = arith.index_cast %parallel_loop3A_211 : i32 to index
        %parallel_loop3A_213 = arith.index_cast %parallel_loop3A_180 : i32 to index
        %parallel_loop3A_214 = arith.constant 48 : index
        %parallel_loop3A_215 = tpu.vector_load %arg6[%parallel_loop3A_212, %parallel_loop3A_213, %parallel_loop3A_214] {strides = array<i32>} : memref<2x128x64xf32, #tpu.memory_space<vmem>>, vector<16xf32>,
        %parallel_loop3A_216 = arith.constant 0 : i32
        %parallel_loop3A_217 = arith.index_cast %parallel_loop3A_216 : i32 to index
        %parallel_loop3A_218 = arith.index_cast %parallel_loop3A_180 : i32 to index
        %parallel_loop3A_219 = arith.constant 48 : index
        %parallel_loop3A_220 = tpu.vector_load %arg8[%parallel_loop3A_217, %parallel_loop3A_218, %parallel_loop3A_219] {strides = array<i32>} : memref<2x128x65xf32, #tpu.memory_space<vmem>>, vector<16xf32>,
        tpu.vector_store %arg8[%parallel_loop3A_217, %parallel_loop3A_218, %parallel_loop3A_219], %parallel_loop3A_215 {strides = array<i32>} : memref<2x128x65xf32, #tpu.memory_space<vmem>>, vector<16xf32>,
      } {sc.loop_unroll_factor = 8 : i64, sc.parallel_access}
      %parallel_loop3A_48 = arith.constant 0 : i32
      %parallel_loop3A_49 = arith.constant 64 : i32
      %parallel_loop3A_50 = arith.constant 1 : i32
      scf.for %parallel_loop3A_180 = %parallel_loop3A_48 to %parallel_loop3A_49 step %parallel_loop3A_50  : i32 {
        %parallel_loop3A_181 = arith.constant 3 : i32
        %parallel_loop3A_182 = arith.shrsi %parallel_loop3A_180, %parallel_loop3A_181 : i32
        %parallel_loop3A_183 = arith.constant 7 : i32
        %parallel_loop3A_184 = arith.andi %parallel_loop3A_180, %parallel_loop3A_183 : i32
        %parallel_loop3A_185 = vector.broadcast %parallel_loop3A_180 : i32 to vector<16xi32>
        %parallel_loop3A_186 = arith.constant 0 : i32
        %parallel_loop3A_187 = vector.broadcast %parallel_loop3A_186 : i32 to vector<16xi32>
        %parallel_loop3A_188 = arith.addi %parallel_loop3A_187, %iota3A : vector<16xi32>
        %parallel_loop3A_189 = arith.constant 0 : i32
        %parallel_loop3A_190 = arith.constant 0 : i32
        %parallel_loop3A_191 = arith.constant 0 : i32
        %parallel_loop3A_192 = tpu.memref_slice %arg8[%parallel_loop3A_189, %parallel_loop3A_190, %parallel_loop3A_191] : memref<2x128x65xf32, #tpu.memory_space<vmem>> -> memref<1x128x65xf32, #tpu.memory_space<vmem>>
        %parallel_loop3A_193 = tpu.memref_squeeze %parallel_loop3A_192 : memref<1x128x65xf32, #tpu.memory_space<vmem>> -> memref<128x65xf32, #tpu.memory_space<vmem>>
        %parallel_loop3A_194 = tpu.vector_load_idx %parallel_loop3A_193[%parallel_loop3A_188, %parallel_loop3A_185] : memref<128x65xf32, #tpu.memory_space<vmem>>[vector<16xi32>, vector<16xi32>], vector<16xf32>,
        %parallel_loop3A_195 = arith.constant 0 : i32
        %parallel_loop3A_196 = arith.index_cast %parallel_loop3A_195 : i32 to index
        %parallel_loop3A_197 = arith.index_cast %parallel_loop3A_182 : i32 to index
        %parallel_loop3A_198 = arith.index_cast %parallel_loop3A_184 : i32 to index
        %parallel_loop3A_199 = arith.constant 0 : index
        %parallel_loop3A_200 = tpu.vector_load %arg9[%parallel_loop3A_196, %parallel_loop3A_197, %parallel_loop3A_198, %parallel_loop3A_199] {strides = array<i32>} : memref<2x8x8x128xf32, #tpu.memory_space<vmem>>, vector<16xf32>,
        tpu.vector_store %arg9[%parallel_loop3A_196, %parallel_loop3A_197, %parallel_loop3A_198, %parallel_loop3A_199], %parallel_loop3A_194 {strides = array<i32>} : memref<2x8x8x128xf32, #tpu.memory_space<vmem>>, vector<16xf32>,
        %parallel_loop3A_201 = arith.constant 16 : i32
        %parallel_loop3A_202 = vector.broadcast %parallel_loop3A_201 : i32 to vector<16xi32>
        %parallel_loop3A_203 = arith.addi %parallel_loop3A_202, %iota3A : vector<16xi32>
        %parallel_loop3A_204 = arith.constant 0 : i32
        %parallel_loop3A_205 = arith.constant 0 : i32
        %parallel_loop3A_206 = arith.constant 0 : i32
        %parallel_loop3A_207 = tpu.memref_slice %arg8[%parallel_loop3A_204, %parallel_loop3A_205, %parallel_loop3A_206] : memref<2x128x65xf32, #tpu.memory_space<vmem>> -> memref<1x128x65xf32, #tpu.memory_space<vmem>>
        %parallel_loop3A_208 = tpu.memref_squeeze %parallel_loop3A_207 : memref<1x128x65xf32, #tpu.memory_space<vmem>> -> memref<128x65xf32, #tpu.memory_space<vmem>>
        %parallel_loop3A_209 = tpu.vector_load_idx %parallel_loop3A_208[%parallel_loop3A_203, %parallel_loop3A_185] : memref<128x65xf32, #tpu.memory_space<vmem>>[vector<16xi32>, vector<16xi32>], vector<16xf32>,
        %parallel_loop3A_210 = arith.constant 0 : i32
        %parallel_loop3A_211 = arith.index_cast %parallel_loop3A_210 : i32 to index
        %parallel_loop3A_212 = arith.index_cast %parallel_loop3A_182 : i32 to index
        %parallel_loop3A_213 = arith.index_cast %parallel_loop3A_184 : i32 to index
        %parallel_loop3A_214 = arith.constant 16 : index
        %parallel_loop3A_215 = tpu.vector_load %arg9[%parallel_loop3A_211, %parallel_loop3A_212, %parallel_loop3A_213, %parallel_loop3A_214] {strides = array<i32>} : memref<2x8x8x128xf32, #tpu.memory_space<vmem>>, vector<16xf32>,
        tpu.vector_store %arg9[%parallel_loop3A_211, %parallel_loop3A_212, %parallel_loop3A_213, %parallel_loop3A_214], %parallel_loop3A_209 {strides = array<i32>} : memref<2x8x8x128xf32, #tpu.memory_space<vmem>>, vector<16xf32>,
        %parallel_loop3A_216 = arith.constant 32 : i32
        %parallel_loop3A_217 = vector.broadcast %parallel_loop3A_216 : i32 to vector<16xi32>
        %parallel_loop3A_218 = arith.addi %parallel_loop3A_217, %iota3A : vector<16xi32>
        %parallel_loop3A_219 = arith.constant 0 : i32
        %parallel_loop3A_220 = arith.constant 0 : i32
        %parallel_loop3A_221 = arith.constant 0 : i32
        %parallel_loop3A_222 = tpu.memref_slice %arg8[%parallel_loop3A_219, %parallel_loop3A_220, %parallel_loop3A_221] : memref<2x128x65xf32, #tpu.memory_space<vmem>> -> memref<1x128x65xf32, #tpu.memory_space<vmem>>
        %parallel_loop3A_223 = tpu.memref_squeeze %parallel_loop3A_222 : memref<1x128x65xf32, #tpu.memory_space<vmem>> -> memref<128x65xf32, #tpu.memory_space<vmem>>
        %parallel_loop3A_224 = tpu.vector_load_idx %parallel_loop3A_223[%parallel_loop3A_218, %parallel_loop3A_185] : memref<128x65xf32, #tpu.memory_space<vmem>>[vector<16xi32>, vector<16xi32>], vector<16xf32>,
        %parallel_loop3A_225 = arith.constant 0 : i32
        %parallel_loop3A_226 = arith.index_cast %parallel_loop3A_225 : i32 to index
        %parallel_loop3A_227 = arith.index_cast %parallel_loop3A_182 : i32 to index
        %parallel_loop3A_228 = arith.index_cast %parallel_loop3A_184 : i32 to index
        %parallel_loop3A_229 = arith.constant 32 : index
        %parallel_loop3A_230 = tpu.vector_load %arg9[%parallel_loop3A_226, %parallel_loop3A_227, %parallel_loop3A_228, %parallel_loop3A_229] {strides = array<i32>} : memref<2x8x8x128xf32, #tpu.memory_space<vmem>>, vector<16xf32>,
        tpu.vector_store %arg9[%parallel_loop3A_226, %parallel_loop3A_227, %parallel_loop3A_228, %parallel_loop3A_229], %parallel_loop3A_224 {strides = array<i32>} : memref<2x8x8x128xf32, #tpu.memory_space<vmem>>, vector<16xf32>,
        %parallel_loop3A_231 = arith.constant 48 : i32
        %parallel_loop3A_232 = vector.broadcast %parallel_loop3A_231 : i32 to vector<16xi32>
        %parallel_loop3A_233 = arith.addi %parallel_loop3A_232, %iota3A : vector<16xi32>
        %parallel_loop3A_234 = arith.constant 0 : i32
        %parallel_loop3A_235 = arith.constant 0 : i32
        %parallel_loop3A_236 = arith.constant 0 : i32
        %parallel_loop3A_237 = tpu.memref_slice %arg8[%parallel_loop3A_234, %parallel_loop3A_235, %parallel_loop3A_236] : memref<2x128x65xf32, #tpu.memory_space<vmem>> -> memref<1x128x65xf32, #tpu.memory_space<vmem>>
        %parallel_loop3A_238 = tpu.memref_squeeze %parallel_loop3A_237 : memref<1x128x65xf32, #tpu.memory_space<vmem>> -> memref<128x65xf32, #tpu.memory_space<vmem>>
        %parallel_loop3A_239 = tpu.vector_load_idx %parallel_loop3A_238[%parallel_loop3A_233, %parallel_loop3A_185] : memref<128x65xf32, #tpu.memory_space<vmem>>[vector<16xi32>, vector<16xi32>], vector<16xf32>,
        %parallel_loop3A_240 = arith.constant 0 : i32
        %parallel_loop3A_241 = arith.index_cast %parallel_loop3A_240 : i32 to index
        %parallel_loop3A_242 = arith.index_cast %parallel_loop3A_182 : i32 to index
        %parallel_loop3A_243 = arith.index_cast %parallel_loop3A_184 : i32 to index
        %parallel_loop3A_244 = arith.constant 48 : index
        %parallel_loop3A_245 = tpu.vector_load %arg9[%parallel_loop3A_241, %parallel_loop3A_242, %parallel_loop3A_243, %parallel_loop3A_244] {strides = array<i32>} : memref<2x8x8x128xf32, #tpu.memory_space<vmem>>, vector<16xf32>,
        tpu.vector_store %arg9[%parallel_loop3A_241, %parallel_loop3A_242, %parallel_loop3A_243, %parallel_loop3A_244], %parallel_loop3A_239 {strides = array<i32>} : memref<2x8x8x128xf32, #tpu.memory_space<vmem>>, vector<16xf32>,
        %parallel_loop3A_246 = arith.constant 64 : i32
        %parallel_loop3A_247 = vector.broadcast %parallel_loop3A_246 : i32 to vector<16xi32>
        %parallel_loop3A_248 = arith.addi %parallel_loop3A_247, %iota3A : vector<16xi32>
        %parallel_loop3A_249 = arith.constant 0 : i32
        %parallel_loop3A_250 = arith.constant 0 : i32
        %parallel_loop3A_251 = arith.constant 0 : i32
        %parallel_loop3A_252 = tpu.memref_slice %arg8[%parallel_loop3A_249, %parallel_loop3A_250, %parallel_loop3A_251] : memref<2x128x65xf32, #tpu.memory_space<vmem>> -> memref<1x128x65xf32, #tpu.memory_space<vmem>>
        %parallel_loop3A_253 = tpu.memref_squeeze %parallel_loop3A_252 : memref<1x128x65xf32, #tpu.memory_space<vmem>> -> memref<128x65xf32, #tpu.memory_space<vmem>>
        %parallel_loop3A_254 = tpu.vector_load_idx %parallel_loop3A_253[%parallel_loop3A_248, %parallel_loop3A_185] : memref<128x65xf32, #tpu.memory_space<vmem>>[vector<16xi32>, vector<16xi32>], vector<16xf32>,
        %parallel_loop3A_255 = arith.constant 0 : i32
        %parallel_loop3A_256 = arith.index_cast %parallel_loop3A_255 : i32 to index
        %parallel_loop3A_257 = arith.index_cast %parallel_loop3A_182 : i32 to index
        %parallel_loop3A_258 = arith.index_cast %parallel_loop3A_184 : i32 to index
        %parallel_loop3A_259 = arith.constant 64 : index
        %parallel_loop3A_260 = tpu.vector_load %arg9[%parallel_loop3A_256, %parallel_loop3A_257, %parallel_loop3A_258, %parallel_loop3A_259] {strides = array<i32>} : memref<2x8x8x128xf32, #tpu.memory_space<vmem>>, vector<16xf32>,
        tpu.vector_store %arg9[%parallel_loop3A_256, %parallel_loop3A_257, %parallel_loop3A_258, %parallel_loop3A_259], %parallel_loop3A_254 {strides = array<i32>} : memref<2x8x8x128xf32, #tpu.memory_space<vmem>>, vector<16xf32>,
        %parallel_loop3A_261 = arith.constant 80 : i32
        %parallel_loop3A_262 = vector.broadcast %parallel_loop3A_261 : i32 to vector<16xi32>
        %parallel_loop3A_263 = arith.addi %parallel_loop3A_262, %iota3A : vector<16xi32>
        %parallel_loop3A_264 = arith.constant 0 : i32
        %parallel_loop3A_265 = arith.constant 0 : i32
        %parallel_loop3A_266 = arith.constant 0 : i32
        %parallel_loop3A_267 = tpu.memref_slice %arg8[%parallel_loop3A_264, %parallel_loop3A_265, %parallel_loop3A_266] : memref<2x128x65xf32, #tpu.memory_space<vmem>> -> memref<1x128x65xf32, #tpu.memory_space<vmem>>
        %parallel_loop3A_268 = tpu.memref_squeeze %parallel_loop3A_267 : memref<1x128x65xf32, #tpu.memory_space<vmem>> -> memref<128x65xf32, #tpu.memory_space<vmem>>
        %parallel_loop3A_269 = tpu.vector_load_idx %parallel_loop3A_268[%parallel_loop3A_263, %parallel_loop3A_185] : memref<128x65xf32, #tpu.memory_space<vmem>>[vector<16xi32>, vector<16xi32>], vector<16xf32>,
        %parallel_loop3A_270 = arith.constant 0 : i32
        %parallel_loop3A_271 = arith.index_cast %parallel_loop3A_270 : i32 to index
        %parallel_loop3A_272 = arith.index_cast %parallel_loop3A_182 : i32 to index
        %parallel_loop3A_273 = arith.index_cast %parallel_loop3A_184 : i32 to index
        %parallel_loop3A_274 = arith.constant 80 : index
        %parallel_loop3A_275 = tpu.vector_load %arg9[%parallel_loop3A_271, %parallel_loop3A_272, %parallel_loop3A_273, %parallel_loop3A_274] {strides = array<i32>} : memref<2x8x8x128xf32, #tpu.memory_space<vmem>>, vector<16xf32>,
        tpu.vector_store %arg9[%parallel_loop3A_271, %parallel_loop3A_272, %parallel_loop3A_273, %parallel_loop3A_274], %parallel_loop3A_269 {strides = array<i32>} : memref<2x8x8x128xf32, #tpu.memory_space<vmem>>, vector<16xf32>,
        %parallel_loop3A_276 = arith.constant 96 : i32
        %parallel_loop3A_277 = vector.broadcast %parallel_loop3A_276 : i32 to vector<16xi32>
        %parallel_loop3A_278 = arith.addi %parallel_loop3A_277, %iota3A : vector<16xi32>
        %parallel_loop3A_279 = arith.constant 0 : i32
        %parallel_loop3A_280 = arith.constant 0 : i32
        %parallel_loop3A_281 = arith.constant 0 : i32
        %parallel_loop3A_282 = tpu.memref_slice %arg8[%parallel_loop3A_279, %parallel_loop3A_280, %parallel_loop3A_281] : memref<2x128x65xf32, #tpu.memory_space<vmem>> -> memref<1x128x65xf32, #tpu.memory_space<vmem>>
        %parallel_loop3A_283 = tpu.memref_squeeze %parallel_loop3A_282 : memref<1x128x65xf32, #tpu.memory_space<vmem>> -> memref<128x65xf32, #tpu.memory_space<vmem>>
        %parallel_loop3A_284 = tpu.vector_load_idx %parallel_loop3A_283[%parallel_loop3A_278, %parallel_loop3A_185] : memref<128x65xf32, #tpu.memory_space<vmem>>[vector<16xi32>, vector<16xi32>], vector<16xf32>,
        %parallel_loop3A_285 = arith.constant 0 : i32
        %parallel_loop3A_286 = arith.index_cast %parallel_loop3A_285 : i32 to index
        %parallel_loop3A_287 = arith.index_cast %parallel_loop3A_182 : i32 to index
        %parallel_loop3A_288 = arith.index_cast %parallel_loop3A_184 : i32 to index
        %parallel_loop3A_289 = arith.constant 96 : index
        %parallel_loop3A_290 = tpu.vector_load %arg9[%parallel_loop3A_286, %parallel_loop3A_287, %parallel_loop3A_288, %parallel_loop3A_289] {strides = array<i32>} : memref<2x8x8x128xf32, #tpu.memory_space<vmem>>, vector<16xf32>,
        tpu.vector_store %arg9[%parallel_loop3A_286, %parallel_loop3A_287, %parallel_loop3A_288, %parallel_loop3A_289], %parallel_loop3A_284 {strides = array<i32>} : memref<2x8x8x128xf32, #tpu.memory_space<vmem>>, vector<16xf32>,
        %parallel_loop3A_291 = arith.constant 112 : i32
        %parallel_loop3A_292 = vector.broadcast %parallel_loop3A_291 : i32 to vector<16xi32>
        %parallel_loop3A_293 = arith.addi %parallel_loop3A_292, %iota3A : vector<16xi32>
        %parallel_loop3A_294 = arith.constant 0 : i32
        %parallel_loop3A_295 = arith.constant 0 : i32
        %parallel_loop3A_296 = arith.constant 0 : i32
        %parallel_loop3A_297 = tpu.memref_slice %arg8[%parallel_loop3A_294, %parallel_loop3A_295, %parallel_loop3A_296] : memref<2x128x65xf32, #tpu.memory_space<vmem>> -> memref<1x128x65xf32, #tpu.memory_space<vmem>>
        %parallel_loop3A_298 = tpu.memref_squeeze %parallel_loop3A_297 : memref<1x128x65xf32, #tpu.memory_space<vmem>> -> memref<128x65xf32, #tpu.memory_space<vmem>>
        %parallel_loop3A_299 = tpu.vector_load_idx %parallel_loop3A_298[%parallel_loop3A_293, %parallel_loop3A_185] : memref<128x65xf32, #tpu.memory_space<vmem>>[vector<16xi32>, vector<16xi32>], vector<16xf32>,
        %parallel_loop3A_300 = arith.constant 0 : i32
        %parallel_loop3A_301 = arith.index_cast %parallel_loop3A_300 : i32 to index
        %parallel_loop3A_302 = arith.index_cast %parallel_loop3A_182 : i32 to index
        %parallel_loop3A_303 = arith.index_cast %parallel_loop3A_184 : i32 to index
        %parallel_loop3A_304 = arith.constant 112 : index
        %parallel_loop3A_305 = tpu.vector_load %arg9[%parallel_loop3A_301, %parallel_loop3A_302, %parallel_loop3A_303, %parallel_loop3A_304] {strides = array<i32>} : memref<2x8x8x128xf32, #tpu.memory_space<vmem>>, vector<16xf32>,
        tpu.vector_store %arg9[%parallel_loop3A_301, %parallel_loop3A_302, %parallel_loop3A_303, %parallel_loop3A_304], %parallel_loop3A_299 {strides = array<i32>} : memref<2x8x8x128xf32, #tpu.memory_space<vmem>>, vector<16xf32>,
      } {sc.loop_unroll_factor = 4 : i64, sc.parallel_access}
      %add3A_51 = arith.constant 0 : i32
      %add3A_52 = arith.addi %add3A_45, %add3A_51 : i32
      %dma_start3A_53 = arith.constant 0 : i32
      %dma_start3A_54 = arith.constant 0 : i32
      %dma_start3A_55 = arith.constant 0 : i32
      %dma_start3A_56 = arith.constant 0 : i32
      %dma_start3A_57 = tpu.memref_slice %arg9[%dma_start3A_53, %dma_start3A_54, %dma_start3A_55, %dma_start3A_56] : memref<2x8x8x128xf32, #tpu.memory_space<vmem>> -> memref<1x8x8x128xf32, #tpu.memory_space<vmem>>
      %dma_start3A_58 = tpu.memref_squeeze %dma_start3A_57 : memref<1x8x8x128xf32, #tpu.memory_space<vmem>> -> memref<8x8x128xf32, #tpu.memory_space<vmem>>
      %dma_start3A_59 = arith.constant 0 : i32
      %dma_start3A_60 = arith.constant 0 : i32
      %dma_start3A_61 = arith.constant 0 : i32
      %dma_start3A_62 = tpu.memref_slice %arg4[%dma_start3A_59, %add3A_52, %dma_start3A_60, %dma_start3A_61] : memref<8x6400x8x128xf32, #tpu.memory_space<hbm>> -> memref<8x1x8x128xf32, #tpu.memory_space<hbm>>
      %dma_start3A_63 = tpu.memref_squeeze %dma_start3A_62 : memref<8x1x8x128xf32, #tpu.memory_space<hbm>> -> memref<8x8x128xf32, #tpu.memory_space<hbm>>
      %dma_start3A_64 = arith.constant 0 : i32
      %dma_start3A_65 = arith.constant 0 : i32
      %dma_start3A_66 = arith.constant 0 : i32
      %dma_start3A_67 = tpu.memref_slice %arg4[%dma_start3A_64, %add3A_52, %dma_start3A_65, %dma_start3A_66] : memref<8x6400x8x128xf32, #tpu.memory_space<hbm>> -> memref<8x1x8x128xf32, #tpu.memory_space<hbm>>
      %dma_start3A_68 = tpu.memref_squeeze %dma_start3A_67 : memref<8x1x8x128xf32, #tpu.memory_space<hbm>> -> memref<8x8x128xf32, #tpu.memory_space<hbm>>
      %dma_start3A_69 = arith.constant 0 : i32
      %dma_start3A_70 = arith.constant 0 : i32
      %dma_start3A_71 = arith.constant 0 : i32
      %dma_start3A_72 = tpu.memref_slice %arg9[%dma_start3A_53, %dma_start3A_69, %dma_start3A_70, %dma_start3A_71] : memref<2x8x8x128xf32, #tpu.memory_space<vmem>> -> memref<1x8x8x128xf32, #tpu.memory_space<vmem>>
      %dma_start3A_73 = tpu.memref_squeeze %dma_start3A_72 : memref<1x8x8x128xf32, #tpu.memory_space<vmem>> -> memref<8x8x128xf32, #tpu.memory_space<vmem>>
      tpu.enqueue_dma source(%dma_start3A_73 : memref<8x8x128xf32, #tpu.memory_space<vmem>>) target(%dma_start3A_68 : memref<8x8x128xf32, #tpu.memory_space<hbm>>) target_semaphore(%arg15 : memref<!tpu.dma_semaphore, #tpu.memory_space<semaphore_mem>>)
      %parallel_loop3A_74 = arith.constant 0 : i32
      %parallel_loop3A_75 = arith.constant 128 : i32
      %parallel_loop3A_76 = arith.constant 1 : i32
      scf.for %parallel_loop3A_180 = %parallel_loop3A_74 to %parallel_loop3A_75 step %parallel_loop3A_76  : i32 {
        %parallel_loop3A_181 = arith.constant 1 : i32
        %parallel_loop3A_182 = arith.index_cast %parallel_loop3A_181 : i32 to index
        %parallel_loop3A_183 = arith.index_cast %parallel_loop3A_180 : i32 to index
        %parallel_loop3A_184 = arith.constant 0 : index
        %parallel_loop3A_185 = tpu.vector_load %arg6[%parallel_loop3A_182, %parallel_loop3A_183, %parallel_loop3A_184] {strides = array<i32>} : memref<2x128x64xf32, #tpu.memory_space<vmem>>, vector<16xf32>,
        %parallel_loop3A_186 = arith.constant 1 : i32
        %parallel_loop3A_187 = arith.index_cast %parallel_loop3A_186 : i32 to index
        %parallel_loop3A_188 = arith.index_cast %parallel_loop3A_180 : i32 to index
        %parallel_loop3A_189 = arith.constant 0 : index
        %parallel_loop3A_190 = tpu.vector_load %arg8[%parallel_loop3A_187, %parallel_loop3A_188, %parallel_loop3A_189] {strides = array<i32>} : memref<2x128x65xf32, #tpu.memory_space<vmem>>, vector<16xf32>,
        tpu.vector_store %arg8[%parallel_loop3A_187, %parallel_loop3A_188, %parallel_loop3A_189], %parallel_loop3A_185 {strides = array<i32>} : memref<2x128x65xf32, #tpu.memory_space<vmem>>, vector<16xf32>,
        %parallel_loop3A_191 = arith.constant 1 : i32
        %parallel_loop3A_192 = arith.index_cast %parallel_loop3A_191 : i32 to index
        %parallel_loop3A_193 = arith.index_cast %parallel_loop3A_180 : i32 to index
        %parallel_loop3A_194 = arith.constant 16 : index
        %parallel_loop3A_195 = tpu.vector_load %arg6[%parallel_loop3A_192, %parallel_loop3A_193, %parallel_loop3A_194] {strides = array<i32>} : memref<2x128x64xf32, #tpu.memory_space<vmem>>, vector<16xf32>,
        %parallel_loop3A_196 = arith.constant 1 : i32
        %parallel_loop3A_197 = arith.index_cast %parallel_loop3A_196 : i32 to index
        %parallel_loop3A_198 = arith.index_cast %parallel_loop3A_180 : i32 to index
        %parallel_loop3A_199 = arith.constant 16 : index
        %parallel_loop3A_200 = tpu.vector_load %arg8[%parallel_loop3A_197, %parallel_loop3A_198, %parallel_loop3A_199] {strides = array<i32>} : memref<2x128x65xf32, #tpu.memory_space<vmem>>, vector<16xf32>,
        tpu.vector_store %arg8[%parallel_loop3A_197, %parallel_loop3A_198, %parallel_loop3A_199], %parallel_loop3A_195 {strides = array<i32>} : memref<2x128x65xf32, #tpu.memory_space<vmem>>, vector<16xf32>,
        %parallel_loop3A_201 = arith.constant 1 : i32
        %parallel_loop3A_202 = arith.index_cast %parallel_loop3A_201 : i32 to index
        %parallel_loop3A_203 = arith.index_cast %parallel_loop3A_180 : i32 to index
        %parallel_loop3A_204 = arith.constant 32 : index
        %parallel_loop3A_205 = tpu.vector_load %arg6[%parallel_loop3A_202, %parallel_loop3A_203, %parallel_loop3A_204] {strides = array<i32>} : memref<2x128x64xf32, #tpu.memory_space<vmem>>, vector<16xf32>,
        %parallel_loop3A_206 = arith.constant 1 : i32
        %parallel_loop3A_207 = arith.index_cast %parallel_loop3A_206 : i32 to index
        %parallel_loop3A_208 = arith.index_cast %parallel_loop3A_180 : i32 to index
        %parallel_loop3A_209 = arith.constant 32 : index
        %parallel_loop3A_210 = tpu.vector_load %arg8[%parallel_loop3A_207, %parallel_loop3A_208, %parallel_loop3A_209] {strides = array<i32>} : memref<2x128x65xf32, #tpu.memory_space<vmem>>, vector<16xf32>,
        tpu.vector_store %arg8[%parallel_loop3A_207, %parallel_loop3A_208, %parallel_loop3A_209], %parallel_loop3A_205 {strides = array<i32>} : memref<2x128x65xf32, #tpu.memory_space<vmem>>, vector<16xf32>,
        %parallel_loop3A_211 = arith.constant 1 : i32
        %parallel_loop3A_212 = arith.index_cast %parallel_loop3A_211 : i32 to index
        %parallel_loop3A_213 = arith.index_cast %parallel_loop3A_180 : i32 to index
        %parallel_loop3A_214 = arith.constant 48 : index
        %parallel_loop3A_215 = tpu.vector_load %arg6[%parallel_loop3A_212, %parallel_loop3A_213, %parallel_loop3A_214] {strides = array<i32>} : memref<2x128x64xf32, #tpu.memory_space<vmem>>, vector<16xf32>,
        %parallel_loop3A_216 = arith.constant 1 : i32
        %parallel_loop3A_217 = arith.index_cast %parallel_loop3A_216 : i32 to index
        %parallel_loop3A_218 = arith.index_cast %parallel_loop3A_180 : i32 to index
        %parallel_loop3A_219 = arith.constant 48 : index
        %parallel_loop3A_220 = tpu.vector_load %arg8[%parallel_loop3A_217, %parallel_loop3A_218, %parallel_loop3A_219] {strides = array<i32>} : memref<2x128x65xf32, #tpu.memory_space<vmem>>, vector<16xf32>,
        tpu.vector_store %arg8[%parallel_loop3A_217, %parallel_loop3A_218, %parallel_loop3A_219], %parallel_loop3A_215 {strides = array<i32>} : memref<2x128x65xf32, #tpu.memory_space<vmem>>, vector<16xf32>,
      } {sc.loop_unroll_factor = 8 : i64, sc.parallel_access}
      %parallel_loop3A_77 = arith.constant 0 : i32
      %parallel_loop3A_78 = arith.constant 64 : i32
      %parallel_loop3A_79 = arith.constant 1 : i32
      scf.for %parallel_loop3A_180 = %parallel_loop3A_77 to %parallel_loop3A_78 step %parallel_loop3A_79  : i32 {
        %parallel_loop3A_181 = arith.constant 3 : i32
        %parallel_loop3A_182 = arith.shrsi %parallel_loop3A_180, %parallel_loop3A_181 : i32
        %parallel_loop3A_183 = arith.constant 7 : i32
        %parallel_loop3A_184 = arith.andi %parallel_loop3A_180, %parallel_loop3A_183 : i32
        %parallel_loop3A_185 = vector.broadcast %parallel_loop3A_180 : i32 to vector<16xi32>
        %parallel_loop3A_186 = arith.constant 0 : i32
        %parallel_loop3A_187 = vector.broadcast %parallel_loop3A_186 : i32 to vector<16xi32>
        %parallel_loop3A_188 = arith.addi %parallel_loop3A_187, %iota3A : vector<16xi32>
        %parallel_loop3A_189 = arith.constant 1 : i32
        %parallel_loop3A_190 = arith.constant 0 : i32
        %parallel_loop3A_191 = arith.constant 0 : i32
        %parallel_loop3A_192 = tpu.memref_slice %arg8[%parallel_loop3A_189, %parallel_loop3A_190, %parallel_loop3A_191] : memref<2x128x65xf32, #tpu.memory_space<vmem>> -> memref<1x128x65xf32, #tpu.memory_space<vmem>>
        %parallel_loop3A_193 = tpu.memref_squeeze %parallel_loop3A_192 : memref<1x128x65xf32, #tpu.memory_space<vmem>> -> memref<128x65xf32, #tpu.memory_space<vmem>>
        %parallel_loop3A_194 = tpu.vector_load_idx %parallel_loop3A_193[%parallel_loop3A_188, %parallel_loop3A_185] : memref<128x65xf32, #tpu.memory_space<vmem>>[vector<16xi32>, vector<16xi32>], vector<16xf32>,
        %parallel_loop3A_195 = arith.constant 1 : i32
        %parallel_loop3A_196 = arith.index_cast %parallel_loop3A_195 : i32 to index
        %parallel_loop3A_197 = arith.index_cast %parallel_loop3A_182 : i32 to index
        %parallel_loop3A_198 = arith.index_cast %parallel_loop3A_184 : i32 to index
        %parallel_loop3A_199 = arith.constant 0 : index
        %parallel_loop3A_200 = tpu.vector_load %arg9[%parallel_loop3A_196, %parallel_loop3A_197, %parallel_loop3A_198, %parallel_loop3A_199] {strides = array<i32>} : memref<2x8x8x128xf32, #tpu.memory_space<vmem>>, vector<16xf32>,
        tpu.vector_store %arg9[%parallel_loop3A_196, %parallel_loop3A_197, %parallel_loop3A_198, %parallel_loop3A_199], %parallel_loop3A_194 {strides = array<i32>} : memref<2x8x8x128xf32, #tpu.memory_space<vmem>>, vector<16xf32>,
        %parallel_loop3A_201 = arith.constant 16 : i32
        %parallel_loop3A_202 = vector.broadcast %parallel_loop3A_201 : i32 to vector<16xi32>
        %parallel_loop3A_203 = arith.addi %parallel_loop3A_202, %iota3A : vector<16xi32>
        %parallel_loop3A_204 = arith.constant 1 : i32
        %parallel_loop3A_205 = arith.constant 0 : i32
        %parallel_loop3A_206 = arith.constant 0 : i32
        %parallel_loop3A_207 = tpu.memref_slice %arg8[%parallel_loop3A_204, %parallel_loop3A_205, %parallel_loop3A_206] : memref<2x128x65xf32, #tpu.memory_space<vmem>> -> memref<1x128x65xf32, #tpu.memory_space<vmem>>
        %parallel_loop3A_208 = tpu.memref_squeeze %parallel_loop3A_207 : memref<1x128x65xf32, #tpu.memory_space<vmem>> -> memref<128x65xf32, #tpu.memory_space<vmem>>
        %parallel_loop3A_209 = tpu.vector_load_idx %parallel_loop3A_208[%parallel_loop3A_203, %parallel_loop3A_185] : memref<128x65xf32, #tpu.memory_space<vmem>>[vector<16xi32>, vector<16xi32>], vector<16xf32>,
        %parallel_loop3A_210 = arith.constant 1 : i32
        %parallel_loop3A_211 = arith.index_cast %parallel_loop3A_210 : i32 to index
        %parallel_loop3A_212 = arith.index_cast %parallel_loop3A_182 : i32 to index
        %parallel_loop3A_213 = arith.index_cast %parallel_loop3A_184 : i32 to index
        %parallel_loop3A_214 = arith.constant 16 : index
        %parallel_loop3A_215 = tpu.vector_load %arg9[%parallel_loop3A_211, %parallel_loop3A_212, %parallel_loop3A_213, %parallel_loop3A_214] {strides = array<i32>} : memref<2x8x8x128xf32, #tpu.memory_space<vmem>>, vector<16xf32>,
        tpu.vector_store %arg9[%parallel_loop3A_211, %parallel_loop3A_212, %parallel_loop3A_213, %parallel_loop3A_214], %parallel_loop3A_209 {strides = array<i32>} : memref<2x8x8x128xf32, #tpu.memory_space<vmem>>, vector<16xf32>,
        %parallel_loop3A_216 = arith.constant 32 : i32
        %parallel_loop3A_217 = vector.broadcast %parallel_loop3A_216 : i32 to vector<16xi32>
        %parallel_loop3A_218 = arith.addi %parallel_loop3A_217, %iota3A : vector<16xi32>
        %parallel_loop3A_219 = arith.constant 1 : i32
        %parallel_loop3A_220 = arith.constant 0 : i32
        %parallel_loop3A_221 = arith.constant 0 : i32
        %parallel_loop3A_222 = tpu.memref_slice %arg8[%parallel_loop3A_219, %parallel_loop3A_220, %parallel_loop3A_221] : memref<2x128x65xf32, #tpu.memory_space<vmem>> -> memref<1x128x65xf32, #tpu.memory_space<vmem>>
        %parallel_loop3A_223 = tpu.memref_squeeze %parallel_loop3A_222 : memref<1x128x65xf32, #tpu.memory_space<vmem>> -> memref<128x65xf32, #tpu.memory_space<vmem>>
        %parallel_loop3A_224 = tpu.vector_load_idx %parallel_loop3A_223[%parallel_loop3A_218, %parallel_loop3A_185] : memref<128x65xf32, #tpu.memory_space<vmem>>[vector<16xi32>, vector<16xi32>], vector<16xf32>,
        %parallel_loop3A_225 = arith.constant 1 : i32
        %parallel_loop3A_226 = arith.index_cast %parallel_loop3A_225 : i32 to index
        %parallel_loop3A_227 = arith.index_cast %parallel_loop3A_182 : i32 to index
        %parallel_loop3A_228 = arith.index_cast %parallel_loop3A_184 : i32 to index
        %parallel_loop3A_229 = arith.constant 32 : index
        %parallel_loop3A_230 = tpu.vector_load %arg9[%parallel_loop3A_226, %parallel_loop3A_227, %parallel_loop3A_228, %parallel_loop3A_229] {strides = array<i32>} : memref<2x8x8x128xf32, #tpu.memory_space<vmem>>, vector<16xf32>,
        tpu.vector_store %arg9[%parallel_loop3A_226, %parallel_loop3A_227, %parallel_loop3A_228, %parallel_loop3A_229], %parallel_loop3A_224 {strides = array<i32>} : memref<2x8x8x128xf32, #tpu.memory_space<vmem>>, vector<16xf32>,
        %parallel_loop3A_231 = arith.constant 48 : i32
        %parallel_loop3A_232 = vector.broadcast %parallel_loop3A_231 : i32 to vector<16xi32>
        %parallel_loop3A_233 = arith.addi %parallel_loop3A_232, %iota3A : vector<16xi32>
        %parallel_loop3A_234 = arith.constant 1 : i32
        %parallel_loop3A_235 = arith.constant 0 : i32
        %parallel_loop3A_236 = arith.constant 0 : i32
        %parallel_loop3A_237 = tpu.memref_slice %arg8[%parallel_loop3A_234, %parallel_loop3A_235, %parallel_loop3A_236] : memref<2x128x65xf32, #tpu.memory_space<vmem>> -> memref<1x128x65xf32, #tpu.memory_space<vmem>>
        %parallel_loop3A_238 = tpu.memref_squeeze %parallel_loop3A_237 : memref<1x128x65xf32, #tpu.memory_space<vmem>> -> memref<128x65xf32, #tpu.memory_space<vmem>>
        %parallel_loop3A_239 = tpu.vector_load_idx %parallel_loop3A_238[%parallel_loop3A_233, %parallel_loop3A_185] : memref<128x65xf32, #tpu.memory_space<vmem>>[vector<16xi32>, vector<16xi32>], vector<16xf32>,
        %parallel_loop3A_240 = arith.constant 1 : i32
        %parallel_loop3A_241 = arith.index_cast %parallel_loop3A_240 : i32 to index
        %parallel_loop3A_242 = arith.index_cast %parallel_loop3A_182 : i32 to index
        %parallel_loop3A_243 = arith.index_cast %parallel_loop3A_184 : i32 to index
        %parallel_loop3A_244 = arith.constant 48 : index
        %parallel_loop3A_245 = tpu.vector_load %arg9[%parallel_loop3A_241, %parallel_loop3A_242, %parallel_loop3A_243, %parallel_loop3A_244] {strides = array<i32>} : memref<2x8x8x128xf32, #tpu.memory_space<vmem>>, vector<16xf32>,
        tpu.vector_store %arg9[%parallel_loop3A_241, %parallel_loop3A_242, %parallel_loop3A_243, %parallel_loop3A_244], %parallel_loop3A_239 {strides = array<i32>} : memref<2x8x8x128xf32, #tpu.memory_space<vmem>>, vector<16xf32>,
        %parallel_loop3A_246 = arith.constant 64 : i32
        %parallel_loop3A_247 = vector.broadcast %parallel_loop3A_246 : i32 to vector<16xi32>
        %parallel_loop3A_248 = arith.addi %parallel_loop3A_247, %iota3A : vector<16xi32>
        %parallel_loop3A_249 = arith.constant 1 : i32
        %parallel_loop3A_250 = arith.constant 0 : i32
        %parallel_loop3A_251 = arith.constant 0 : i32
        %parallel_loop3A_252 = tpu.memref_slice %arg8[%parallel_loop3A_249, %parallel_loop3A_250, %parallel_loop3A_251] : memref<2x128x65xf32, #tpu.memory_space<vmem>> -> memref<1x128x65xf32, #tpu.memory_space<vmem>>
        %parallel_loop3A_253 = tpu.memref_squeeze %parallel_loop3A_252 : memref<1x128x65xf32, #tpu.memory_space<vmem>> -> memref<128x65xf32, #tpu.memory_space<vmem>>
        %parallel_loop3A_254 = tpu.vector_load_idx %parallel_loop3A_253[%parallel_loop3A_248, %parallel_loop3A_185] : memref<128x65xf32, #tpu.memory_space<vmem>>[vector<16xi32>, vector<16xi32>], vector<16xf32>,
        %parallel_loop3A_255 = arith.constant 1 : i32
        %parallel_loop3A_256 = arith.index_cast %parallel_loop3A_255 : i32 to index
        %parallel_loop3A_257 = arith.index_cast %parallel_loop3A_182 : i32 to index
        %parallel_loop3A_258 = arith.index_cast %parallel_loop3A_184 : i32 to index
        %parallel_loop3A_259 = arith.constant 64 : index
        %parallel_loop3A_260 = tpu.vector_load %arg9[%parallel_loop3A_256, %parallel_loop3A_257, %parallel_loop3A_258, %parallel_loop3A_259] {strides = array<i32>} : memref<2x8x8x128xf32, #tpu.memory_space<vmem>>, vector<16xf32>,
        tpu.vector_store %arg9[%parallel_loop3A_256, %parallel_loop3A_257, %parallel_loop3A_258, %parallel_loop3A_259], %parallel_loop3A_254 {strides = array<i32>} : memref<2x8x8x128xf32, #tpu.memory_space<vmem>>, vector<16xf32>,
        %parallel_loop3A_261 = arith.constant 80 : i32
        %parallel_loop3A_262 = vector.broadcast %parallel_loop3A_261 : i32 to vector<16xi32>
        %parallel_loop3A_263 = arith.addi %parallel_loop3A_262, %iota3A : vector<16xi32>
        %parallel_loop3A_264 = arith.constant 1 : i32
        %parallel_loop3A_265 = arith.constant 0 : i32
        %parallel_loop3A_266 = arith.constant 0 : i32
        %parallel_loop3A_267 = tpu.memref_slice %arg8[%parallel_loop3A_264, %parallel_loop3A_265, %parallel_loop3A_266] : memref<2x128x65xf32, #tpu.memory_space<vmem>> -> memref<1x128x65xf32, #tpu.memory_space<vmem>>
        %parallel_loop3A_268 = tpu.memref_squeeze %parallel_loop3A_267 : memref<1x128x65xf32, #tpu.memory_space<vmem>> -> memref<128x65xf32, #tpu.memory_space<vmem>>
        %parallel_loop3A_269 = tpu.vector_load_idx %parallel_loop3A_268[%parallel_loop3A_263, %parallel_loop3A_185] : memref<128x65xf32, #tpu.memory_space<vmem>>[vector<16xi32>, vector<16xi32>], vector<16xf32>,
        %parallel_loop3A_270 = arith.constant 1 : i32
        %parallel_loop3A_271 = arith.index_cast %parallel_loop3A_270 : i32 to index
        %parallel_loop3A_272 = arith.index_cast %parallel_loop3A_182 : i32 to index
        %parallel_loop3A_273 = arith.index_cast %parallel_loop3A_184 : i32 to index
        %parallel_loop3A_274 = arith.constant 80 : index
        %parallel_loop3A_275 = tpu.vector_load %arg9[%parallel_loop3A_271, %parallel_loop3A_272, %parallel_loop3A_273, %parallel_loop3A_274] {strides = array<i32>} : memref<2x8x8x128xf32, #tpu.memory_space<vmem>>, vector<16xf32>,
        tpu.vector_store %arg9[%parallel_loop3A_271, %parallel_loop3A_272, %parallel_loop3A_273, %parallel_loop3A_274], %parallel_loop3A_269 {strides = array<i32>} : memref<2x8x8x128xf32, #tpu.memory_space<vmem>>, vector<16xf32>,
        %parallel_loop3A_276 = arith.constant 96 : i32
        %parallel_loop3A_277 = vector.broadcast %parallel_loop3A_276 : i32 to vector<16xi32>
        %parallel_loop3A_278 = arith.addi %parallel_loop3A_277, %iota3A : vector<16xi32>
        %parallel_loop3A_279 = arith.constant 1 : i32
        %parallel_loop3A_280 = arith.constant 0 : i32
        %parallel_loop3A_281 = arith.constant 0 : i32
        %parallel_loop3A_282 = tpu.memref_slice %arg8[%parallel_loop3A_279, %parallel_loop3A_280, %parallel_loop3A_281] : memref<2x128x65xf32, #tpu.memory_space<vmem>> -> memref<1x128x65xf32, #tpu.memory_space<vmem>>
        %parallel_loop3A_283 = tpu.memref_squeeze %parallel_loop3A_282 : memref<1x128x65xf32, #tpu.memory_space<vmem>> -> memref<128x65xf32, #tpu.memory_space<vmem>>
        %parallel_loop3A_284 = tpu.vector_load_idx %parallel_loop3A_283[%parallel_loop3A_278, %parallel_loop3A_185] : memref<128x65xf32, #tpu.memory_space<vmem>>[vector<16xi32>, vector<16xi32>], vector<16xf32>,
        %parallel_loop3A_285 = arith.constant 1 : i32
        %parallel_loop3A_286 = arith.index_cast %parallel_loop3A_285 : i32 to index
        %parallel_loop3A_287 = arith.index_cast %parallel_loop3A_182 : i32 to index
        %parallel_loop3A_288 = arith.index_cast %parallel_loop3A_184 : i32 to index
        %parallel_loop3A_289 = arith.constant 96 : index
        %parallel_loop3A_290 = tpu.vector_load %arg9[%parallel_loop3A_286, %parallel_loop3A_287, %parallel_loop3A_288, %parallel_loop3A_289] {strides = array<i32>} : memref<2x8x8x128xf32, #tpu.memory_space<vmem>>, vector<16xf32>,
        tpu.vector_store %arg9[%parallel_loop3A_286, %parallel_loop3A_287, %parallel_loop3A_288, %parallel_loop3A_289], %parallel_loop3A_284 {strides = array<i32>} : memref<2x8x8x128xf32, #tpu.memory_space<vmem>>, vector<16xf32>,
        %parallel_loop3A_291 = arith.constant 112 : i32
        %parallel_loop3A_292 = vector.broadcast %parallel_loop3A_291 : i32 to vector<16xi32>
        %parallel_loop3A_293 = arith.addi %parallel_loop3A_292, %iota3A : vector<16xi32>
        %parallel_loop3A_294 = arith.constant 1 : i32
        %parallel_loop3A_295 = arith.constant 0 : i32
        %parallel_loop3A_296 = arith.constant 0 : i32
        %parallel_loop3A_297 = tpu.memref_slice %arg8[%parallel_loop3A_294, %parallel_loop3A_295, %parallel_loop3A_296] : memref<2x128x65xf32, #tpu.memory_space<vmem>> -> memref<1x128x65xf32, #tpu.memory_space<vmem>>
        %parallel_loop3A_298 = tpu.memref_squeeze %parallel_loop3A_297 : memref<1x128x65xf32, #tpu.memory_space<vmem>> -> memref<128x65xf32, #tpu.memory_space<vmem>>
        %parallel_loop3A_299 = tpu.vector_load_idx %parallel_loop3A_298[%parallel_loop3A_293, %parallel_loop3A_185] : memref<128x65xf32, #tpu.memory_space<vmem>>[vector<16xi32>, vector<16xi32>], vector<16xf32>,
        %parallel_loop3A_300 = arith.constant 1 : i32
        %parallel_loop3A_301 = arith.index_cast %parallel_loop3A_300 : i32 to index
        %parallel_loop3A_302 = arith.index_cast %parallel_loop3A_182 : i32 to index
        %parallel_loop3A_303 = arith.index_cast %parallel_loop3A_184 : i32 to index
        %parallel_loop3A_304 = arith.constant 112 : index
        %parallel_loop3A_305 = tpu.vector_load %arg9[%parallel_loop3A_301, %parallel_loop3A_302, %parallel_loop3A_303, %parallel_loop3A_304] {strides = array<i32>} : memref<2x8x8x128xf32, #tpu.memory_space<vmem>>, vector<16xf32>,
        tpu.vector_store %arg9[%parallel_loop3A_301, %parallel_loop3A_302, %parallel_loop3A_303, %parallel_loop3A_304], %parallel_loop3A_299 {strides = array<i32>} : memref<2x8x8x128xf32, #tpu.memory_space<vmem>>, vector<16xf32>,
      } {sc.loop_unroll_factor = 4 : i64, sc.parallel_access}
      %add3A_80 = arith.constant 1 : i32
      %add3A_81 = arith.addi %add3A_45, %add3A_80 : i32
      %dma_start3A_82 = arith.constant 1 : i32
      %dma_start3A_83 = arith.constant 0 : i32
      %dma_start3A_84 = arith.constant 0 : i32
      %dma_start3A_85 = arith.constant 0 : i32
      %dma_start3A_86 = tpu.memref_slice %arg9[%dma_start3A_82, %dma_start3A_83, %dma_start3A_84, %dma_start3A_85] : memref<2x8x8x128xf32, #tpu.memory_space<vmem>> -> memref<1x8x8x128xf32, #tpu.memory_space<vmem>>
      %dma_start3A_87 = tpu.memref_squeeze %dma_start3A_86 : memref<1x8x8x128xf32, #tpu.memory_space<vmem>> -> memref<8x8x128xf32, #tpu.memory_space<vmem>>
      %dma_start3A_88 = arith.constant 0 : i32
      %dma_start3A_89 = arith.constant 0 : i32
      %dma_start3A_90 = arith.constant 0 : i32
      %dma_start3A_91 = tpu.memref_slice %arg4[%dma_start3A_88, %add3A_81, %dma_start3A_89, %dma_start3A_90] : memref<8x6400x8x128xf32, #tpu.memory_space<hbm>> -> memref<8x1x8x128xf32, #tpu.memory_space<hbm>>
      %dma_start3A_92 = tpu.memref_squeeze %dma_start3A_91 : memref<8x1x8x128xf32, #tpu.memory_space<hbm>> -> memref<8x8x128xf32, #tpu.memory_space<hbm>>
      %dma_start3A_93 = arith.constant 0 : i32
      %dma_start3A_94 = arith.constant 0 : i32
      %dma_start3A_95 = arith.constant 0 : i32
      %dma_start3A_96 = tpu.memref_slice %arg4[%dma_start3A_93, %add3A_81, %dma_start3A_94, %dma_start3A_95] : memref<8x6400x8x128xf32, #tpu.memory_space<hbm>> -> memref<8x1x8x128xf32, #tpu.memory_space<hbm>>
      %dma_start3A_97 = tpu.memref_squeeze %dma_start3A_96 : memref<8x1x8x128xf32, #tpu.memory_space<hbm>> -> memref<8x8x128xf32, #tpu.memory_space<hbm>>
      %dma_start3A_98 = arith.constant 0 : i32
      %dma_start3A_99 = arith.constant 0 : i32
      %dma_start3A_100 = arith.constant 0 : i32
      %dma_start3A_101 = tpu.memref_slice %arg9[%dma_start3A_82, %dma_start3A_98, %dma_start3A_99, %dma_start3A_100] : memref<2x8x8x128xf32, #tpu.memory_space<vmem>> -> memref<1x8x8x128xf32, #tpu.memory_space<vmem>>
      %dma_start3A_102 = tpu.memref_squeeze %dma_start3A_101 : memref<1x8x8x128xf32, #tpu.memory_space<vmem>> -> memref<8x8x128xf32, #tpu.memory_space<vmem>>
      tpu.enqueue_dma source(%dma_start3A_102 : memref<8x8x128xf32, #tpu.memory_space<vmem>>) target(%dma_start3A_97 : memref<8x8x128xf32, #tpu.memory_space<hbm>>) target_semaphore(%arg15 : memref<!tpu.dma_semaphore, #tpu.memory_space<semaphore_mem>>)
      %add3A_103 = arith.constant 1 : i32
      %add3A_104 = arith.addi %add3A_30, %add3A_103 : i32
      %add3A_105 = arith.constant 1 : i32
      %add3A_106 = arith.addi %add3A_104, %add3A_105 : i32
      %lt3A_107 = arith.constant 100 : i32
      %lt3A_108 = arith.cmpi slt, %add3A_106, %lt3A_107 : i32
      %convert_element_type3A_109 = arith.extui %lt3A_108 : i1 to i32
      %cond3A_110 = arith.constant 0 : i32
      %cond3A_111 = arith.cmpi ne, %convert_element_type3A_109, %cond3A_110 : i32
      scf.if %cond3A_111 {
        %add3A_180 = arith.constant 1 : i32
        %add3A_181 = arith.addi %add3A_104, %add3A_180 : i32
        %mul3A_182 = arith.constant 256 : i32
        %mul3A_183 = arith.muli %add3A_181, %mul3A_182 : i32
        %add3A_184 = arith.constant 0 : i32
        %add3A_185 = arith.addi %mul3A_183, %add3A_184 : i32
        %dma_start3A_186 = arith.constant 0 : i32
        %dma_start3A_187 = arith.constant 0 : i32
        %dma_start3A_188 = arith.constant 0 : i32
        %dma_start3A_189 = tpu.memref_slice %arg6[%dma_start3A_186, %dma_start3A_187, %dma_start3A_188] : memref<2x128x64xf32, #tpu.memory_space<vmem>> -> memref<1x128x64xf32, #tpu.memory_space<vmem>>
        %dma_start3A_190 = tpu.memref_squeeze %dma_start3A_189 : memref<1x128x64xf32, #tpu.memory_space<vmem>> -> memref<128x64xf32, #tpu.memory_space<vmem>>
        %dma_start3A_191 = tpu.memref_slice %arg5[%add3A_185] : memref<25600xi32, #tpu.memory_space<vmem>> -> memref<128xi32, #tpu.memory_space<vmem>>
        %dma_start3A_192 = arith.constant 0 : i32
        %dma_start3A_193 = arith.constant 0 : i32
        %dma_start3A_194 = tpu.memref_slice %arg3[%dma_start3A_192, %dma_start3A_193] : memref<100001x64xf32, #tpu.memory_space<hbm>> -> memref<100001x64xf32, #tpu.memory_space<hbm>>
        tpu.enqueue_indirect_dma source(%dma_start3A_194 : memref<100001x64xf32, #tpu.memory_space<hbm>>) target(%dma_start3A_190 : memref<128x64xf32, #tpu.memory_space<vmem>>) offsets(%dma_start3A_191 : memref<128xi32, #tpu.memory_space<vmem>>) semaphore(%arg13 : memref<!tpu.dma_semaphore, #tpu.memory_space<semaphore_mem>>)
        %mul3A_195 = arith.constant 256 : i32
        %mul3A_196 = arith.muli %add3A_181, %mul3A_195 : i32
        %add3A_197 = arith.constant 128 : i32
        %add3A_198 = arith.addi %mul3A_196, %add3A_197 : i32
        %dma_start3A_199 = arith.constant 1 : i32
        %dma_start3A_200 = arith.constant 0 : i32
        %dma_start3A_201 = arith.constant 0 : i32
        %dma_start3A_202 = tpu.memref_slice %arg6[%dma_start3A_199, %dma_start3A_200, %dma_start3A_201] : memref<2x128x64xf32, #tpu.memory_space<vmem>> -> memref<1x128x64xf32, #tpu.memory_space<vmem>>
        %dma_start3A_203 = tpu.memref_squeeze %dma_start3A_202 : memref<1x128x64xf32, #tpu.memory_space<vmem>> -> memref<128x64xf32, #tpu.memory_space<vmem>>
        %dma_start3A_204 = tpu.memref_slice %arg5[%add3A_198] : memref<25600xi32, #tpu.memory_space<vmem>> -> memref<128xi32, #tpu.memory_space<vmem>>
        %dma_start3A_205 = arith.constant 0 : i32
        %dma_start3A_206 = arith.constant 0 : i32
        %dma_start3A_207 = tpu.memref_slice %arg3[%dma_start3A_205, %dma_start3A_206] : memref<100001x64xf32, #tpu.memory_space<hbm>> -> memref<100001x64xf32, #tpu.memory_space<hbm>>
        tpu.enqueue_indirect_dma source(%dma_start3A_207 : memref<100001x64xf32, #tpu.memory_space<hbm>>) target(%dma_start3A_203 : memref<128x64xf32, #tpu.memory_space<vmem>>) offsets(%dma_start3A_204 : memref<128xi32, #tpu.memory_space<vmem>>) semaphore(%arg13 : memref<!tpu.dma_semaphore, #tpu.memory_space<semaphore_mem>>)
      } else {
      }
      tpu.wait_dma2 semaphore(%arg14 : memref<!tpu.dma_semaphore, #tpu.memory_space<semaphore_mem>>) src(%arg11 : memref<2x128x64xf32, #tpu.memory_space<hbm>>) dst(%arg7 : memref<2x128x64xf32, #tpu.memory_space<vmem>>)
      %ge3A_112 = arith.constant 2 : i32
      %ge3A_113 = arith.cmpi sge, %add3A_104, %ge3A_112 : i32
      %convert_element_type3A_114 = arith.extui %ge3A_113 : i1 to i32
      %cond3A_115 = arith.constant 0 : i32
      %cond3A_116 = arith.cmpi ne, %convert_element_type3A_114, %cond3A_115 : i32
      scf.if %cond3A_116 {
        tpu.wait_dma2 semaphore(%arg16 : memref<!tpu.dma_semaphore, #tpu.memory_space<semaphore_mem>>) src(%arg12 : memref<2x8x8x128xf32, #tpu.memory_space<hbm>>) dst(%arg10 : memref<2x8x8x128xf32, #tpu.memory_space<vmem>>)
      } else {
      }
      %mul3A_117 = arith.constant 200 : i32
      %mul3A_118 = arith.muli %add3A, %mul3A_117 : i32
      %mul3A_119 = arith.constant 2 : i32
      %mul3A_120 = arith.muli %add3A_104, %mul3A_119 : i32
      %add3A_121 = arith.addi %mul3A_118, %mul3A_120 : i32
      %parallel_loop3A_122 = arith.constant 0 : i32
      %parallel_loop3A_123 = arith.constant 128 : i32
      %parallel_loop3A_124 = arith.constant 1 : i32
      scf.for %parallel_loop3A_180 = %parallel_loop3A_122 to %parallel_loop3A_123 step %parallel_loop3A_124  : i32 {
        %parallel_loop3A_181 = arith.constant 0 : i32
        %parallel_loop3A_182 = arith.index_cast %parallel_loop3A_181 : i32 to index
        %parallel_loop3A_183 = arith.index_cast %parallel_loop3A_180 : i32 to index
        %parallel_loop3A_184 = arith.constant 0 : index
        %parallel_loop3A_185 = tpu.vector_load %arg7[%parallel_loop3A_182, %parallel_loop3A_183, %parallel_loop3A_184] {strides = array<i32>} : memref<2x128x64xf32, #tpu.memory_space<vmem>>, vector<16xf32>,
        %parallel_loop3A_186 = arith.constant 0 : i32
        %parallel_loop3A_187 = arith.index_cast %parallel_loop3A_186 : i32 to index
        %parallel_loop3A_188 = arith.index_cast %parallel_loop3A_180 : i32 to index
        %parallel_loop3A_189 = arith.constant 0 : index
        %parallel_loop3A_190 = tpu.vector_load %arg8[%parallel_loop3A_187, %parallel_loop3A_188, %parallel_loop3A_189] {strides = array<i32>} : memref<2x128x65xf32, #tpu.memory_space<vmem>>, vector<16xf32>,
        tpu.vector_store %arg8[%parallel_loop3A_187, %parallel_loop3A_188, %parallel_loop3A_189], %parallel_loop3A_185 {strides = array<i32>} : memref<2x128x65xf32, #tpu.memory_space<vmem>>, vector<16xf32>,
        %parallel_loop3A_191 = arith.constant 0 : i32
        %parallel_loop3A_192 = arith.index_cast %parallel_loop3A_191 : i32 to index
        %parallel_loop3A_193 = arith.index_cast %parallel_loop3A_180 : i32 to index
        %parallel_loop3A_194 = arith.constant 16 : index
        %parallel_loop3A_195 = tpu.vector_load %arg7[%parallel_loop3A_192, %parallel_loop3A_193, %parallel_loop3A_194] {strides = array<i32>} : memref<2x128x64xf32, #tpu.memory_space<vmem>>, vector<16xf32>,
        %parallel_loop3A_196 = arith.constant 0 : i32
        %parallel_loop3A_197 = arith.index_cast %parallel_loop3A_196 : i32 to index
        %parallel_loop3A_198 = arith.index_cast %parallel_loop3A_180 : i32 to index
        %parallel_loop3A_199 = arith.constant 16 : index
        %parallel_loop3A_200 = tpu.vector_load %arg8[%parallel_loop3A_197, %parallel_loop3A_198, %parallel_loop3A_199] {strides = array<i32>} : memref<2x128x65xf32, #tpu.memory_space<vmem>>, vector<16xf32>,
        tpu.vector_store %arg8[%parallel_loop3A_197, %parallel_loop3A_198, %parallel_loop3A_199], %parallel_loop3A_195 {strides = array<i32>} : memref<2x128x65xf32, #tpu.memory_space<vmem>>, vector<16xf32>,
        %parallel_loop3A_201 = arith.constant 0 : i32
        %parallel_loop3A_202 = arith.index_cast %parallel_loop3A_201 : i32 to index
        %parallel_loop3A_203 = arith.index_cast %parallel_loop3A_180 : i32 to index
        %parallel_loop3A_204 = arith.constant 32 : index
        %parallel_loop3A_205 = tpu.vector_load %arg7[%parallel_loop3A_202, %parallel_loop3A_203, %parallel_loop3A_204] {strides = array<i32>} : memref<2x128x64xf32, #tpu.memory_space<vmem>>, vector<16xf32>,
        %parallel_loop3A_206 = arith.constant 0 : i32
        %parallel_loop3A_207 = arith.index_cast %parallel_loop3A_206 : i32 to index
        %parallel_loop3A_208 = arith.index_cast %parallel_loop3A_180 : i32 to index
        %parallel_loop3A_209 = arith.constant 32 : index
        %parallel_loop3A_210 = tpu.vector_load %arg8[%parallel_loop3A_207, %parallel_loop3A_208, %parallel_loop3A_209] {strides = array<i32>} : memref<2x128x65xf32, #tpu.memory_space<vmem>>, vector<16xf32>,
        tpu.vector_store %arg8[%parallel_loop3A_207, %parallel_loop3A_208, %parallel_loop3A_209], %parallel_loop3A_205 {strides = array<i32>} : memref<2x128x65xf32, #tpu.memory_space<vmem>>, vector<16xf32>,
        %parallel_loop3A_211 = arith.constant 0 : i32
        %parallel_loop3A_212 = arith.index_cast %parallel_loop3A_211 : i32 to index
        %parallel_loop3A_213 = arith.index_cast %parallel_loop3A_180 : i32 to index
        %parallel_loop3A_214 = arith.constant 48 : index
        %parallel_loop3A_215 = tpu.vector_load %arg7[%parallel_loop3A_212, %parallel_loop3A_213, %parallel_loop3A_214] {strides = array<i32>} : memref<2x128x64xf32, #tpu.memory_space<vmem>>, vector<16xf32>,
        %parallel_loop3A_216 = arith.constant 0 : i32
        %parallel_loop3A_217 = arith.index_cast %parallel_loop3A_216 : i32 to index
        %parallel_loop3A_218 = arith.index_cast %parallel_loop3A_180 : i32 to index
        %parallel_loop3A_219 = arith.constant 48 : index
        %parallel_loop3A_220 = tpu.vector_load %arg8[%parallel_loop3A_217, %parallel_loop3A_218, %parallel_loop3A_219] {strides = array<i32>} : memref<2x128x65xf32, #tpu.memory_space<vmem>>, vector<16xf32>,
        tpu.vector_store %arg8[%parallel_loop3A_217, %parallel_loop3A_218, %parallel_loop3A_219], %parallel_loop3A_215 {strides = array<i32>} : memref<2x128x65xf32, #tpu.memory_space<vmem>>, vector<16xf32>,
      } {sc.loop_unroll_factor = 8 : i64, sc.parallel_access}
      %parallel_loop3A_125 = arith.constant 0 : i32
      %parallel_loop3A_126 = arith.constant 64 : i32
      %parallel_loop3A_127 = arith.constant 1 : i32
      scf.for %parallel_loop3A_180 = %parallel_loop3A_125 to %parallel_loop3A_126 step %parallel_loop3A_127  : i32 {
        %parallel_loop3A_181 = arith.constant 3 : i32
        %parallel_loop3A_182 = arith.shrsi %parallel_loop3A_180, %parallel_loop3A_181 : i32
        %parallel_loop3A_183 = arith.constant 7 : i32
        %parallel_loop3A_184 = arith.andi %parallel_loop3A_180, %parallel_loop3A_183 : i32
        %parallel_loop3A_185 = vector.broadcast %parallel_loop3A_180 : i32 to vector<16xi32>
        %parallel_loop3A_186 = arith.constant 0 : i32
        %parallel_loop3A_187 = vector.broadcast %parallel_loop3A_186 : i32 to vector<16xi32>
        %parallel_loop3A_188 = arith.addi %parallel_loop3A_187, %iota3A : vector<16xi32>
        %parallel_loop3A_189 = arith.constant 0 : i32
        %parallel_loop3A_190 = arith.constant 0 : i32
        %parallel_loop3A_191 = arith.constant 0 : i32
        %parallel_loop3A_192 = tpu.memref_slice %arg8[%parallel_loop3A_189, %parallel_loop3A_190, %parallel_loop3A_191] : memref<2x128x65xf32, #tpu.memory_space<vmem>> -> memref<1x128x65xf32, #tpu.memory_space<vmem>>
        %parallel_loop3A_193 = tpu.memref_squeeze %parallel_loop3A_192 : memref<1x128x65xf32, #tpu.memory_space<vmem>> -> memref<128x65xf32, #tpu.memory_space<vmem>>
        %parallel_loop3A_194 = tpu.vector_load_idx %parallel_loop3A_193[%parallel_loop3A_188, %parallel_loop3A_185] : memref<128x65xf32, #tpu.memory_space<vmem>>[vector<16xi32>, vector<16xi32>], vector<16xf32>,
        %parallel_loop3A_195 = arith.constant 0 : i32
        %parallel_loop3A_196 = arith.index_cast %parallel_loop3A_195 : i32 to index
        %parallel_loop3A_197 = arith.index_cast %parallel_loop3A_182 : i32 to index
        %parallel_loop3A_198 = arith.index_cast %parallel_loop3A_184 : i32 to index
        %parallel_loop3A_199 = arith.constant 0 : index
        %parallel_loop3A_200 = tpu.vector_load %arg10[%parallel_loop3A_196, %parallel_loop3A_197, %parallel_loop3A_198, %parallel_loop3A_199] {strides = array<i32>} : memref<2x8x8x128xf32, #tpu.memory_space<vmem>>, vector<16xf32>,
        tpu.vector_store %arg10[%parallel_loop3A_196, %parallel_loop3A_197, %parallel_loop3A_198, %parallel_loop3A_199], %parallel_loop3A_194 {strides = array<i32>} : memref<2x8x8x128xf32, #tpu.memory_space<vmem>>, vector<16xf32>,
        %parallel_loop3A_201 = arith.constant 16 : i32
        %parallel_loop3A_202 = vector.broadcast %parallel_loop3A_201 : i32 to vector<16xi32>
        %parallel_loop3A_203 = arith.addi %parallel_loop3A_202, %iota3A : vector<16xi32>
        %parallel_loop3A_204 = arith.constant 0 : i32
        %parallel_loop3A_205 = arith.constant 0 : i32
        %parallel_loop3A_206 = arith.constant 0 : i32
        %parallel_loop3A_207 = tpu.memref_slice %arg8[%parallel_loop3A_204, %parallel_loop3A_205, %parallel_loop3A_206] : memref<2x128x65xf32, #tpu.memory_space<vmem>> -> memref<1x128x65xf32, #tpu.memory_space<vmem>>
        %parallel_loop3A_208 = tpu.memref_squeeze %parallel_loop3A_207 : memref<1x128x65xf32, #tpu.memory_space<vmem>> -> memref<128x65xf32, #tpu.memory_space<vmem>>
        %parallel_loop3A_209 = tpu.vector_load_idx %parallel_loop3A_208[%parallel_loop3A_203, %parallel_loop3A_185] : memref<128x65xf32, #tpu.memory_space<vmem>>[vector<16xi32>, vector<16xi32>], vector<16xf32>,
        %parallel_loop3A_210 = arith.constant 0 : i32
        %parallel_loop3A_211 = arith.index_cast %parallel_loop3A_210 : i32 to index
        %parallel_loop3A_212 = arith.index_cast %parallel_loop3A_182 : i32 to index
        %parallel_loop3A_213 = arith.index_cast %parallel_loop3A_184 : i32 to index
        %parallel_loop3A_214 = arith.constant 16 : index
        %parallel_loop3A_215 = tpu.vector_load %arg10[%parallel_loop3A_211, %parallel_loop3A_212, %parallel_loop3A_213, %parallel_loop3A_214] {strides = array<i32>} : memref<2x8x8x128xf32, #tpu.memory_space<vmem>>, vector<16xf32>,
        tpu.vector_store %arg10[%parallel_loop3A_211, %parallel_loop3A_212, %parallel_loop3A_213, %parallel_loop3A_214], %parallel_loop3A_209 {strides = array<i32>} : memref<2x8x8x128xf32, #tpu.memory_space<vmem>>, vector<16xf32>,
        %parallel_loop3A_216 = arith.constant 32 : i32
        %parallel_loop3A_217 = vector.broadcast %parallel_loop3A_216 : i32 to vector<16xi32>
        %parallel_loop3A_218 = arith.addi %parallel_loop3A_217, %iota3A : vector<16xi32>
        %parallel_loop3A_219 = arith.constant 0 : i32
        %parallel_loop3A_220 = arith.constant 0 : i32
        %parallel_loop3A_221 = arith.constant 0 : i32
        %parallel_loop3A_222 = tpu.memref_slice %arg8[%parallel_loop3A_219, %parallel_loop3A_220, %parallel_loop3A_221] : memref<2x128x65xf32, #tpu.memory_space<vmem>> -> memref<1x128x65xf32, #tpu.memory_space<vmem>>
        %parallel_loop3A_223 = tpu.memref_squeeze %parallel_loop3A_222 : memref<1x128x65xf32, #tpu.memory_space<vmem>> -> memref<128x65xf32, #tpu.memory_space<vmem>>
        %parallel_loop3A_224 = tpu.vector_load_idx %parallel_loop3A_223[%parallel_loop3A_218, %parallel_loop3A_185] : memref<128x65xf32, #tpu.memory_space<vmem>>[vector<16xi32>, vector<16xi32>], vector<16xf32>,
        %parallel_loop3A_225 = arith.constant 0 : i32
        %parallel_loop3A_226 = arith.index_cast %parallel_loop3A_225 : i32 to index
        %parallel_loop3A_227 = arith.index_cast %parallel_loop3A_182 : i32 to index
        %parallel_loop3A_228 = arith.index_cast %parallel_loop3A_184 : i32 to index
        %parallel_loop3A_229 = arith.constant 32 : index
        %parallel_loop3A_230 = tpu.vector_load %arg10[%parallel_loop3A_226, %parallel_loop3A_227, %parallel_loop3A_228, %parallel_loop3A_229] {strides = array<i32>} : memref<2x8x8x128xf32, #tpu.memory_space<vmem>>, vector<16xf32>,
        tpu.vector_store %arg10[%parallel_loop3A_226, %parallel_loop3A_227, %parallel_loop3A_228, %parallel_loop3A_229], %parallel_loop3A_224 {strides = array<i32>} : memref<2x8x8x128xf32, #tpu.memory_space<vmem>>, vector<16xf32>,
        %parallel_loop3A_231 = arith.constant 48 : i32
        %parallel_loop3A_232 = vector.broadcast %parallel_loop3A_231 : i32 to vector<16xi32>
        %parallel_loop3A_233 = arith.addi %parallel_loop3A_232, %iota3A : vector<16xi32>
        %parallel_loop3A_234 = arith.constant 0 : i32
        %parallel_loop3A_235 = arith.constant 0 : i32
        %parallel_loop3A_236 = arith.constant 0 : i32
        %parallel_loop3A_237 = tpu.memref_slice %arg8[%parallel_loop3A_234, %parallel_loop3A_235, %parallel_loop3A_236] : memref<2x128x65xf32, #tpu.memory_space<vmem>> -> memref<1x128x65xf32, #tpu.memory_space<vmem>>
        %parallel_loop3A_238 = tpu.memref_squeeze %parallel_loop3A_237 : memref<1x128x65xf32, #tpu.memory_space<vmem>> -> memref<128x65xf32, #tpu.memory_space<vmem>>
        %parallel_loop3A_239 = tpu.vector_load_idx %parallel_loop3A_238[%parallel_loop3A_233, %parallel_loop3A_185] : memref<128x65xf32, #tpu.memory_space<vmem>>[vector<16xi32>, vector<16xi32>], vector<16xf32>,
        %parallel_loop3A_240 = arith.constant 0 : i32
        %parallel_loop3A_241 = arith.index_cast %parallel_loop3A_240 : i32 to index
        %parallel_loop3A_242 = arith.index_cast %parallel_loop3A_182 : i32 to index
        %parallel_loop3A_243 = arith.index_cast %parallel_loop3A_184 : i32 to index
        %parallel_loop3A_244 = arith.constant 48 : index
        %parallel_loop3A_245 = tpu.vector_load %arg10[%parallel_loop3A_241, %parallel_loop3A_242, %parallel_loop3A_243, %parallel_loop3A_244] {strides = array<i32>} : memref<2x8x8x128xf32, #tpu.memory_space<vmem>>, vector<16xf32>,
        tpu.vector_store %arg10[%parallel_loop3A_241, %parallel_loop3A_242, %parallel_loop3A_243, %parallel_loop3A_244], %parallel_loop3A_239 {strides = array<i32>} : memref<2x8x8x128xf32, #tpu.memory_space<vmem>>, vector<16xf32>,
        %parallel_loop3A_246 = arith.constant 64 : i32
        %parallel_loop3A_247 = vector.broadcast %parallel_loop3A_246 : i32 to vector<16xi32>
        %parallel_loop3A_248 = arith.addi %parallel_loop3A_247, %iota3A : vector<16xi32>
        %parallel_loop3A_249 = arith.constant 0 : i32
        %parallel_loop3A_250 = arith.constant 0 : i32
        %parallel_loop3A_251 = arith.constant 0 : i32
        %parallel_loop3A_252 = tpu.memref_slice %arg8[%parallel_loop3A_249, %parallel_loop3A_250, %parallel_loop3A_251] : memref<2x128x65xf32, #tpu.memory_space<vmem>> -> memref<1x128x65xf32, #tpu.memory_space<vmem>>
        %parallel_loop3A_253 = tpu.memref_squeeze %parallel_loop3A_252 : memref<1x128x65xf32, #tpu.memory_space<vmem>> -> memref<128x65xf32, #tpu.memory_space<vmem>>
        %parallel_loop3A_254 = tpu.vector_load_idx %parallel_loop3A_253[%parallel_loop3A_248, %parallel_loop3A_185] : memref<128x65xf32, #tpu.memory_space<vmem>>[vector<16xi32>, vector<16xi32>], vector<16xf32>,
        %parallel_loop3A_255 = arith.constant 0 : i32
        %parallel_loop3A_256 = arith.index_cast %parallel_loop3A_255 : i32 to index
        %parallel_loop3A_257 = arith.index_cast %parallel_loop3A_182 : i32 to index
        %parallel_loop3A_258 = arith.index_cast %parallel_loop3A_184 : i32 to index
        %parallel_loop3A_259 = arith.constant 64 : index
        %parallel_loop3A_260 = tpu.vector_load %arg10[%parallel_loop3A_256, %parallel_loop3A_257, %parallel_loop3A_258, %parallel_loop3A_259] {strides = array<i32>} : memref<2x8x8x128xf32, #tpu.memory_space<vmem>>, vector<16xf32>,
        tpu.vector_store %arg10[%parallel_loop3A_256, %parallel_loop3A_257, %parallel_loop3A_258, %parallel_loop3A_259], %parallel_loop3A_254 {strides = array<i32>} : memref<2x8x8x128xf32, #tpu.memory_space<vmem>>, vector<16xf32>,
        %parallel_loop3A_261 = arith.constant 80 : i32
        %parallel_loop3A_262 = vector.broadcast %parallel_loop3A_261 : i32 to vector<16xi32>
        %parallel_loop3A_263 = arith.addi %parallel_loop3A_262, %iota3A : vector<16xi32>
        %parallel_loop3A_264 = arith.constant 0 : i32
        %parallel_loop3A_265 = arith.constant 0 : i32
        %parallel_loop3A_266 = arith.constant 0 : i32
        %parallel_loop3A_267 = tpu.memref_slice %arg8[%parallel_loop3A_264, %parallel_loop3A_265, %parallel_loop3A_266] : memref<2x128x65xf32, #tpu.memory_space<vmem>> -> memref<1x128x65xf32, #tpu.memory_space<vmem>>
        %parallel_loop3A_268 = tpu.memref_squeeze %parallel_loop3A_267 : memref<1x128x65xf32, #tpu.memory_space<vmem>> -> memref<128x65xf32, #tpu.memory_space<vmem>>
        %parallel_loop3A_269 = tpu.vector_load_idx %parallel_loop3A_268[%parallel_loop3A_263, %parallel_loop3A_185] : memref<128x65xf32, #tpu.memory_space<vmem>>[vector<16xi32>, vector<16xi32>], vector<16xf32>,
        %parallel_loop3A_270 = arith.constant 0 : i32
        %parallel_loop3A_271 = arith.index_cast %parallel_loop3A_270 : i32 to index
        %parallel_loop3A_272 = arith.index_cast %parallel_loop3A_182 : i32 to index
        %parallel_loop3A_273 = arith.index_cast %parallel_loop3A_184 : i32 to index
        %parallel_loop3A_274 = arith.constant 80 : index
        %parallel_loop3A_275 = tpu.vector_load %arg10[%parallel_loop3A_271, %parallel_loop3A_272, %parallel_loop3A_273, %parallel_loop3A_274] {strides = array<i32>} : memref<2x8x8x128xf32, #tpu.memory_space<vmem>>, vector<16xf32>,
        tpu.vector_store %arg10[%parallel_loop3A_271, %parallel_loop3A_272, %parallel_loop3A_273, %parallel_loop3A_274], %parallel_loop3A_269 {strides = array<i32>} : memref<2x8x8x128xf32, #tpu.memory_space<vmem>>, vector<16xf32>,
        %parallel_loop3A_276 = arith.constant 96 : i32
        %parallel_loop3A_277 = vector.broadcast %parallel_loop3A_276 : i32 to vector<16xi32>
        %parallel_loop3A_278 = arith.addi %parallel_loop3A_277, %iota3A : vector<16xi32>
        %parallel_loop3A_279 = arith.constant 0 : i32
        %parallel_loop3A_280 = arith.constant 0 : i32
        %parallel_loop3A_281 = arith.constant 0 : i32
        %parallel_loop3A_282 = tpu.memref_slice %arg8[%parallel_loop3A_279, %parallel_loop3A_280, %parallel_loop3A_281] : memref<2x128x65xf32, #tpu.memory_space<vmem>> -> memref<1x128x65xf32, #tpu.memory_space<vmem>>
        %parallel_loop3A_283 = tpu.memref_squeeze %parallel_loop3A_282 : memref<1x128x65xf32, #tpu.memory_space<vmem>> -> memref<128x65xf32, #tpu.memory_space<vmem>>
        %parallel_loop3A_284 = tpu.vector_load_idx %parallel_loop3A_283[%parallel_loop3A_278, %parallel_loop3A_185] : memref<128x65xf32, #tpu.memory_space<vmem>>[vector<16xi32>, vector<16xi32>], vector<16xf32>,
        %parallel_loop3A_285 = arith.constant 0 : i32
        %parallel_loop3A_286 = arith.index_cast %parallel_loop3A_285 : i32 to index
        %parallel_loop3A_287 = arith.index_cast %parallel_loop3A_182 : i32 to index
        %parallel_loop3A_288 = arith.index_cast %parallel_loop3A_184 : i32 to index
        %parallel_loop3A_289 = arith.constant 96 : index
        %parallel_loop3A_290 = tpu.vector_load %arg10[%parallel_loop3A_286, %parallel_loop3A_287, %parallel_loop3A_288, %parallel_loop3A_289] {strides = array<i32>} : memref<2x8x8x128xf32, #tpu.memory_space<vmem>>, vector<16xf32>,
        tpu.vector_store %arg10[%parallel_loop3A_286, %parallel_loop3A_287, %parallel_loop3A_288, %parallel_loop3A_289], %parallel_loop3A_284 {strides = array<i32>} : memref<2x8x8x128xf32, #tpu.memory_space<vmem>>, vector<16xf32>,
        %parallel_loop3A_291 = arith.constant 112 : i32
        %parallel_loop3A_292 = vector.broadcast %parallel_loop3A_291 : i32 to vector<16xi32>
        %parallel_loop3A_293 = arith.addi %parallel_loop3A_292, %iota3A : vector<16xi32>
        %parallel_loop3A_294 = arith.constant 0 : i32
        %parallel_loop3A_295 = arith.constant 0 : i32
        %parallel_loop3A_296 = arith.constant 0 : i32
        %parallel_loop3A_297 = tpu.memref_slice %arg8[%parallel_loop3A_294, %parallel_loop3A_295, %parallel_loop3A_296] : memref<2x128x65xf32, #tpu.memory_space<vmem>> -> memref<1x128x65xf32, #tpu.memory_space<vmem>>
        %parallel_loop3A_298 = tpu.memref_squeeze %parallel_loop3A_297 : memref<1x128x65xf32, #tpu.memory_space<vmem>> -> memref<128x65xf32, #tpu.memory_space<vmem>>
        %parallel_loop3A_299 = tpu.vector_load_idx %parallel_loop3A_298[%parallel_loop3A_293, %parallel_loop3A_185] : memref<128x65xf32, #tpu.memory_space<vmem>>[vector<16xi32>, vector<16xi32>], vector<16xf32>,
        %parallel_loop3A_300 = arith.constant 0 : i32
        %parallel_loop3A_301 = arith.index_cast %parallel_loop3A_300 : i32 to index
        %parallel_loop3A_302 = arith.index_cast %parallel_loop3A_182 : i32 to index
        %parallel_loop3A_303 = arith.index_cast %parallel_loop3A_184 : i32 to index
        %parallel_loop3A_304 = arith.constant 112 : index
        %parallel_loop3A_305 = tpu.vector_load %arg10[%parallel_loop3A_301, %parallel_loop3A_302, %parallel_loop3A_303, %parallel_loop3A_304] {strides = array<i32>} : memref<2x8x8x128xf32, #tpu.memory_space<vmem>>, vector<16xf32>,
        tpu.vector_store %arg10[%parallel_loop3A_301, %parallel_loop3A_302, %parallel_loop3A_303, %parallel_loop3A_304], %parallel_loop3A_299 {strides = array<i32>} : memref<2x8x8x128xf32, #tpu.memory_space<vmem>>, vector<16xf32>,
      } {sc.loop_unroll_factor = 4 : i64, sc.parallel_access}
      %add3A_128 = arith.constant 0 : i32
      %add3A_129 = arith.addi %add3A_121, %add3A_128 : i32
      %dma_start3A_130 = arith.constant 0 : i32
      %dma_start3A_131 = arith.constant 0 : i32
      %dma_start3A_132 = arith.constant 0 : i32
      %dma_start3A_133 = arith.constant 0 : i32
      %dma_start3A_134 = tpu.memref_slice %arg10[%dma_start3A_130, %dma_start3A_131, %dma_start3A_132, %dma_start3A_133] : memref<2x8x8x128xf32, #tpu.memory_space<vmem>> -> memref<1x8x8x128xf32, #tpu.memory_space<vmem>>
      %dma_start3A_135 = tpu.memref_squeeze %dma_start3A_134 : memref<1x8x8x128xf32, #tpu.memory_space<vmem>> -> memref<8x8x128xf32, #tpu.memory_space<vmem>>
      %dma_start3A_136 = arith.constant 0 : i32
      %dma_start3A_137 = arith.constant 0 : i32
      %dma_start3A_138 = arith.constant 0 : i32
      %dma_start3A_139 = tpu.memref_slice %arg4[%dma_start3A_136, %add3A_129, %dma_start3A_137, %dma_start3A_138] : memref<8x6400x8x128xf32, #tpu.memory_space<hbm>> -> memref<8x1x8x128xf32, #tpu.memory_space<hbm>>
      %dma_start3A_140 = tpu.memref_squeeze %dma_start3A_139 : memref<8x1x8x128xf32, #tpu.memory_space<hbm>> -> memref<8x8x128xf32, #tpu.memory_space<hbm>>
      %dma_start3A_141 = arith.constant 0 : i32
      %dma_start3A_142 = arith.constant 0 : i32
      %dma_start3A_143 = arith.constant 0 : i32
      %dma_start3A_144 = tpu.memref_slice %arg4[%dma_start3A_141, %add3A_129, %dma_start3A_142, %dma_start3A_143] : memref<8x6400x8x128xf32, #tpu.memory_space<hbm>> -> memref<8x1x8x128xf32, #tpu.memory_space<hbm>>
      %dma_start3A_145 = tpu.memref_squeeze %dma_start3A_144 : memref<8x1x8x128xf32, #tpu.memory_space<hbm>> -> memref<8x8x128xf32, #tpu.memory_space<hbm>>
      %dma_start3A_146 = arith.constant 0 : i32
      %dma_start3A_147 = arith.constant 0 : i32
      %dma_start3A_148 = arith.constant 0 : i32
      %dma_start3A_149 = tpu.memref_slice %arg10[%dma_start3A_130, %dma_start3A_146, %dma_start3A_147, %dma_start3A_148] : memref<2x8x8x128xf32, #tpu.memory_space<vmem>> -> memref<1x8x8x128xf32, #tpu.memory_space<vmem>>
      %dma_start3A_150 = tpu.memref_squeeze %dma_start3A_149 : memref<1x8x8x128xf32, #tpu.memory_space<vmem>> -> memref<8x8x128xf32, #tpu.memory_space<vmem>>
      tpu.enqueue_dma source(%dma_start3A_150 : memref<8x8x128xf32, #tpu.memory_space<vmem>>) target(%dma_start3A_145 : memref<8x8x128xf32, #tpu.memory_space<hbm>>) target_semaphore(%arg16 : memref<!tpu.dma_semaphore, #tpu.memory_space<semaphore_mem>>)
      %parallel_loop3A_151 = arith.constant 0 : i32
      %parallel_loop3A_152 = arith.constant 128 : i32
      %parallel_loop3A_153 = arith.constant 1 : i32
      scf.for %parallel_loop3A_180 = %parallel_loop3A_151 to %parallel_loop3A_152 step %parallel_loop3A_153  : i32 {
        %parallel_loop3A_181 = arith.constant 1 : i32
        %parallel_loop3A_182 = arith.index_cast %parallel_loop3A_181 : i32 to index
        %parallel_loop3A_183 = arith.index_cast %parallel_loop3A_180 : i32 to index
        %parallel_loop3A_184 = arith.constant 0 : index
        %parallel_loop3A_185 = tpu.vector_load %arg7[%parallel_loop3A_182, %parallel_loop3A_183, %parallel_loop3A_184] {strides = array<i32>} : memref<2x128x64xf32, #tpu.memory_space<vmem>>, vector<16xf32>,
        %parallel_loop3A_186 = arith.constant 1 : i32
        %parallel_loop3A_187 = arith.index_cast %parallel_loop3A_186 : i32 to index
        %parallel_loop3A_188 = arith.index_cast %parallel_loop3A_180 : i32 to index
        %parallel_loop3A_189 = arith.constant 0 : index
        %parallel_loop3A_190 = tpu.vector_load %arg8[%parallel_loop3A_187, %parallel_loop3A_188, %parallel_loop3A_189] {strides = array<i32>} : memref<2x128x65xf32, #tpu.memory_space<vmem>>, vector<16xf32>,
        tpu.vector_store %arg8[%parallel_loop3A_187, %parallel_loop3A_188, %parallel_loop3A_189], %parallel_loop3A_185 {strides = array<i32>} : memref<2x128x65xf32, #tpu.memory_space<vmem>>, vector<16xf32>,
        %parallel_loop3A_191 = arith.constant 1 : i32
        %parallel_loop3A_192 = arith.index_cast %parallel_loop3A_191 : i32 to index
        %parallel_loop3A_193 = arith.index_cast %parallel_loop3A_180 : i32 to index
        %parallel_loop3A_194 = arith.constant 16 : index
        %parallel_loop3A_195 = tpu.vector_load %arg7[%parallel_loop3A_192, %parallel_loop3A_193, %parallel_loop3A_194] {strides = array<i32>} : memref<2x128x64xf32, #tpu.memory_space<vmem>>, vector<16xf32>,
        %parallel_loop3A_196 = arith.constant 1 : i32
        %parallel_loop3A_197 = arith.index_cast %parallel_loop3A_196 : i32 to index
        %parallel_loop3A_198 = arith.index_cast %parallel_loop3A_180 : i32 to index
        %parallel_loop3A_199 = arith.constant 16 : index
        %parallel_loop3A_200 = tpu.vector_load %arg8[%parallel_loop3A_197, %parallel_loop3A_198, %parallel_loop3A_199] {strides = array<i32>} : memref<2x128x65xf32, #tpu.memory_space<vmem>>, vector<16xf32>,
        tpu.vector_store %arg8[%parallel_loop3A_197, %parallel_loop3A_198, %parallel_loop3A_199], %parallel_loop3A_195 {strides = array<i32>} : memref<2x128x65xf32, #tpu.memory_space<vmem>>, vector<16xf32>,
        %parallel_loop3A_201 = arith.constant 1 : i32
        %parallel_loop3A_202 = arith.index_cast %parallel_loop3A_201 : i32 to index
        %parallel_loop3A_203 = arith.index_cast %parallel_loop3A_180 : i32 to index
        %parallel_loop3A_204 = arith.constant 32 : index
        %parallel_loop3A_205 = tpu.vector_load %arg7[%parallel_loop3A_202, %parallel_loop3A_203, %parallel_loop3A_204] {strides = array<i32>} : memref<2x128x64xf32, #tpu.memory_space<vmem>>, vector<16xf32>,
        %parallel_loop3A_206 = arith.constant 1 : i32
        %parallel_loop3A_207 = arith.index_cast %parallel_loop3A_206 : i32 to index
        %parallel_loop3A_208 = arith.index_cast %parallel_loop3A_180 : i32 to index
        %parallel_loop3A_209 = arith.constant 32 : index
        %parallel_loop3A_210 = tpu.vector_load %arg8[%parallel_loop3A_207, %parallel_loop3A_208, %parallel_loop3A_209] {strides = array<i32>} : memref<2x128x65xf32, #tpu.memory_space<vmem>>, vector<16xf32>,
        tpu.vector_store %arg8[%parallel_loop3A_207, %parallel_loop3A_208, %parallel_loop3A_209], %parallel_loop3A_205 {strides = array<i32>} : memref<2x128x65xf32, #tpu.memory_space<vmem>>, vector<16xf32>,
        %parallel_loop3A_211 = arith.constant 1 : i32
        %parallel_loop3A_212 = arith.index_cast %parallel_loop3A_211 : i32 to index
        %parallel_loop3A_213 = arith.index_cast %parallel_loop3A_180 : i32 to index
        %parallel_loop3A_214 = arith.constant 48 : index
        %parallel_loop3A_215 = tpu.vector_load %arg7[%parallel_loop3A_212, %parallel_loop3A_213, %parallel_loop3A_214] {strides = array<i32>} : memref<2x128x64xf32, #tpu.memory_space<vmem>>, vector<16xf32>,
        %parallel_loop3A_216 = arith.constant 1 : i32
        %parallel_loop3A_217 = arith.index_cast %parallel_loop3A_216 : i32 to index
        %parallel_loop3A_218 = arith.index_cast %parallel_loop3A_180 : i32 to index
        %parallel_loop3A_219 = arith.constant 48 : index
        %parallel_loop3A_220 = tpu.vector_load %arg8[%parallel_loop3A_217, %parallel_loop3A_218, %parallel_loop3A_219] {strides = array<i32>} : memref<2x128x65xf32, #tpu.memory_space<vmem>>, vector<16xf32>,
        tpu.vector_store %arg8[%parallel_loop3A_217, %parallel_loop3A_218, %parallel_loop3A_219], %parallel_loop3A_215 {strides = array<i32>} : memref<2x128x65xf32, #tpu.memory_space<vmem>>, vector<16xf32>,
      } {sc.loop_unroll_factor = 8 : i64, sc.parallel_access}
      %parallel_loop3A_154 = arith.constant 0 : i32
      %parallel_loop3A_155 = arith.constant 64 : i32
      %parallel_loop3A_156 = arith.constant 1 : i32
      scf.for %parallel_loop3A_180 = %parallel_loop3A_154 to %parallel_loop3A_155 step %parallel_loop3A_156  : i32 {
        %parallel_loop3A_181 = arith.constant 3 : i32
        %parallel_loop3A_182 = arith.shrsi %parallel_loop3A_180, %parallel_loop3A_181 : i32
        %parallel_loop3A_183 = arith.constant 7 : i32
        %parallel_loop3A_184 = arith.andi %parallel_loop3A_180, %parallel_loop3A_183 : i32
        %parallel_loop3A_185 = vector.broadcast %parallel_loop3A_180 : i32 to vector<16xi32>
        %parallel_loop3A_186 = arith.constant 0 : i32
        %parallel_loop3A_187 = vector.broadcast %parallel_loop3A_186 : i32 to vector<16xi32>
        %parallel_loop3A_188 = arith.addi %parallel_loop3A_187, %iota3A : vector<16xi32>
        %parallel_loop3A_189 = arith.constant 1 : i32
        %parallel_loop3A_190 = arith.constant 0 : i32
        %parallel_loop3A_191 = arith.constant 0 : i32
        %parallel_loop3A_192 = tpu.memref_slice %arg8[%parallel_loop3A_189, %parallel_loop3A_190, %parallel_loop3A_191] : memref<2x128x65xf32, #tpu.memory_space<vmem>> -> memref<1x128x65xf32, #tpu.memory_space<vmem>>
        %parallel_loop3A_193 = tpu.memref_squeeze %parallel_loop3A_192 : memref<1x128x65xf32, #tpu.memory_space<vmem>> -> memref<128x65xf32, #tpu.memory_space<vmem>>
        %parallel_loop3A_194 = tpu.vector_load_idx %parallel_loop3A_193[%parallel_loop3A_188, %parallel_loop3A_185] : memref<128x65xf32, #tpu.memory_space<vmem>>[vector<16xi32>, vector<16xi32>], vector<16xf32>,
        %parallel_loop3A_195 = arith.constant 1 : i32
        %parallel_loop3A_196 = arith.index_cast %parallel_loop3A_195 : i32 to index
        %parallel_loop3A_197 = arith.index_cast %parallel_loop3A_182 : i32 to index
        %parallel_loop3A_198 = arith.index_cast %parallel_loop3A_184 : i32 to index
        %parallel_loop3A_199 = arith.constant 0 : index
        %parallel_loop3A_200 = tpu.vector_load %arg10[%parallel_loop3A_196, %parallel_loop3A_197, %parallel_loop3A_198, %parallel_loop3A_199] {strides = array<i32>} : memref<2x8x8x128xf32, #tpu.memory_space<vmem>>, vector<16xf32>,
        tpu.vector_store %arg10[%parallel_loop3A_196, %parallel_loop3A_197, %parallel_loop3A_198, %parallel_loop3A_199], %parallel_loop3A_194 {strides = array<i32>} : memref<2x8x8x128xf32, #tpu.memory_space<vmem>>, vector<16xf32>,
        %parallel_loop3A_201 = arith.constant 16 : i32
        %parallel_loop3A_202 = vector.broadcast %parallel_loop3A_201 : i32 to vector<16xi32>
        %parallel_loop3A_203 = arith.addi %parallel_loop3A_202, %iota3A : vector<16xi32>
        %parallel_loop3A_204 = arith.constant 1 : i32
        %parallel_loop3A_205 = arith.constant 0 : i32
        %parallel_loop3A_206 = arith.constant 0 : i32
        %parallel_loop3A_207 = tpu.memref_slice %arg8[%parallel_loop3A_204, %parallel_loop3A_205, %parallel_loop3A_206] : memref<2x128x65xf32, #tpu.memory_space<vmem>> -> memref<1x128x65xf32, #tpu.memory_space<vmem>>
        %parallel_loop3A_208 = tpu.memref_squeeze %parallel_loop3A_207 : memref<1x128x65xf32, #tpu.memory_space<vmem>> -> memref<128x65xf32, #tpu.memory_space<vmem>>
        %parallel_loop3A_209 = tpu.vector_load_idx %parallel_loop3A_208[%parallel_loop3A_203, %parallel_loop3A_185] : memref<128x65xf32, #tpu.memory_space<vmem>>[vector<16xi32>, vector<16xi32>], vector<16xf32>,
        %parallel_loop3A_210 = arith.constant 1 : i32
        %parallel_loop3A_211 = arith.index_cast %parallel_loop3A_210 : i32 to index
        %parallel_loop3A_212 = arith.index_cast %parallel_loop3A_182 : i32 to index
        %parallel_loop3A_213 = arith.index_cast %parallel_loop3A_184 : i32 to index
        %parallel_loop3A_214 = arith.constant 16 : index
        %parallel_loop3A_215 = tpu.vector_load %arg10[%parallel_loop3A_211, %parallel_loop3A_212, %parallel_loop3A_213, %parallel_loop3A_214] {strides = array<i32>} : memref<2x8x8x128xf32, #tpu.memory_space<vmem>>, vector<16xf32>,
        tpu.vector_store %arg10[%parallel_loop3A_211, %parallel_loop3A_212, %parallel_loop3A_213, %parallel_loop3A_214], %parallel_loop3A_209 {strides = array<i32>} : memref<2x8x8x128xf32, #tpu.memory_space<vmem>>, vector<16xf32>,
        %parallel_loop3A_216 = arith.constant 32 : i32
        %parallel_loop3A_217 = vector.broadcast %parallel_loop3A_216 : i32 to vector<16xi32>
        %parallel_loop3A_218 = arith.addi %parallel_loop3A_217, %iota3A : vector<16xi32>
        %parallel_loop3A_219 = arith.constant 1 : i32
        %parallel_loop3A_220 = arith.constant 0 : i32
        %parallel_loop3A_221 = arith.constant 0 : i32
        %parallel_loop3A_222 = tpu.memref_slice %arg8[%parallel_loop3A_219, %parallel_loop3A_220, %parallel_loop3A_221] : memref<2x128x65xf32, #tpu.memory_space<vmem>> -> memref<1x128x65xf32, #tpu.memory_space<vmem>>
        %parallel_loop3A_223 = tpu.memref_squeeze %parallel_loop3A_222 : memref<1x128x65xf32, #tpu.memory_space<vmem>> -> memref<128x65xf32, #tpu.memory_space<vmem>>
        %parallel_loop3A_224 = tpu.vector_load_idx %parallel_loop3A_223[%parallel_loop3A_218, %parallel_loop3A_185] : memref<128x65xf32, #tpu.memory_space<vmem>>[vector<16xi32>, vector<16xi32>], vector<16xf32>,
        %parallel_loop3A_225 = arith.constant 1 : i32
        %parallel_loop3A_226 = arith.index_cast %parallel_loop3A_225 : i32 to index
        %parallel_loop3A_227 = arith.index_cast %parallel_loop3A_182 : i32 to index
        %parallel_loop3A_228 = arith.index_cast %parallel_loop3A_184 : i32 to index
        %parallel_loop3A_229 = arith.constant 32 : index
        %parallel_loop3A_230 = tpu.vector_load %arg10[%parallel_loop3A_226, %parallel_loop3A_227, %parallel_loop3A_228, %parallel_loop3A_229] {strides = array<i32>} : memref<2x8x8x128xf32, #tpu.memory_space<vmem>>, vector<16xf32>,
        tpu.vector_store %arg10[%parallel_loop3A_226, %parallel_loop3A_227, %parallel_loop3A_228, %parallel_loop3A_229], %parallel_loop3A_224 {strides = array<i32>} : memref<2x8x8x128xf32, #tpu.memory_space<vmem>>, vector<16xf32>,
        %parallel_loop3A_231 = arith.constant 48 : i32
        %parallel_loop3A_232 = vector.broadcast %parallel_loop3A_231 : i32 to vector<16xi32>
        %parallel_loop3A_233 = arith.addi %parallel_loop3A_232, %iota3A : vector<16xi32>
        %parallel_loop3A_234 = arith.constant 1 : i32
        %parallel_loop3A_235 = arith.constant 0 : i32
        %parallel_loop3A_236 = arith.constant 0 : i32
        %parallel_loop3A_237 = tpu.memref_slice %arg8[%parallel_loop3A_234, %parallel_loop3A_235, %parallel_loop3A_236] : memref<2x128x65xf32, #tpu.memory_space<vmem>> -> memref<1x128x65xf32, #tpu.memory_space<vmem>>
        %parallel_loop3A_238 = tpu.memref_squeeze %parallel_loop3A_237 : memref<1x128x65xf32, #tpu.memory_space<vmem>> -> memref<128x65xf32, #tpu.memory_space<vmem>>
        %parallel_loop3A_239 = tpu.vector_load_idx %parallel_loop3A_238[%parallel_loop3A_233, %parallel_loop3A_185] : memref<128x65xf32, #tpu.memory_space<vmem>>[vector<16xi32>, vector<16xi32>], vector<16xf32>,
        %parallel_loop3A_240 = arith.constant 1 : i32
        %parallel_loop3A_241 = arith.index_cast %parallel_loop3A_240 : i32 to index
        %parallel_loop3A_242 = arith.index_cast %parallel_loop3A_182 : i32 to index
        %parallel_loop3A_243 = arith.index_cast %parallel_loop3A_184 : i32 to index
        %parallel_loop3A_244 = arith.constant 48 : index
        %parallel_loop3A_245 = tpu.vector_load %arg10[%parallel_loop3A_241, %parallel_loop3A_242, %parallel_loop3A_243, %parallel_loop3A_244] {strides = array<i32>} : memref<2x8x8x128xf32, #tpu.memory_space<vmem>>, vector<16xf32>,
        tpu.vector_store %arg10[%parallel_loop3A_241, %parallel_loop3A_242, %parallel_loop3A_243, %parallel_loop3A_244], %parallel_loop3A_239 {strides = array<i32>} : memref<2x8x8x128xf32, #tpu.memory_space<vmem>>, vector<16xf32>,
        %parallel_loop3A_246 = arith.constant 64 : i32
        %parallel_loop3A_247 = vector.broadcast %parallel_loop3A_246 : i32 to vector<16xi32>
        %parallel_loop3A_248 = arith.addi %parallel_loop3A_247, %iota3A : vector<16xi32>
        %parallel_loop3A_249 = arith.constant 1 : i32
        %parallel_loop3A_250 = arith.constant 0 : i32
        %parallel_loop3A_251 = arith.constant 0 : i32
        %parallel_loop3A_252 = tpu.memref_slice %arg8[%parallel_loop3A_249, %parallel_loop3A_250, %parallel_loop3A_251] : memref<2x128x65xf32, #tpu.memory_space<vmem>> -> memref<1x128x65xf32, #tpu.memory_space<vmem>>
        %parallel_loop3A_253 = tpu.memref_squeeze %parallel_loop3A_252 : memref<1x128x65xf32, #tpu.memory_space<vmem>> -> memref<128x65xf32, #tpu.memory_space<vmem>>
        %parallel_loop3A_254 = tpu.vector_load_idx %parallel_loop3A_253[%parallel_loop3A_248, %parallel_loop3A_185] : memref<128x65xf32, #tpu.memory_space<vmem>>[vector<16xi32>, vector<16xi32>], vector<16xf32>,
        %parallel_loop3A_255 = arith.constant 1 : i32
        %parallel_loop3A_256 = arith.index_cast %parallel_loop3A_255 : i32 to index
        %parallel_loop3A_257 = arith.index_cast %parallel_loop3A_182 : i32 to index
        %parallel_loop3A_258 = arith.index_cast %parallel_loop3A_184 : i32 to index
        %parallel_loop3A_259 = arith.constant 64 : index
        %parallel_loop3A_260 = tpu.vector_load %arg10[%parallel_loop3A_256, %parallel_loop3A_257, %parallel_loop3A_258, %parallel_loop3A_259] {strides = array<i32>} : memref<2x8x8x128xf32, #tpu.memory_space<vmem>>, vector<16xf32>,
        tpu.vector_store %arg10[%parallel_loop3A_256, %parallel_loop3A_257, %parallel_loop3A_258, %parallel_loop3A_259], %parallel_loop3A_254 {strides = array<i32>} : memref<2x8x8x128xf32, #tpu.memory_space<vmem>>, vector<16xf32>,
        %parallel_loop3A_261 = arith.constant 80 : i32
        %parallel_loop3A_262 = vector.broadcast %parallel_loop3A_261 : i32 to vector<16xi32>
        %parallel_loop3A_263 = arith.addi %parallel_loop3A_262, %iota3A : vector<16xi32>
        %parallel_loop3A_264 = arith.constant 1 : i32
        %parallel_loop3A_265 = arith.constant 0 : i32
        %parallel_loop3A_266 = arith.constant 0 : i32
        %parallel_loop3A_267 = tpu.memref_slice %arg8[%parallel_loop3A_264, %parallel_loop3A_265, %parallel_loop3A_266] : memref<2x128x65xf32, #tpu.memory_space<vmem>> -> memref<1x128x65xf32, #tpu.memory_space<vmem>>
        %parallel_loop3A_268 = tpu.memref_squeeze %parallel_loop3A_267 : memref<1x128x65xf32, #tpu.memory_space<vmem>> -> memref<128x65xf32, #tpu.memory_space<vmem>>
        %parallel_loop3A_269 = tpu.vector_load_idx %parallel_loop3A_268[%parallel_loop3A_263, %parallel_loop3A_185] : memref<128x65xf32, #tpu.memory_space<vmem>>[vector<16xi32>, vector<16xi32>], vector<16xf32>,
        %parallel_loop3A_270 = arith.constant 1 : i32
        %parallel_loop3A_271 = arith.index_cast %parallel_loop3A_270 : i32 to index
        %parallel_loop3A_272 = arith.index_cast %parallel_loop3A_182 : i32 to index
        %parallel_loop3A_273 = arith.index_cast %parallel_loop3A_184 : i32 to index
        %parallel_loop3A_274 = arith.constant 80 : index
        %parallel_loop3A_275 = tpu.vector_load %arg10[%parallel_loop3A_271, %parallel_loop3A_272, %parallel_loop3A_273, %parallel_loop3A_274] {strides = array<i32>} : memref<2x8x8x128xf32, #tpu.memory_space<vmem>>, vector<16xf32>,
        tpu.vector_store %arg10[%parallel_loop3A_271, %parallel_loop3A_272, %parallel_loop3A_273, %parallel_loop3A_274], %parallel_loop3A_269 {strides = array<i32>} : memref<2x8x8x128xf32, #tpu.memory_space<vmem>>, vector<16xf32>,
        %parallel_loop3A_276 = arith.constant 96 : i32
        %parallel_loop3A_277 = vector.broadcast %parallel_loop3A_276 : i32 to vector<16xi32>
        %parallel_loop3A_278 = arith.addi %parallel_loop3A_277, %iota3A : vector<16xi32>
        %parallel_loop3A_279 = arith.constant 1 : i32
        %parallel_loop3A_280 = arith.constant 0 : i32
        %parallel_loop3A_281 = arith.constant 0 : i32
        %parallel_loop3A_282 = tpu.memref_slice %arg8[%parallel_loop3A_279, %parallel_loop3A_280, %parallel_loop3A_281] : memref<2x128x65xf32, #tpu.memory_space<vmem>> -> memref<1x128x65xf32, #tpu.memory_space<vmem>>
        %parallel_loop3A_283 = tpu.memref_squeeze %parallel_loop3A_282 : memref<1x128x65xf32, #tpu.memory_space<vmem>> -> memref<128x65xf32, #tpu.memory_space<vmem>>
        %parallel_loop3A_284 = tpu.vector_load_idx %parallel_loop3A_283[%parallel_loop3A_278, %parallel_loop3A_185] : memref<128x65xf32, #tpu.memory_space<vmem>>[vector<16xi32>, vector<16xi32>], vector<16xf32>,
        %parallel_loop3A_285 = arith.constant 1 : i32
        %parallel_loop3A_286 = arith.index_cast %parallel_loop3A_285 : i32 to index
        %parallel_loop3A_287 = arith.index_cast %parallel_loop3A_182 : i32 to index
        %parallel_loop3A_288 = arith.index_cast %parallel_loop3A_184 : i32 to index
        %parallel_loop3A_289 = arith.constant 96 : index
        %parallel_loop3A_290 = tpu.vector_load %arg10[%parallel_loop3A_286, %parallel_loop3A_287, %parallel_loop3A_288, %parallel_loop3A_289] {strides = array<i32>} : memref<2x8x8x128xf32, #tpu.memory_space<vmem>>, vector<16xf32>,
        tpu.vector_store %arg10[%parallel_loop3A_286, %parallel_loop3A_287, %parallel_loop3A_288, %parallel_loop3A_289], %parallel_loop3A_284 {strides = array<i32>} : memref<2x8x8x128xf32, #tpu.memory_space<vmem>>, vector<16xf32>,
        %parallel_loop3A_291 = arith.constant 112 : i32
        %parallel_loop3A_292 = vector.broadcast %parallel_loop3A_291 : i32 to vector<16xi32>
        %parallel_loop3A_293 = arith.addi %parallel_loop3A_292, %iota3A : vector<16xi32>
        %parallel_loop3A_294 = arith.constant 1 : i32
        %parallel_loop3A_295 = arith.constant 0 : i32
        %parallel_loop3A_296 = arith.constant 0 : i32
        %parallel_loop3A_297 = tpu.memref_slice %arg8[%parallel_loop3A_294, %parallel_loop3A_295, %parallel_loop3A_296] : memref<2x128x65xf32, #tpu.memory_space<vmem>> -> memref<1x128x65xf32, #tpu.memory_space<vmem>>
        %parallel_loop3A_298 = tpu.memref_squeeze %parallel_loop3A_297 : memref<1x128x65xf32, #tpu.memory_space<vmem>> -> memref<128x65xf32, #tpu.memory_space<vmem>>
        %parallel_loop3A_299 = tpu.vector_load_idx %parallel_loop3A_298[%parallel_loop3A_293, %parallel_loop3A_185] : memref<128x65xf32, #tpu.memory_space<vmem>>[vector<16xi32>, vector<16xi32>], vector<16xf32>,
        %parallel_loop3A_300 = arith.constant 1 : i32
        %parallel_loop3A_301 = arith.index_cast %parallel_loop3A_300 : i32 to index
        %parallel_loop3A_302 = arith.index_cast %parallel_loop3A_182 : i32 to index
        %parallel_loop3A_303 = arith.index_cast %parallel_loop3A_184 : i32 to index
        %parallel_loop3A_304 = arith.constant 112 : index
        %parallel_loop3A_305 = tpu.vector_load %arg10[%parallel_loop3A_301, %parallel_loop3A_302, %parallel_loop3A_303, %parallel_loop3A_304] {strides = array<i32>} : memref<2x8x8x128xf32, #tpu.memory_space<vmem>>, vector<16xf32>,
        tpu.vector_store %arg10[%parallel_loop3A_301, %parallel_loop3A_302, %parallel_loop3A_303, %parallel_loop3A_304], %parallel_loop3A_299 {strides = array<i32>} : memref<2x8x8x128xf32, #tpu.memory_space<vmem>>, vector<16xf32>,
      } {sc.loop_unroll_factor = 4 : i64, sc.parallel_access}
      %add3A_157 = arith.constant 1 : i32
      %add3A_158 = arith.addi %add3A_121, %add3A_157 : i32
      %dma_start3A_159 = arith.constant 1 : i32
      %dma_start3A_160 = arith.constant 0 : i32
      %dma_start3A_161 = arith.constant 0 : i32
      %dma_start3A_162 = arith.constant 0 : i32
      %dma_start3A_163 = tpu.memref_slice %arg10[%dma_start3A_159, %dma_start3A_160, %dma_start3A_161, %dma_start3A_162] : memref<2x8x8x128xf32, #tpu.memory_space<vmem>> -> memref<1x8x8x128xf32, #tpu.memory_space<vmem>>
      %dma_start3A_164 = tpu.memref_squeeze %dma_start3A_163 : memref<1x8x8x128xf32, #tpu.memory_space<vmem>> -> memref<8x8x128xf32, #tpu.memory_space<vmem>>
      %dma_start3A_165 = arith.constant 0 : i32
      %dma_start3A_166 = arith.constant 0 : i32
      %dma_start3A_167 = arith.constant 0 : i32
      %dma_start3A_168 = tpu.memref_slice %arg4[%dma_start3A_165, %add3A_158, %dma_start3A_166, %dma_start3A_167] : memref<8x6400x8x128xf32, #tpu.memory_space<hbm>> -> memref<8x1x8x128xf32, #tpu.memory_space<hbm>>
      %dma_start3A_169 = tpu.memref_squeeze %dma_start3A_168 : memref<8x1x8x128xf32, #tpu.memory_space<hbm>> -> memref<8x8x128xf32, #tpu.memory_space<hbm>>
      %dma_start3A_170 = arith.constant 0 : i32
      %dma_start3A_171 = arith.constant 0 : i32
      %dma_start3A_172 = arith.constant 0 : i32
      %dma_start3A_173 = tpu.memref_slice %arg4[%dma_start3A_170, %add3A_158, %dma_start3A_171, %dma_start3A_172] : memref<8x6400x8x128xf32, #tpu.memory_space<hbm>> -> memref<8x1x8x128xf32, #tpu.memory_space<hbm>>
      %dma_start3A_174 = tpu.memref_squeeze %dma_start3A_173 : memref<8x1x8x128xf32, #tpu.memory_space<hbm>> -> memref<8x8x128xf32, #tpu.memory_space<hbm>>
      %dma_start3A_175 = arith.constant 0 : i32
      %dma_start3A_176 = arith.constant 0 : i32
      %dma_start3A_177 = arith.constant 0 : i32
      %dma_start3A_178 = tpu.memref_slice %arg10[%dma_start3A_159, %dma_start3A_175, %dma_start3A_176, %dma_start3A_177] : memref<2x8x8x128xf32, #tpu.memory_space<vmem>> -> memref<1x8x8x128xf32, #tpu.memory_space<vmem>>
      %dma_start3A_179 = tpu.memref_squeeze %dma_start3A_178 : memref<1x8x8x128xf32, #tpu.memory_space<vmem>> -> memref<8x8x128xf32, #tpu.memory_space<vmem>>
      tpu.enqueue_dma source(%dma_start3A_179 : memref<8x8x128xf32, #tpu.memory_space<vmem>>) target(%dma_start3A_174 : memref<8x8x128xf32, #tpu.memory_space<hbm>>) target_semaphore(%arg16 : memref<!tpu.dma_semaphore, #tpu.memory_space<semaphore_mem>>)
    }
    %scan3A_25 = arith.constant 50 : i32
    tpu.wait_dma2 semaphore(%arg15 : memref<!tpu.dma_semaphore, #tpu.memory_space<semaphore_mem>>) src(%arg12 : memref<2x8x8x128xf32, #tpu.memory_space<hbm>>) dst(%arg9 : memref<2x8x8x128xf32, #tpu.memory_space<vmem>>)
    tpu.wait_dma2 semaphore(%arg16 : memref<!tpu.dma_semaphore, #tpu.memory_space<semaphore_mem>>) src(%arg12 : memref<2x8x8x128xf32, #tpu.memory_space<hbm>>) dst(%arg10 : memref<2x8x8x128xf32, #tpu.memory_space<vmem>>)
    return
  }
}

</mosaic_0001>

<sc_bundles>
// kernel: kernel.3.cloned.1.call-start
scs
__scs_entry_jumppad:
0x0: {  	(pc) =	sbr.rel $0x88, $3  }
0x1: {  	(tag) =	ssettag $0x0;
	lr =	simm.s32 $0x1  }
0x2: {  	[smem:$0x3F9F] =	sst lr;
	_ =	strace $0xD0000000  }
0x3: {  	_ = 	snop  }
0x4: {  	_ = 	snop  }
0x5: {  	_ = 	snop  }
0x6: {  	_ = 	snop  }
0x7: {  	_ = 	snop  }
__scs_overlays_trampoline_lowered:
0x8: {  	[smem:$0x3FAE] =	sst s0  }
0x9: {  	[smem:$0x3FAF] =	sst s1  }
0xa: {  	[smem:$0x3FB0] =	sst s2  }
0xb: {  	[smem:$0x3FB1] =	sst s3  }
0xc: {  	[smem:$0x3FB2] =	sst s4  }
0xd: {  	[smem:$0x3FB3] =	sst s5  }
0xe: {  	[smem:$0x3FB4] =	sst s6  }
0xf: {  	[smem:$0x3FB5] =	sst s7  }
0x10: {  	[smem:$0x3FB6] =	sst s8  }
0x11: {  	[smem:$0x3FB7] =	sst s9;
	s0 =	simm.s32 @!p0 $0x0  }
0x12: {  	s1 =	sld [smem:$0x3F9D];
	s0 =	simm.s32 @p0 $0x1  }
0x13: {  	[smem:$0x3FB8] =	sst s0;
	s0 =	simm.s32 @!p1 $0x0  }
0x14: {  	s2 =	sld [smem:$0x3F9C];
	s0 =	simm.s32 @p1 $0x1  }
0x15: {  	[smem:$0x3FB9] =	sst s0;
	s0 =	simm.s32 @!p2 $0x0  }
0x16: {  	s3 =	sld [smem:$0x3FDB];
	s0 =	simm.s32 @p2 $0x1  }
0x17: {  	s4 =	simm.s32 $0x1BF5;
	[smem:$0x3FBB] =	sst s0  }
0x18: {  	s0 =	sld [smem:$0x3F9E];
	_ =	swait.ge [sflag:s4], $0x0  }
0x19: {  	s7 =	sld [smem:$0x3F9F]  }
0x1a: {  	s8 =	sadd.s32 $0xFFFFE003, lr  }
0x1b: {  	s9 =	sadd.s32 $0xFFFFFEF7, lr;
	s5 =	simm.s32 $0xFFFFFFFF;
	p2 =	slt.u32 s8, $0xFFFFF086  }
0x1c: {  	p1 =	slt.u32 s9, $0xF7A;
	s5 =	simm.s32 @!p2 $0x0  }
0x1d: {  	s5 =	simm.s32 @p1 $0x1;
	p0 =	seq.s32 s7, s2  }
0x1e: {  	s7 =	smul.u32 @!p0 $0xF7A, s2;
	p2 =	seq.s32 @!p0 s5, $0x0  }
0x1f: {  	s9 =	smul.u32 $0xF7A, s1;
	s8 =	simm.s32 @!p0 $0x1BF5;
	p2 =	por !p2, p0  }
0x20: {  	[sflag:s8] =	ssyncset.s32 @!p0 $0xFFFFF086;
	s6 =	sadd.s32 @!p0 s3, s7;
	s7 =	simm.s32 @!p0 $0x108  }
0x21: {  	s3 =	sadd.s32 s3, s9;
	s6 =	sadd.s32 @!p0 $0x88, s6;
	s7 =	simm.s32 @p2 $0x1082  }
0x22: {  	[simem:s7], [sflag:s8] =	dma.local @!p0 [hbm:s6], $0xF7A  }
0x23: {  	s9 =	sor.u32 $0xD0000000, s2;
	s6 =	simm.s32 $0x108;
	_ =	swait.ge @!p0 [sflag:s8], $0x0  }
0x24: {  	s3 =	sadd.s32 $0x88, s3;
	s6 =	simm.s32 @!p1 $0x1082;
	[sflag:s4] =	ssyncset.s32 $0xFFFFF086  }
0x25: {  	[simem:s6], [sflag:s4] =	dma.local [hbm:s3], $0xF7A  }
0x26: {  	[smem:$0x3F9F] =	sst s1;
	(tag) =	ssettag s2;
	_ =	strace s9  }
0x27: {  	s1 =	sld [smem:$0x3FAF]  }
0x28: {  	s2 =	sld [smem:$0x3FB0]  }
0x29: {  	s4 =	sld [smem:$0x3FB2]  }
0x2a: {  	p0 =	seq.s32 s5, $0x0;
	s5 =	sld [smem:$0x3FB3]  }
0x2b: {  	s6 =	sld [smem:$0x3FB4]  }
0x2c: {  	s7 =	sld [smem:$0x3FB5]  }
0x2d: {  	s3 =	simm.s32 $0x108;
	s8 =	sld [smem:$0x3FB6]  }
0x2e: {  	s3 =	simm.s32 @!p0 $0x1082;
	s9 =	sld [smem:$0x3FB7]  }
0x2f: {  	lr =	sadd.s32 s0, s3;
	s0 =	sld [smem:$0x3FAE]  }
0x30: {  	s3 =	sld [smem:$0x3FB1]  }
0x31: {  	[smem:$0x3FBA] =	sst s10  }
0x32: {  	s10 =	sld [smem:$0x3FB8];
	_ =	sdelay $0x3  }
0x33: {  	p0 =	seq.s32 s10, $0x1;
	s10 =	sld [smem:$0x3FBA];
	_ =	sdelay $0x3  }
0x34: {  	[smem:$0x3FBA] =	sst s10  }
0x35: {  	s10 =	sld [smem:$0x3FB9];
	_ =	sdelay $0x3  }
0x36: {  	p1 =	seq.s32 s10, $0x1;
	s10 =	sld [smem:$0x3FBA];
	_ =	sdelay $0x3  }
0x37: {  	[smem:$0x3FBA] =	sst s10  }
0x38: {  	s10 =	sld [smem:$0x3FBB]  }
0x39: {  	_ = 	snop;
	(pc) =	sbr.ind lr, $3  }
0x3a: {  	_ = 	snop  }
0x3b: {  	_ = 	snop  }
0x3c: {  	p2 =	seq.s32 s10, $0x1;
	s10 =	sld [smem:$0x3FBA]  }
0x3d: {  	_ =	shalt  }
0x3e: {  	_ =	shalt  }
0x3f: {  	_ =	shalt  }
0x40: {  	_ =	shalt  }
0x41: {  	_ =	shalt  }
0x42: {  	_ =	shalt  }
0x43: {  	_ =	shalt  }
0x44: {  	_ =	shalt  }
0x45: {  	_ =	shalt  }
0x46: {  	_ =	shalt  }
0x47: {  	_ =	shalt  }
0x48: {  	_ =	shalt  }
0x49: {  	_ =	shalt  }
0x4a: {  	_ =	shalt  }
0x4b: {  	_ =	shalt  }
0x4c: {  	_ =	shalt  }
0x4d: {  	_ =	shalt  }
0x4e: {  	_ =	shalt  }
0x4f: {  	_ =	shalt  }
0x50: {  	_ =	shalt  }
0x51: {  	_ =	shalt  }
0x52: {  	_ =	shalt  }
0x53: {  	_ =	shalt  }
0x54: {  	_ =	shalt  }
0x55: {  	_ =	shalt  }
0x56: {  	_ =	shalt  }
0x57: {  	_ =	shalt  }
0x58: {  	_ =	shalt  }
0x59: {  	_ =	shalt  }
0x5a: {  	_ =	shalt  }
0x5b: {  	_ =	shalt  }
0x5c: {  	_ =	shalt  }
0x5d: {  	_ =	shalt  }
0x5e: {  	_ =	shalt  }
0x5f: {  	_ =	shalt  }
0x60: {  	_ =	shalt  }
0x61: {  	_ =	shalt  }
0x62: {  	_ =	shalt  }
0x63: {  	_ =	shalt  }
0x64: {  	_ =	shalt  }
0x65: {  	_ =	shalt  }
0x66: {  	_ =	shalt  }
0x67: {  	_ =	shalt  }
0x68: {  	_ =	shalt  }
0x69: {  	_ =	shalt  }
0x6a: {  	_ =	shalt  }
0x6b: {  	_ =	shalt  }
0x6c: {  	_ =	shalt  }
0x6d: {  	_ =	shalt  }
0x6e: {  	_ =	shalt  }
0x6f: {  	_ =	shalt  }
0x70: {  	_ =	shalt  }
0x71: {  	_ =	shalt  }
0x72: {  	_ =	shalt  }
0x73: {  	_ =	shalt  }
0x74: {  	_ =	shalt  }
0x75: {  	_ =	shalt  }
0x76: {  	_ =	shalt  }
0x77: {  	_ =	shalt  }
0x78: {  	_ =	shalt  }
0x79: {  	_ =	shalt  }
0x7a: {  	_ =	shalt  }
0x7b: {  	_ =	shalt  }
0x7c: {  	_ =	shalt  }
0x7d: {  	_ =	shalt  }
0x7e: {  	_ =	shalt  }
0x7f: {  	_ =	shalt  }
0x80: {  	_ =	shalt  }
0x81: {  	_ =	shalt  }
0x82: {  	_ =	shalt  }
0x83: {  	_ =	shalt  }
0x84: {  	_ =	shalt  }
0x85: {  	_ =	shalt  }
0x86: {  	_ =	shalt  }
0x87: {  	_ =	shalt  }
.Lfunc_end0:
.L_simem_size_0:
called_computation_lowered:
.L_overlay_start_0:
0x88: {  	s2 =	sld [smem:$0x3FD9]  }
0x89: {  	s3 =	sld [smem:$0x3FFE];
	_ =	sdelay $0x1  }
0x8a: {  	s1 =	srdreg.scid  }
0x8b: {  	s0 =	sand.u32 $0x1, s1  }
0x8c: {  	s17 =	sshll.u32 s0, $0xA;
	s2 =	sadd.s32 s3, s2  }
0x8d: {  	s2 =	sadd.s32 s2, s17  }
0x8e: {  	[smem:$0x3FC6] =	sst s2  }
0x8f: {  	_ = 	snop  }
0x90: {  	s2 =	sld [smem:$0x3FC9]  }
0x91: {  	s18 =	sld [smem:$0x3FD0];
	(tm) =	ssettm $0x1  }
0x92: {  	s4 =	sld [smem:$0x3FFB];
	_ =	sdelay $0x3  }
0x93: {  	_ =	strace s4  }
0x94: {  	s4 =	sld [smem:$0x3FFC];
	_ =	sdelay $0x3  }
0x95: {  	_ =	strace s4  }
0x96: {  	s4 =	sld [smem:$0x3FFD];
	_ =	sdelay $0x3  }
0x97: {  	_ =	strace s4  }
0x98: {  	_ =	strace $0x8FFFFFFF  }
0x99: {  	s19 =	sld [smem:$0x3FDB];
	_ =	sdelay $0x1  }
0x9a: {  	s5 =	simm.s32 $_scs_section_size  }
0x9b: {  	s6 =	simm.s32 $_size__tile_overlayer_lowered;
	s7 =	simm.s32 $_tile_overlayer_lowered  }
0x9c: {  	s22 =	simm.s32 $0x1BFF;
	s21 =	sshll.u32 s7, $0x1;
	s4 =	sadd.s32 s5, s19  }
0x9d: {  	s8 =	simm.s32 $0x0;
	s20 =	sshll.u32 s6, $0x1;
	s6 =	sadd.s32 s21, s4  }
0x9e: {  	[timem:s8], [sflag:s22] =	dma.local [hbm:s6], s20  }
0x9f: {  	_ =	swait.ge [sflag:s22], s20  }
0xa0: {  	s5 =	ssub.s32 $0x0, s20;
	[sflag:s22] =	ssyncset.done $0x0  }
0xa1: {  	[sflag:s22] =	ssyncadd.s32 s5;
	_ =	sdelay $0x1  }
0xa2: {  	s23 =	simm.s32 $0x1B8B  }
0xa3: {  	_ =	swait.ge [sflag:s23], $0x1  }
0xa4: {  	[sflag:s23] =	ssyncset.done $0x0  }
0xa5: {  	s25 =	simm.s32 $0x1B8E;
	s24 =	sld [smem:$0x3FFE];
	[sflag:s23] =	ssyncadd.s32 $0xFFFFFFFF  }
0xa6: {  	s26 =	simm.s32 $execute0_lowered;
	[smem:$0x3FD2] =	sst s25  }
0xa7: {  	s6 =	sshll.u32 s26, $0x1;
	_ =	strace $0x80000046;
	[dreg:$0x1] =	wrdreg $0xFFFFFFFF  }
0xa8: {  	s28 =	simm.s32 $_size_execute0_lowered;
	s4 =	sadd.s32 s4, s6;
	[dreg:$0x0] =	wrdreg $0x0  }
0xa9: {  	s6 =	sshll.u32 s28, $0x1;
	[dreg:$0x2] =	wrdreg s4  }
0xaa: {  	[dreg:$0x3] =	wrdreg s6  }
0xab: {  	[dreg:$0x4] =	wrdreg $0xC0  }
0xac: {  	_ =	task [dreg:s8], $0x5FFFF  }
0xad: {  	[dreg:$0x1] =	wrdreg $0xFFFFFFFF  }
0xae: {  	[dreg:$0x0] =	wrdreg $0x60  }
0xaf: {  	[dreg:$0x2] =	wrdreg s2  }
0xb0: {  	[dreg:$0x3] =	wrdreg s24  }
0xb1: {  	[dreg:$0x4] =	wrdreg s18  }
0xb2: {  	[dreg:$0x5] =	wrdreg $0x9  }
0xb3: {  	_ =	task.clear_ibuf [dreg:s8], $0x6FFFF;
	_ =	strace $0x90000046  }
0xb4: {  	s29 =	simm.s32 $0x9;
	_ =	strace $0x80000048  }
0xb5: {  	_ =	swait.ge [sflag:s29], $0x1  }
0xb6: {  	[sflag:s29] =	ssyncadd.s32 $0xFFFFFFFF  }
0xb7: {  	_ =	strace $0x90000048  }
0xb8: {  	_ =	sfence  }
0xb9: {  	s30 =	sld [smem:$0x0];
	_ =	sdelay $0x2  }
0xba: {  	s31 =	sshll.u32 s1, $0xD;
	s1 =	sshrl.u32 s1, $0x2  }
0xbb: {  	s3 =	sand.u32 $0x4000, s31;
	s1 =	sadd.s32 s1, s30  }
0xbc: {  	s0 =	sor.u32 s3, s0;
	s1 =	sshll.u32 s1, $0x11  }
0xbd: {  	s0 =	sor.u32 s1, s0  }
0xbe: {  	s0 =	sadd.s32 $0x8F2B, s0  }
0xbf: {  	[sflag:s0] =	ssyncadd.remote.s32 $0x1  }
0xc0: {  	_ =	sfence.sel $0xFFFF  }
0xc1: {  	[dreg:$0x0] =	wrdreg $0xFFFFFFFF;
	(pc) =	sbr.abs _section_cstart, $3  }
0xc2: {  	[dreg:$0x1] =	wrdreg $0xFFFFFFFF  }
0xc3: {  	_ =	task.clear_ibuf [dreg:s8], $0x2FFFF;
	_ =	strace $0x9FFFFFFF  }
0xc4: {  	(tm) =	ssettm $0x7FFFFFFF  }
0xc5: {  	_ =	shalt  }
tec
execute0_lowered:
.L_overlay_start_1:
0x0: {  	(tag) =	ssettag $0x1  }
0x1: {  	s0 =	rddreg [dreg:$0x0]  }
0x2: {  	s1 =	rddreg [dreg:$0x1]  }
0x3: {  	s3 =	srdreg.scid;
	s4 =	stileid.u32  }
0x4: {  	s2 =	rddreg [dreg:$0x2];
	s6 =	simm.s32 $0x0;
	s10 =	simm.s32 $0x80  }
0x5: {  	s15 =	simm.s32 $0x1;
	s16 =	simm.s32 $0xE400;
	s17 =	simm.s32 $0x400  }
0x6: {  	s18 =	simm.s32 $0x640000;
	s20 =	simm.s32 $0x10800;
	s21 =	simm.s32 $0x14C00  }
0x7: {  	s22 =	simm.s32 $0x2;
	s3 =	sand.u32 $0x1, s3;
	s4 =	sshll.u32 s4, $0x1  }
0x8: {  	v0 =	vlaneseq.u32;
	s23 =	simm.s32 $0x4;
	s24 =	simm.s32 $0x16C00;
	s5 =	sor.u32 s3, s4  }
0x9: {  	s25 =	simm.s32 $0x18C00;
	v0 =	vmul.u32 $0x48, v0;
	s3 =	ssub.s32 $0x2, s3;
	s29 =	smul.u32 $0xC80, s5  }
0xa: {  	[smem:$0x7FF] =	sst s6;
	s7 =	sadd.s32 $0x80, s2;
	s30 =	sshrl.u32 s3, $0x1  }
0xb: {  	s4 =	sadd.s32 $0x400, s1;
	v1 =	vadd.s32 $0x480, v0;
	s1 =	ssub.s32 s3, s30;
	s0 =	sadd.s32 s0, s29  }
0xc: {  	_ =	strace $0x80000047;
	v2 =	vadd.s32 $0x900, v0;
	v3 =	vadd.s32 $0xD80, v0;
	v4 =	vadd.s32 $0x1200, v0;
	s31 =	smax.u32 s1, $0x1;
	[dreg:$0x4] =	wrdreg s0  }
0xd: {  	s6 =	smul.u32 $0x6400, s5;
	v5 =	vadd.s32 $0x1680, v0;
	v6 =	vadd.s32 $0x1B00, v0;
	v7 =	vadd.s32 $0x1F80, v0;
	s1 =	simm.s32 $0x0;
	[dreg:$0x5] =	wrdreg s31  }
.LBB2_1:
0xe: {  	[dreg:$0x6] =	wrdreg s1  }
0xf: {  	s0 =	simm.s32 $0x0;
	s26 =	rddreg [dreg:$0x4];
	s28 =	simm.s32 $0x5  }
0x10: {  	[tilespmem:s0], [sflag:$0x5] =	stream.linear.gather [hbm4b:s26+s0], $0x6400, $0x38;
	[tilespmem:$0x1AC00] =	vst v63  }
0x11: {  	_ =	swait.ge [sflag:s28], $0x6400  }
0x12: {  	[sflag:s28] =	ssyncset.done $0x0  }
0x13: {  	s30 =	simm.s32 $0x6400;
	[sflag:s28] =	ssyncadd.s32 $0xFFFF9C00  }
0x14: {  	[tilespmem:s30], [sflag:$0x1] =	stream.indirect.gather [hbm4b:s4+s10], $0x40, s0, s10, $0xb8;
	[tilespmem:$0x1AC00] =	vst v63  }
0x15: {  	s31 =	simm.s32 $0x8400;
	s29 =	simm.s32 $0x0  }
0x16: {  	[tilespmem:s31], [sflag:$0x1] =	stream.indirect.gather [hbm4b:s4+s10], $0x40, s10, s10, $0xb8;
	[tilespmem:$0x1AC00] =	vst v63  }
.LBB2_2:
0x17: {  	s0 =	sshllo.u32 s29, $0x1  }
0x18: {  	s30 =	sshll.u32 s0, $0x8  }
0x19: {  	s1 =	simm.s32 $0xA400;
	s0 =	sand.u32 $0x3FFFFF00, s30  }
0x1a: {  	[tilespmem:s1], [sflag:$0x2] =	stream.indirect.gather [hbm4b:s4+s10], $0x40, s0, s10, $0xb8;
	[tilespmem:$0x1AC00] =	vst v63  }
0x1b: {  	s31 =	simm.s32 $0xC400;
	s0 =	sor.u32 $0x80, s0  }
0x1c: {  	[tilespmem:s31], [sflag:$0x2] =	stream.indirect.gather [hbm4b:s4+s10], $0x40, s0, s10, $0xb8;
	[tilespmem:$0x1AC00] =	vst v63  }
0x1d: {  	_ =	swait.ge [sflag:s15], $0x4000  }
0x1e: {  	p0 =	seq.s32 s29, $0x0;
	[sflag:s15] =	ssyncset.done $0x0  }
0x1f: {  	s0 =	simm.s32 @!p0 $0x3;
	[sflag:s15] =	ssyncadd.s32 $0xFFFFC000  }
0x20: {  	_ =	swait.ge @!p0 [sflag:s0], $0x4000  }
0x21: {  	[sflag:s0] =	ssyncset.done @!p0 $0x0  }
0x22: {  	s8 =	simm.s32 $0x6500;
	[sflag:s0] =	ssyncadd.s32 @!p0 $0xFFFFC000  }
0x23: {  	v8 =	vld [tilespmem:s8+$0xC0]  }
0x24: {  	v9 =	vld [tilespmem:s8+$0xFFFFFF40]  }
0x25: {  	v10 =	vld [tilespmem:s8+$0xFFFFFF80]  }
0x26: {  	v11 =	vld [tilespmem:s8+$0xFFFFFFC0]  }
0x27: {  	s1 =	simm.s32 $0xE520;
	v12 =	vld [tilespmem:s8+$0x0]  }
0x28: {  	v13 =	vld [tilespmem:s8+$0x40];
	[tilespmem:s1+$0xD8] =	vst v8  }
0x29: {  	[tilespmem:s1+$0xFFFFFF28] =	vst v9;
	v9 =	vld [tilespmem:s8+$0x80]  }
0x2a: {  	[tilespmem:s1+$0xFFFFFF70] =	vst v10;
	v10 =	vld [tilespmem:s8+$0xFFFFFF00]  }
0x2b: {  	[tilespmem:s1+$0xFFFFFFB8] =	vst v11;
	v8 =	vld [tilespmem:s8+$0xD0]  }
0x2c: {  	[tilespmem:s1+$0x0] =	vst v12;
	v11 =	vld [tilespmem:s8+$0xFFFFFF50]  }
0x2d: {  	[tilespmem:s1+$0x48] =	vst v13;
	v12 =	vld [tilespmem:s8+$0xFFFFFF90]  }
0x2e: {  	v13 =	vld [tilespmem:s8+$0xFFFFFFD0];
	[tilespmem:s1+$0x90] =	vst v9  }
0x2f: {  	[tilespmem:s1+$0xFFFFFEE0] =	vst v10;
	v9 =	vld [tilespmem:s8+$0x10]  }
0x30: {  	[tilespmem:s1+$0xE8] =	vst v8;
	v10 =	vld [tilespmem:s8+$0xFFFFFF10]  }
0x31: {  	[tilespmem:s1+$0xFFFFFF38] =	vst v11;
	v11 =	vld [tilespmem:s8+$0x50]  }
0x32: {  	[tilespmem:s1+$0xFFFFFF80] =	vst v12;
	v12 =	vld [tilespmem:s8+$0x90]  }
0x33: {  	[tilespmem:s1+$0xFFFFFFC8] =	vst v13;
	v8 =	vld [tilespmem:s8+$0xE0]  }
0x34: {  	v13 =	vld [tilespmem:s8+$0xFFFFFF60];
	[tilespmem:s1+$0x10] =	vst v9  }
0x35: {  	v9 =	vld [tilespmem:s8+$0xFFFFFFA0];
	[tilespmem:s1+$0xFFFFFEF0] =	vst v10  }
0x36: {  	[tilespmem:s1+$0x58] =	vst v11;
	v11 =	vld [tilespmem:s8+$0xFFFFFFE0]  }
0x37: {  	[tilespmem:s1+$0xA0] =	vst v12;
	v10 =	vld [tilespmem:s8+$0xFFFFFF20]  }
0x38: {  	v12 =	vld [tilespmem:s8+$0x20];
	[tilespmem:s1+$0xF8] =	vst v8  }
0x39: {  	[tilespmem:s1+$0xFFFFFF48] =	vst v13;
	v13 =	vld [tilespmem:s8+$0x60]  }
0x3a: {  	v8 =	vld [tilespmem:s8+$0xF0];
	[tilespmem:s1+$0xFFFFFF90] =	vst v9  }
0x3b: {  	v14 =	vld [tilespmem:s8+$0xA0];
	[tilespmem:s1+$0xFFFFFFD8] =	vst v11  }
0x3c: {  	v15 =	vld [tilespmem:s8+$0xFFFFFF70];
	[tilespmem:s1+$0xFFFFFF00] =	vst v10  }
0x3d: {  	[tilespmem:s1+$0x20] =	vst v12;
	v16 =	vld [tilespmem:s8+$0xFFFFFF30]  }
0x3e: {  	v10 =	vld [tilespmem:s8+$0xFFFFFFB0];
	[tilespmem:s1+$0x68] =	vst v13  }
0x3f: {  	[tilespmem:s1+$0x108] =	vst v8;
	v8 =	vld [tilespmem:s8+$0xFFFFFFF0]  }
0x40: {  	v9 =	vld [tilespmem:s8+$0x30];
	[tilespmem:s1+$0xB0] =	vst v14  }
0x41: {  	s5 =	simm.s32 $0x0;
	[tilespmem:s1+$0xFFFFFF58] =	vst v15;
	v11 =	vld [tilespmem:s8+$0x70]  }
0x42: {  	s3 =	simm.s32 $0x180;
	s0 =	simm.s32 $0x12C40;
	v14 =	vld [tilespmem:s8+$0xB0];
	s8 =	simm.s32 $0x6700;
	[tilespmem:s1+$0xFFFFFF10] =	vst v16  }
.LBB2_3:
0x43: {  	v12 =	vld [tilespmem:s8+$0xC0];
	s5 =	sadd.s32 $0x8, s5;
	[tilespmem:s1+$0xFFFFFFA0] =	vst v10  }
0x44: {  	v10 =	vld [tilespmem:s8+$0xFFFFFF40];
	p1 =	slt.u32 s5, $0x78;
	[tilespmem:s1+$0xFFFFFFE8] =	vst v8  }
0x45: {  	v8 =	vld [tilespmem:s8+$0xFFFFFF80];
	[tilespmem:s1+$0x30] =	vst v9  }
0x46: {  	v9 =	vld [tilespmem:s8+$0xFFFFFFC0];
	[tilespmem:s1+$0x78] =	vst v11  }
0x47: {  	v11 =	vld [tilespmem:s8+$0x0];
	[tilespmem:s1+$0xC0] =	vst v14;
	s1 =	sadd.s32 $0x240, s1  }
0x48: {  	v13 =	vld [tilespmem:s8+$0x40];
	[tilespmem:s1+$0xD8] =	vst v12  }
0x49: {  	[tilespmem:s1+$0xFFFFFF28] =	vst v10;
	v10 =	vld [tilespmem:s8+$0xD0]  }
0x4a: {  	[tilespmem:s1+$0xFFFFFF70] =	vst v8;
	v8 =	vld [tilespmem:s8+$0x80]  }
0x4b: {  	v12 =	vld [tilespmem:s8+$0xFFFFFF00];
	[tilespmem:s1+$0xFFFFFFB8] =	vst v9  }
0x4c: {  	v9 =	vld [tilespmem:s8+$0xFFFFFF50];
	[tilespmem:s1+$0x0] =	vst v11  }
0x4d: {  	v11 =	vld [tilespmem:s8+$0xFFFFFF90];
	[tilespmem:s1+$0x48] =	vst v13  }
0x4e: {  	v13 =	vld [tilespmem:s8+$0xFFFFFFD0];
	[tilespmem:s1+$0xE8] =	vst v10  }
0x4f: {  	[tilespmem:s1+$0x90] =	vst v8;
	v8 =	vld [tilespmem:s8+$0xE0]  }
0x50: {  	[tilespmem:s1+$0xFFFFFEE0] =	vst v12;
	v10 =	vld [tilespmem:s8+$0x10]  }
0x51: {  	v12 =	vld [tilespmem:s8+$0xFFFFFF10];
	[tilespmem:s1+$0xFFFFFF38] =	vst v9  }
0x52: {  	[tilespmem:s1+$0xFFFFFF80] =	vst v11;
	v9 =	vld [tilespmem:s8+$0x50]  }
0x53: {  	[tilespmem:s1+$0xFFFFFFC8] =	vst v13;
	v11 =	vld [tilespmem:s8+$0x90]  }
0x54: {  	v13 =	vld [tilespmem:s8+$0xFFFFFF60];
	[tilespmem:s1+$0xF8] =	vst v8  }
0x55: {  	[tilespmem:s1+$0x10] =	vst v10;
	v8 =	vld [tilespmem:s8+$0xF0]  }
0x56: {  	[tilespmem:s1+$0xFFFFFEF0] =	vst v12;
	v10 =	vld [tilespmem:s8+$0xFFFFFFA0]  }
0x57: {  	v12 =	vld [tilespmem:s8+$0xFFFFFF20];
	[tilespmem:s1+$0x58] =	vst v9  }
0x58: {  	v9 =	vld [tilespmem:s8+$0xFFFFFFE0];
	[tilespmem:s1+$0xA0] =	vst v11  }
0x59: {  	[tilespmem:s1+$0xFFFFFF48] =	vst v13;
	v11 =	vld [tilespmem:s8+$0x20]  }
0x5a: {  	s9 =	simm.s32 $0x0;
	v13 =	vld [tilespmem:s8+$0x60];
	[tilespmem:s1+$0x108] =	vst v8  }
0x5b: {  	[tilespmem:s1+$0xFFFFFF90] =	vst v10;
	v14 =	vld [tilespmem:s8+$0xA0]  }
0x5c: {  	[tilespmem:s1+$0xFFFFFF00] =	vst v12;
	v12 =	vld [tilespmem:s8+$0xFFFFFF70]  }
0x5d: {  	v15 =	vld [tilespmem:s8+$0xFFFFFF30];
	[tilespmem:s1+$0xFFFFFFD8] =	vst v9  }
.Ltmp0:
0x5e: {  	v10 =	vld [tilespmem:s8+$0xFFFFFFB0];
	[tilespmem:s1+$0x20] =	vst v11;
	(pc) =	sbr.rel @p1 .LBB2_3-.Ltmp0, $4  }
0x5f: {  	v8 =	vld [tilespmem:s8+$0xFFFFFFF0];
	[tilespmem:s1+$0x68] =	vst v13  }
0x60: {  	v9 =	vld [tilespmem:s8+$0x30];
	[tilespmem:s1+$0xB0] =	vst v14  }
0x61: {  	[tilespmem:s1+$0xFFFFFF58] =	vst v12;
	v11 =	vld [tilespmem:s8+$0x70]  }
0x62: {  	[tilespmem:s1+$0xFFFFFF10] =	vst v15;
	v14 =	vld [tilespmem:s8+$0xB0];
	s8 =	sadd.s32 $0x200, s8  }
0x63: {  	s5 =	simm.s32 $0x1  }
0x64: {  	s13 =	simm.s32 $0x2;
	v12 =	vmov s5  }
0x65: {  	v13 =	vmov s13;
	v12 =	vand.u32 $0x3D, v12  }
0x66: {  	[tilespmem:s1+$0xFFFFFFA0] =	vst v10;
	v15 =	vand.u32 $0x3E, v13;
	v10 =	vadd.s32 v0, v12  }
0x67: {  	[tilespmem:s1+$0xFFFFFFE8] =	vst v8;
	v8 =	vadd.s32 v0, v15  }
0x68: {  	s14 =	simm.s32 $0x3;
	[tilespmem:s1+$0x30] =	vst v9;
	v9 =	vmov s9  }
0x69: {  	[tilespmem:s1+$0x78] =	vst v11;
	v13 =	vand.u32 $0x3C, v9;
	v9 =	vmov s14  }
0x6a: {  	[tilespmem:s1+$0xC0] =	vst v14;
	v11 =	vadd.s32 v0, v13;
	v14 =	vand.u32 $0x3F, v9  }
0x6b: {  	v9 =	vadd.s32 v0, v14;
	v10 =	vld.idx.msk [tilespmem:v10+s16+$0x0], $0xffff  }
0x6c: {  	s19 =	simm.s32 $0x0;
	v16 =	vadd.s32 v1, v12;
	v8 =	vld.idx.msk [tilespmem:v8+s16+$0x0], $0xffff  }
0x6d: {  	s26 =	simm.s32 $0x80;
	v17 =	vadd.s32 v1, v15;
	s1 =	sand.u32 $0x1C00, s19  }
0x6e: {  	s31 =	simm.s32 $0x100;
	s5 =	sand.u32 $0x280, s26;
	s8 =	sadd.s32 $0x12C00, s1  }
0x6f: {  	s11 =	sand.u32 $0x300, s31;
	s1 =	sor.u32 s5, s8;
	v11 =	vld.idx.msk [tilespmem:v11+s16+$0x0], $0xffff  }
0x70: {  	v18 =	vadd.s32 v1, v13;
	s5 =	sor.u32 s11, s8;
	v9 =	vld.idx.msk [tilespmem:v9+s16+$0x0], $0xffff;
	[tilespmem:s1+$0x0] =	vst v10  }
0x71: {  	[tilespmem:s5+$0x0] =	vst v8;
	v10 =	vadd.s32 v1, v14;
	v8 =	vld.idx.msk [tilespmem:v16+s16+$0x0], $0xffff  }
0x72: {  	v16 =	vld.idx.msk [tilespmem:v17+s16+$0x0], $0xffff;
	v17 =	vadd.s32 v2, v12  }
0x73: {  	s3 =	sand.u32 $0x380, s3;
	v19 =	vadd.s32 v2, v15  }
0x74: {  	s3 =	sor.u32 s3, s8;
	[tilespmem:s0+$0xFFFFFFC0] =	vst v11  }
0x75: {  	v11 =	vld.idx.msk [tilespmem:v18+s16+$0x0], $0xffff;
	[tilespmem:s3+$0x0] =	vst v9  }
0x76: {  	v9 =	vadd.s32 v2, v13;
	v10 =	vld.idx.msk [tilespmem:v10+s16+$0x0], $0xffff;
	[tilespmem:s1+$0x10] =	vst v8  }
0x77: {  	[tilespmem:s5+$0x10] =	vst v16;
	v16 =	vadd.s32 v2, v14;
	v8 =	vld.idx.msk [tilespmem:v17+s16+$0x0], $0xffff  }
0x78: {  	v18 =	vadd.s32 v3, v12;
	v17 =	vld.idx.msk [tilespmem:v19+s16+$0x0], $0xffff  }
0x79: {  	v19 =	vadd.s32 v3, v15  }
0x7a: {  	[tilespmem:s0+$0xFFFFFFD0] =	vst v11  }
0x7b: {  	v9 =	vld.idx.msk [tilespmem:v9+s16+$0x0], $0xffff;
	[tilespmem:s3+$0x10] =	vst v10  }
0x7c: {  	v10 =	vadd.s32 v3, v13;
	v11 =	vld.idx.msk [tilespmem:v16+s16+$0x0], $0xffff;
	[tilespmem:s1+$0x20] =	vst v8  }
0x7d: {  	s12 =	simm.s32 $0x4;
	[tilespmem:s5+$0x20] =	vst v17;
	v17 =	vadd.s32 v3, v14;
	v16 =	vld.idx.msk [tilespmem:v18+s16+$0x0], $0xffff  }
0x7e: {  	s13 =	simm.s32 $0x5;
	v8 =	vmov s12;
	v18 =	vadd.s32 v4, v12;
	v19 =	vld.idx.msk [tilespmem:v19+s16+$0x0], $0xffff  }
0x7f: {  	v20 =	vmov s13;
	v21 =	vadd.s32 v4, v15;
	v8 =	vand.u32 $0x3C, v8  }
0x80: {  	s14 =	simm.s32 $0x6;
	[tilespmem:s0+$0xFFFFFFE0] =	vst v9;
	v9 =	vand.u32 $0x3D, v20;
	v22 =	vadd.s32 v0, v8  }
0x81: {  	v20 =	vmov s14;
	v24 =	vadd.s32 v0, v9;
	v23 =	vld.idx.msk [tilespmem:v10+s16+$0x0], $0xffff;
	[tilespmem:s3+$0x20] =	vst v11  }
0x82: {  	v25 =	vadd.s32 v4, v13;
	s19 =	simm.s32 $0x7;
	v10 =	vand.u32 $0x3E, v20;
	[tilespmem:s1+$0x30] =	vst v16;
	v16 =	vld.idx.msk [tilespmem:v17+s16+$0x0], $0xffff  }
0x83: {  	v11 =	vmov s19;
	v17 =	vadd.s32 v0, v10;
	[tilespmem:s5+$0x30] =	vst v19;
	v18 =	vld.idx.msk [tilespmem:v18+s16+$0x0], $0xffff  }
0x84: {  	v20 =	vadd.s32 v4, v14;
	v11 =	vand.u32 $0x3F, v11;
	v19 =	vld.idx.msk [tilespmem:v21+s16+$0x0], $0xffff  }
0x85: {  	v26 =	vadd.s32 v0, v11;
	v21 =	vld.idx.msk [tilespmem:v22+s16+$0x0], $0xffff  }
0x86: {  	v22 =	vadd.s32 v5, v12;
	v24 =	vld.idx.msk [tilespmem:v24+s16+$0x0], $0xffff;
	[tilespmem:s0+$0xFFFFFFF0] =	vst v23  }
0x87: {  	s26 =	simm.s32 $0x200;
	v55 =	vadd.s32 v5, v15;
	v23 =	vld.idx.msk [tilespmem:v25+s16+$0x0], $0xffff  }
0x88: {  	s8 =	sand.u32 $0x1C00, s26;
	v27 =	vadd.s32 v1, v8;
	v17 =	vld.idx.msk [tilespmem:v17+s16+$0x0], $0xffff;
	[tilespmem:s3+$0x30] =	vst v16  }
0x89: {  	s31 =	simm.s32 $0x280;
	s12 =	sadd.s32 $0x12C00, s8;
	s8 =	simm.s32 $0x12E40;
	v16 =	vadd.s32 v5, v13;
	[tilespmem:s1+$0x40] =	vst v18;
	v18 =	vld.idx.msk [tilespmem:v20+s16+$0x0], $0xffff  }
0x8a: {  	s9 =	sand.u32 $0x280, s31;
	v20 =	vadd.s32 v1, v9;
	[tilespmem:s8+$0xFFFFFFC0] =	vst v21;
	v21 =	vld.idx.msk [tilespmem:v26+s16+$0x0], $0xffff  }
0x8b: {  	s11 =	simm.s32 $0x300;
	s9 =	sor.u32 s9, s12;
	[tilespmem:s5+$0x40] =	vst v19;
	v19 =	vadd.s32 v1, v10;
	v22 =	vld.idx.msk [tilespmem:v22+s16+$0x0], $0xffff  }
0x8c: {  	v57 =	vadd.s32 v5, v14;
	s11 =	sand.u32 $0x300, s11;
	[tilespmem:s9+$0x0] =	vst v24;
	v56 =	vld.idx.msk [tilespmem:v55+s16+$0x0], $0xffff  }
0x8d: {  	s26 =	simm.s32 $0x380;
	s11 =	sor.u32 s11, s12;
	v59 =	vadd.s32 v1, v11;
	v58 =	vld.idx.msk [tilespmem:v27+s16+$0x0], $0xffff;
	[tilespmem:s0+$0x0] =	vst v23  }
0x8e: {  	s13 =	sand.u32 $0x380, s26;
	v23 =	vadd.s32 v6, v12;
	[tilespmem:s11+$0x0] =	vst v17;
	v16 =	vld.idx.msk [tilespmem:v16+s16+$0x0], $0xffff  }
0x8f: {  	s28 =	sor.u32 s13, s12;
	v17 =	vadd.s32 v6, v15;
	v20 =	vld.idx.msk [tilespmem:v20+s16+$0x0], $0xffff;
	[tilespmem:s3+$0x40] =	vst v18  }
0x90: {  	v18 =	vadd.s32 v2, v8;
	v19 =	vld.idx.msk [tilespmem:v19+s16+$0x0], $0xffff;
	[tilespmem:s28+$0x0] =	vst v21  }
0x91: {  	v62 =	vadd.s32 v6, v13;
	[tilespmem:s1+$0x50] =	vst v22;
	v21 =	vld.idx.msk [tilespmem:v57+s16+$0x0], $0xffff  }
0x92: {  	v22 =	vadd.s32 v2, v9;
	[tilespmem:s5+$0x50] =	vst v56;
	v27 =	vld.idx.msk [tilespmem:v59+s16+$0x0], $0xffff  }
0x93: {  	v60 =	vadd.s32 v2, v10;
	[tilespmem:s8+$0xFFFFFFD0] =	vst v58;
	v23 =	vld.idx.msk [tilespmem:v23+s16+$0x0], $0xffff  }
0x94: {  	v61 =	vadd.s32 v6, v14;
	v17 =	vld.idx.msk [tilespmem:v17+s16+$0x0], $0xffff;
	[tilespmem:s0+$0x10] =	vst v16  }
0x95: {  	v15 =	vadd.s32 v7, v15;
	v16 =	vld.idx.msk [tilespmem:v18+s16+$0x0], $0xffff;
	[tilespmem:s9+$0x10] =	vst v20  }
0x96: {  	v12 =	vadd.s32 v7, v12;
	[tilespmem:s11+$0x10] =	vst v19;
	v18 =	vld.idx.msk [tilespmem:v62+s16+$0x0], $0xffff  }
0x97: {  	v19 =	vadd.s32 v2, v11;
	v20 =	vld.idx.msk [tilespmem:v22+s16+$0x0], $0xffff;
	[tilespmem:s3+$0x50] =	vst v21  }
0x98: {  	v63 =	vadd.s32 v3, v9;
	v22 =	vld.idx.msk [tilespmem:v60+s16+$0x0], $0xffff;
	[tilespmem:s28+$0x10] =	vst v27  }
0x99: {  	v28 =	vadd.s32 v3, v10;
	v24 =	vld.idx.msk [tilespmem:v61+s16+$0x0], $0xffff;
	[tilespmem:s5+$0x60] =	vst v17  }
0x9a: {  	[tilespmem:s1+$0x60] =	vst v23;
	v17 =	vld.idx.msk [tilespmem:v15+s16+$0x0], $0xffff  }
0x9b: {  	v14 =	vadd.s32 v7, v14;
	[tilespmem:s8+$0xFFFFFFE0] =	vst v16;
	v15 =	vld.idx.msk [tilespmem:v12+s16+$0x0], $0xffff  }
0x9c: {  	v21 =	vld.idx.msk [tilespmem:v19+s16+$0x0], $0xffff;
	v16 =	vadd.s32 v7, v13;
	[tilespmem:s9+$0x20] =	vst v20  }
0x9d: {  	v23 =	vadd.s32 v3, v8;
	[tilespmem:s11+$0x20] =	vst v22;
	v19 =	vld.idx.msk [tilespmem:v63+s16+$0x0], $0xffff  }
0x9e: {  	s12 =	simm.s32 $0x8;
	v12 =	vadd.s32 v4, v9;
	v22 =	vadd.s32 v3, v11;
	v20 =	vld.idx.msk [tilespmem:v28+s16+$0x0], $0xffff;
	[tilespmem:s3+$0x60] =	vst v24  }
.LBB2_5:
0x9f: {  	s13 =	sadd.s32 $0x1, s12  }
0xa0: {  	v13 =	vmov s12;
	p1 =	slt.u32 s12, $0x3C;
	v24 =	vadd.s32 v4, v8;
	[tilespmem:s0+$0x20] =	vst v18;
	v14 =	vld.idx.msk [tilespmem:v14+s16+$0x0], $0xffff;
	s31 =	smov.u32 s12;
	s12 =	sadd.s32 $0x4, s12  }
0xa1: {  	v25 =	vadd.s32 v4, v10;
	v13 =	vand.u32 $0x3C, v13;
	v18 =	vmov s13;
	s13 =	sadd.s32 $0x2, s31;
	v16 =	vld.idx.msk [tilespmem:v16+s16+$0x0], $0xffff;
	[tilespmem:s5+$0x70] =	vst v17;
	s5 =	smov.u32 s11  }
0xa2: {  	s11 =	sadd.s32 $0x3, s31;
	v17 =	vadd.s32 v0, v13;
	v18 =	vand.u32 $0x3D, v18;
	v26 =	vmov s13;
	v23 =	vld.idx.msk [tilespmem:v23+s16+$0x0], $0xffff;
	[tilespmem:s1+$0x70] =	vst v15;
	s1 =	smov.u32 s9  }
0xa3: {  	v27 =	vmov s11;
	v15 =	vadd.s32 v0, v18;
	v26 =	vand.u32 $0x3E, v26;
	[tilespmem:s28+$0x20] =	vst v21  }
0xa4: {  	v21 =	vadd.s32 v4, v18;
	v27 =	vand.u32 $0x3F, v27;
	v28 =	vadd.s32 v0, v26;
	[tilespmem:s1+$0x30] =	vst v19;
	v19 =	vld.idx.msk [tilespmem:v22+s16+$0x0], $0xffff  }
0xa5: {  	v22 =	vadd.s32 v0, v27;
	v29 =	vld.idx.msk [tilespmem:v12+s16+$0x0], $0xffff;
	[tilespmem:s5+$0x30] =	vst v20;
	v12 =	vmov v21  }
0xa6: {  	v21 =	vadd.s32 v4, v11;
	v20 =	vld.idx.msk [tilespmem:v25+s16+$0x0], $0xffff;
	[tilespmem:s3+$0x70] =	vst v14;
	s3 =	smov.u32 s28  }
0xa7: {  	v14 =	vld.idx.msk [tilespmem:v17+s16+$0x0], $0xffff;
	v17 =	vadd.s32 v5, v9;
	[tilespmem:s0+$0x30] =	vst v16;
	s0 =	smov.u32 s8  }
0xa8: {  	v15 =	vld.idx.msk [tilespmem:v15+s16+$0x0], $0xffff;
	[tilespmem:s8+$0xFFFFFFF0] =	vst v23  }
0xa9: {  	s26 =	sadd.s32 $0x200, s26;
	v23 =	vadd.s32 v5, v10;
	v16 =	vld.idx.msk [tilespmem:v24+s16+$0x0], $0xffff  }
0xaa: {  	s9 =	sadd.s32 $0xFFFFFE80, s26;
	v24 =	vadd.s32 v1, v13;
	v25 =	vld.idx.msk [tilespmem:v28+s16+$0x0], $0xffff;
	[tilespmem:s3+$0x30] =	vst v19  }
0xab: {  	s11 =	sadd.s32 $0xFFFFFF00, s26;
	s9 =	sand.u32 $0x1C00, s9;
	v19 =	vadd.s32 v5, v8;
	[tilespmem:s1+$0x40] =	vst v29;
	v21 =	vld.idx.msk [tilespmem:v21+s16+$0x0], $0xffff  }
0xac: {  	s11 =	sand.u32 $0x280, s11;
	s13 =	sadd.s32 $0x12C00, s9;
	s8 =	sadd.s32 $0x200, s8;
	v28 =	vadd.s32 v1, v18;
	v17 =	vld.idx.msk [tilespmem:v17+s16+$0x0], $0xffff;
	[tilespmem:s5+$0x40] =	vst v20  }
0xad: {  	s9 =	sor.u32 s11, s13;
	s11 =	sadd.s32 $0xFFFFFF80, s26;
	[tilespmem:s8+$0xFFFFFFC0] =	vst v14;
	v14 =	vadd.s32 v1, v26;
	v20 =	vld.idx.msk [tilespmem:v22+s16+$0x0], $0xffff  }
0xae: {  	s11 =	sand.u32 $0x300, s11;
	v22 =	vadd.s32 v5, v11;
	[tilespmem:s9+$0x0] =	vst v15;
	v15 =	vld.idx.msk [tilespmem:v23+s16+$0x0], $0xffff  }
0xaf: {  	s11 =	sor.u32 s11, s13;
	v23 =	vld.idx.msk [tilespmem:v24+s16+$0x0], $0xffff;
	[tilespmem:s0+$0x0] =	vst v16;
	v16 =	vadd.s32 v6, v9  }
0xb0: {  	v24 =	vadd.s32 v6, v10;
	[tilespmem:s11+$0x0] =	vst v25;
	v19 =	vld.idx.msk [tilespmem:v19+s16+$0x0], $0xffff  }
0xb1: {  	s28 =	sand.u32 $0x380, s26;
	v25 =	vld.idx.msk [tilespmem:v28+s16+$0x0], $0xffff;
	v28 =	vadd.s32 v1, v27;
	[tilespmem:s3+$0x40] =	vst v21  }
0xb2: {  	s28 =	sor.u32 s28, s13;
	v21 =	vadd.s32 v2, v13;
	v14 =	vld.idx.msk [tilespmem:v14+s16+$0x0], $0xffff;
	[tilespmem:s1+$0x50] =	vst v17  }
0xb3: {  	v17 =	vadd.s32 v2, v18;
	[tilespmem:s28+$0x0] =	vst v20;
	v20 =	vld.idx.msk [tilespmem:v22+s16+$0x0], $0xffff  }
0xb4: {  	v22 =	vadd.s32 v2, v26;
	v16 =	vld.idx.msk [tilespmem:v16+s16+$0x0], $0xffff;
	[tilespmem:s5+$0x50] =	vst v15  }
0xb5: {  	v15 =	vadd.s32 v6, v8;
	[tilespmem:s8+$0xFFFFFFD0] =	vst v23;
	v23 =	vld.idx.msk [tilespmem:v24+s16+$0x0], $0xffff;
	v24 =	vadd.s32 v6, v11  }
0xb6: {  	v28 =	vld.idx.msk [tilespmem:v28+s16+$0x0], $0xffff;
	[tilespmem:s0+$0x10] =	vst v19  }
0xb7: {  	v19 =	vld.idx.msk [tilespmem:v21+s16+$0x0], $0xffff;
	[tilespmem:s9+$0x10] =	vst v25;
	v21 =	vadd.s32 v7, v10;
	v10 =	vmov v26  }
0xb8: {  	v26 =	vadd.s32 v7, v9;
	v9 =	vmov v18;
	v25 =	vld.idx.msk [tilespmem:v17+s16+$0x0], $0xffff;
	[tilespmem:s11+$0x10] =	vst v14  }
0xb9: {  	v29 =	vadd.s32 v2, v27;
	v22 =	vld.idx.msk [tilespmem:v22+s16+$0x0], $0xffff;
	[tilespmem:s3+$0x50] =	vst v20  }
0xba: {  	v20 =	vadd.s32 v3, v9;
	[tilespmem:s1+$0x60] =	vst v16;
	v24 =	vld.idx.msk [tilespmem:v24+s16+$0x0], $0xffff  }
0xbb: {  	v30 =	vadd.s32 v3, v10;
	v18 =	vld.idx.msk [tilespmem:v15+s16+$0x0], $0xffff;
	[tilespmem:s5+$0x60] =	vst v23  }
.Ltmp1:
0xbc: {  	v14 =	vadd.s32 v7, v11;
	v16 =	vadd.s32 v7, v8;
	v8 =	vmov v13;
	[tilespmem:s28+$0x10] =	vst v28;
	v17 =	vld.idx.msk [tilespmem:v21+s16+$0x0], $0xffff;
	(pc) =	sbr.rel @p1 .LBB2_5-.Ltmp1, $4  }
0xbd: {  	v11 =	vmov v27;
	[tilespmem:s8+$0xFFFFFFE0] =	vst v19;
	v15 =	vld.idx.msk [tilespmem:v26+s16+$0x0], $0xffff  }
0xbe: {  	v23 =	vadd.s32 v3, v8;
	[tilespmem:s9+$0x20] =	vst v25;
	v21 =	vld.idx.msk [tilespmem:v29+s16+$0x0], $0xffff  }
0xbf: {  	v19 =	vld.idx.msk [tilespmem:v20+s16+$0x0], $0xffff;
	[tilespmem:s11+$0x20] =	vst v22  }
0xc0: {  	v22 =	vadd.s32 v3, v11;
	v20 =	vld.idx.msk [tilespmem:v30+s16+$0x0], $0xffff;
	[tilespmem:s3+$0x60] =	vst v24  }
0xc1: {  	_ =	sdelay $0x3  }
0xc2: {  	v13 =	vadd.s32 v4, v10;
	v52 =	vld.idx.msk [tilespmem:v23+s16+$0x0], $0xffff;
	[tilespmem:s28+$0x20] =	vst v21  }
0xc3: {  	v24 =	vadd.s32 v4, v8;
	v21 =	vld.idx.msk [tilespmem:v22+s16+$0x0], $0xffff  }
0xc4: {  	v53 =	vadd.s32 v4, v11  }
0xc5: {  	[tilespmem:s9+$0x30] =	vst v19  }
0xc6: {  	[tilespmem:s11+$0x30] =	vst v20;
	v12 =	vld.idx.msk [tilespmem:v12+s16+$0x0], $0xffff  }
0xc7: {  	v55 =	vadd.s32 v5, v9;
	v13 =	vld.idx.msk [tilespmem:v13+s16+$0x0], $0xffff;
	[tilespmem:s8+$0xFFFFFFF0] =	vst v52  }
0xc8: {  	v54 =	vadd.s32 v5, v10;
	v22 =	vld.idx.msk [tilespmem:v24+s16+$0x0], $0xffff;
	[tilespmem:s28+$0x30] =	vst v21  }
0xc9: {  	v57 =	vadd.s32 v5, v8;
	v21 =	vld.idx.msk [tilespmem:v53+s16+$0x0], $0xffff  }
0xca: {  	v56 =	vadd.s32 v5, v11  }
0xcb: {  	[tilespmem:s9+$0x40] =	vst v12  }
0xcc: {  	[tilespmem:s11+$0x40] =	vst v13;
	v13 =	vld.idx.msk [tilespmem:v55+s16+$0x0], $0xffff  }
0xcd: {  	v59 =	vadd.s32 v6, v9;
	v12 =	vld.idx.msk [tilespmem:v54+s16+$0x0], $0xffff;
	[tilespmem:s8+$0x0] =	vst v22  }
0xce: {  	v58 =	vadd.s32 v6, v10;
	v22 =	vld.idx.msk [tilespmem:v57+s16+$0x0], $0xffff;
	[tilespmem:s28+$0x40] =	vst v21  }
0xcf: {  	v61 =	vadd.s32 v6, v8;
	v21 =	vld.idx.msk [tilespmem:v56+s16+$0x0], $0xffff  }
0xd0: {  	v60 =	vadd.s32 v6, v11;
	[tilespmem:s0+$0x20] =	vst v18  }
0xd1: {  	[tilespmem:s9+$0x50] =	vst v13  }
0xd2: {  	[tilespmem:s11+$0x50] =	vst v12;
	v13 =	vld.idx.msk [tilespmem:v59+s16+$0x0], $0xffff  }
0xd3: {  	v9 =	vadd.s32 v7, v9;
	v12 =	vld.idx.msk [tilespmem:v58+s16+$0x0], $0xffff;
	[tilespmem:s8+$0x10] =	vst v22  }
0xd4: {  	v10 =	vadd.s32 v7, v10;
	v63 =	vld.idx.msk [tilespmem:v61+s16+$0x0], $0xffff;
	[tilespmem:s28+$0x50] =	vst v21  }
0xd5: {  	[tilespmem:s5+$0x70] =	vst v17;
	v8 =	vadd.s32 v7, v8;
	v62 =	vld.idx.msk [tilespmem:v60+s16+$0x0], $0xffff  }
0xd6: {  	v11 =	vadd.s32 v7, v11;
	v14 =	vld.idx.msk [tilespmem:v14+s16+$0x0], $0xffff;
	[tilespmem:s1+$0x70] =	vst v15  }
0xd7: {  	v15 =	vld.idx.msk [tilespmem:v16+s16+$0x0], $0xffff;
	[tilespmem:s9+$0x60] =	vst v13  }
0xd8: {  	[tilespmem:s11+$0x60] =	vst v12;
	v9 =	vld.idx.msk [tilespmem:v9+s16+$0x0], $0xffff  }
0xd9: {  	v10 =	vld.idx.msk [tilespmem:v10+s16+$0x0], $0xffff;
	[tilespmem:s8+$0x20] =	vst v63  }
0xda: {  	v8 =	vld.idx.msk [tilespmem:v8+s16+$0x0], $0xffff;
	[tilespmem:s28+$0x60] =	vst v62  }
0xdb: {  	[tilespmem:s3+$0x70] =	vst v14;
	v11 =	vld.idx.msk [tilespmem:v11+s16+$0x0], $0xffff  }
0xdc: {  	[tilespmem:s0+$0x30] =	vst v15  }
0xdd: {  	[tilespmem:s9+$0x70] =	vst v9  }
0xde: {  	s31 =	sshll.u32 s29, $0x9;
	[tilespmem:s11+$0x70] =	vst v10  }
0xdf: {  	s1 =	sadd.s32 s6, s31;
	[tilespmem:s8+$0x30] =	vst v8  }
0xe0: {  	s26 =	simm.s32 $0x12C00;
	s19 =	sadd.s32 s2, s1;
	[tilespmem:s28+$0x70] =	vst v11;
	s28 =	simm.s32 $0x85F0  }
0xe1: {  	[hbm4b:s19+s17] =	stream.strided.scatter [tilespmem:s26], [sflag:$0x3], $0x2000, s18, s17, $0x38;
	[tilespmem:$0x1AC00] =	vst v63  }
0xe2: {  	v8 =	vld [tilespmem:s28+$0xFFFFFFD0]  }
0xe3: {  	v9 =	vld [tilespmem:s28+$0xFFFFFE50]  }
0xe4: {  	v10 =	vld [tilespmem:s28+$0xFFFFFE90]  }
0xe5: {  	v11 =	vld [tilespmem:s28+$0xFFFFFED0]  }
0xe6: {  	s3 =	simm.s32 $0x10A28;
	v12 =	vld [tilespmem:s28+$0xFFFFFF10]  }
0xe7: {  	v13 =	vld [tilespmem:s28+$0xFFFFFF50];
	[tilespmem:s3+$0xFFFFFFD0] =	vst v8  }
0xe8: {  	[tilespmem:s3+$0xFFFFFE20] =	vst v9;
	v9 =	vld [tilespmem:s28+$0xFFFFFF90]  }
0xe9: {  	[tilespmem:s3+$0xFFFFFE68] =	vst v10;
	v10 =	vld [tilespmem:s28+$0xFFFFFE10]  }
0xea: {  	[tilespmem:s3+$0xFFFFFEB0] =	vst v11;
	v8 =	vld [tilespmem:s28+$0xFFFFFFE0]  }
0xeb: {  	[tilespmem:s3+$0xFFFFFEF8] =	vst v12;
	v11 =	vld [tilespmem:s28+$0xFFFFFE60]  }
0xec: {  	[tilespmem:s3+$0xFFFFFF40] =	vst v13;
	v12 =	vld [tilespmem:s28+$0xFFFFFEA0]  }
0xed: {  	v13 =	vld [tilespmem:s28+$0xFFFFFEE0];
	[tilespmem:s3+$0xFFFFFF88] =	vst v9  }
0xee: {  	[tilespmem:s3+$0xFFFFFDD8] =	vst v10;
	v9 =	vld [tilespmem:s28+$0xFFFFFF20]  }
0xef: {  	[tilespmem:s3+$0xFFFFFFE0] =	vst v8;
	v10 =	vld [tilespmem:s28+$0xFFFFFE20]  }
0xf0: {  	[tilespmem:s3+$0xFFFFFE30] =	vst v11;
	v11 =	vld [tilespmem:s28+$0xFFFFFF60]  }
0xf1: {  	[tilespmem:s3+$0xFFFFFE78] =	vst v12;
	v12 =	vld [tilespmem:s28+$0xFFFFFFA0]  }
0xf2: {  	[tilespmem:s3+$0xFFFFFEC0] =	vst v13;
	v8 =	vld [tilespmem:s28+$0xFFFFFFF0]  }
0xf3: {  	v13 =	vld [tilespmem:s28+$0xFFFFFE70];
	[tilespmem:s3+$0xFFFFFF08] =	vst v9  }
0xf4: {  	v9 =	vld [tilespmem:s28+$0xFFFFFEB0];
	[tilespmem:s3+$0xFFFFFDE8] =	vst v10  }
0xf5: {  	[tilespmem:s3+$0xFFFFFF50] =	vst v11;
	v11 =	vld [tilespmem:s28+$0xFFFFFEF0]  }
0xf6: {  	[tilespmem:s3+$0xFFFFFF98] =	vst v12;
	v10 =	vld [tilespmem:s28+$0xFFFFFE30]  }
0xf7: {  	v12 =	vld [tilespmem:s28+$0xFFFFFF30];
	[tilespmem:s3+$0xFFFFFFF0] =	vst v8  }
0xf8: {  	[tilespmem:s3+$0xFFFFFE40] =	vst v13;
	v13 =	vld [tilespmem:s28+$0xFFFFFF70]  }
0xf9: {  	v8 =	vld [tilespmem:s28+$0x0];
	[tilespmem:s3+$0xFFFFFE88] =	vst v9  }
0xfa: {  	v14 =	vld [tilespmem:s28+$0xFFFFFFB0];
	[tilespmem:s3+$0xFFFFFED0] =	vst v11  }
0xfb: {  	[tilespmem:s3+$0xFFFFFDF8] =	vst v10;
	v10 =	vld [tilespmem:s28+$0xFFFFFE80]  }
0xfc: {  	[tilespmem:s3+$0xFFFFFF18] =	vst v12;
	v15 =	vld [tilespmem:s28+$0xFFFFFE40]  }
0xfd: {  	v11 =	vld [tilespmem:s28+$0xFFFFFEC0];
	[tilespmem:s3+$0xFFFFFF60] =	vst v13  }
0xfe: {  	[tilespmem:s3+$0x0] =	vst v8;
	v8 =	vld [tilespmem:s28+$0xFFFFFF00]  }
0xff: {  	v9 =	vld [tilespmem:s28+$0xFFFFFF40];
	[tilespmem:s3+$0xFFFFFFA8] =	vst v14  }
0x100: {  	[tilespmem:s3+$0xFFFFFE50] =	vst v10;
	v10 =	vld [tilespmem:s28+$0xFFFFFF80]  }
0x101: {  	s5 =	simm.s32 $0x0;
	s0 =	simm.s32 $0x14C70;
	s8 =	simm.s32 $0x87F0;
	v14 =	vld [tilespmem:s28+$0xFFFFFFC0];
	[tilespmem:s3+$0xFFFFFE08] =	vst v15  }
.LBB2_7:
0x102: {  	v12 =	vld [tilespmem:s8+$0xFFFFFFD0];
	s5 =	sadd.s32 $0x8, s5;
	[tilespmem:s3+$0xFFFFFE98] =	vst v11  }
0x103: {  	v11 =	vld [tilespmem:s8+$0xFFFFFE50];
	p1 =	slt.u32 s5, $0x78;
	[tilespmem:s3+$0xFFFFFEE0] =	vst v8  }
0x104: {  	v8 =	vld [tilespmem:s8+$0xFFFFFE90];
	[tilespmem:s3+$0xFFFFFF28] =	vst v9  }
0x105: {  	v9 =	vld [tilespmem:s8+$0xFFFFFED0];
	[tilespmem:s3+$0xFFFFFF70] =	vst v10  }
0x106: {  	v10 =	vld [tilespmem:s8+$0xFFFFFF10];
	[tilespmem:s3+$0xFFFFFFB8] =	vst v14;
	s3 =	sadd.s32 $0x240, s3  }
0x107: {  	v13 =	vld [tilespmem:s8+$0xFFFFFF50];
	[tilespmem:s3+$0xFFFFFFD0] =	vst v12  }
0x108: {  	[tilespmem:s3+$0xFFFFFE20] =	vst v11;
	v11 =	vld [tilespmem:s8+$0xFFFFFFE0]  }
0x109: {  	[tilespmem:s3+$0xFFFFFE68] =	vst v8;
	v8 =	vld [tilespmem:s8+$0xFFFFFF90]  }
0x10a: {  	v12 =	vld [tilespmem:s8+$0xFFFFFE10];
	[tilespmem:s3+$0xFFFFFEB0] =	vst v9  }
0x10b: {  	v9 =	vld [tilespmem:s8+$0xFFFFFE60];
	[tilespmem:s3+$0xFFFFFEF8] =	vst v10  }
0x10c: {  	v10 =	vld [tilespmem:s8+$0xFFFFFEA0];
	[tilespmem:s3+$0xFFFFFF40] =	vst v13  }
0x10d: {  	v13 =	vld [tilespmem:s8+$0xFFFFFEE0];
	[tilespmem:s3+$0xFFFFFFE0] =	vst v11  }
0x10e: {  	[tilespmem:s3+$0xFFFFFF88] =	vst v8;
	v8 =	vld [tilespmem:s8+$0xFFFFFFF0]  }
0x10f: {  	[tilespmem:s3+$0xFFFFFDD8] =	vst v12;
	v11 =	vld [tilespmem:s8+$0xFFFFFF20]  }
0x110: {  	v12 =	vld [tilespmem:s8+$0xFFFFFE20];
	[tilespmem:s3+$0xFFFFFE30] =	vst v9  }
0x111: {  	[tilespmem:s3+$0xFFFFFE78] =	vst v10;
	v9 =	vld [tilespmem:s8+$0xFFFFFF60]  }
0x112: {  	[tilespmem:s3+$0xFFFFFEC0] =	vst v13;
	v10 =	vld [tilespmem:s8+$0xFFFFFFA0]  }
0x113: {  	v13 =	vld [tilespmem:s8+$0xFFFFFE70];
	[tilespmem:s3+$0xFFFFFFF0] =	vst v8  }
0x114: {  	[tilespmem:s3+$0xFFFFFF08] =	vst v11;
	v8 =	vld [tilespmem:s8+$0x0]  }
0x115: {  	[tilespmem:s3+$0xFFFFFDE8] =	vst v12;
	v11 =	vld [tilespmem:s8+$0xFFFFFEB0]  }
0x116: {  	v12 =	vld [tilespmem:s8+$0xFFFFFE30];
	[tilespmem:s3+$0xFFFFFF50] =	vst v9  }
0x117: {  	v9 =	vld [tilespmem:s8+$0xFFFFFEF0];
	[tilespmem:s3+$0xFFFFFF98] =	vst v10  }
0x118: {  	[tilespmem:s3+$0xFFFFFE40] =	vst v13;
	v10 =	vld [tilespmem:s8+$0xFFFFFF30]  }
0x119: {  	s11 =	simm.s32 $0x0;
	s9 =	simm.s32 $0x180;
	v13 =	vld [tilespmem:s8+$0xFFFFFF70];
	[tilespmem:s3+$0x0] =	vst v8  }
0x11a: {  	[tilespmem:s3+$0xFFFFFE88] =	vst v11;
	v14 =	vld [tilespmem:s8+$0xFFFFFFB0]  }
0x11b: {  	[tilespmem:s3+$0xFFFFFDF8] =	vst v12;
	v12 =	vld [tilespmem:s8+$0xFFFFFE80]  }
0x11c: {  	v15 =	vld [tilespmem:s8+$0xFFFFFE40];
	[tilespmem:s3+$0xFFFFFED0] =	vst v9  }
.Ltmp2:
0x11d: {  	v11 =	vld [tilespmem:s8+$0xFFFFFEC0];
	[tilespmem:s3+$0xFFFFFF18] =	vst v10;
	(pc) =	sbr.rel @p1 .LBB2_7-.Ltmp2, $4  }
0x11e: {  	v8 =	vld [tilespmem:s8+$0xFFFFFF00];
	[tilespmem:s3+$0xFFFFFF60] =	vst v13  }
0x11f: {  	v9 =	vld [tilespmem:s8+$0xFFFFFF40];
	[tilespmem:s3+$0xFFFFFFA8] =	vst v14  }
0x120: {  	[tilespmem:s3+$0xFFFFFE50] =	vst v12;
	v10 =	vld [tilespmem:s8+$0xFFFFFF80]  }
0x121: {  	[tilespmem:s3+$0xFFFFFE08] =	vst v15;
	v14 =	vld [tilespmem:s8+$0xFFFFFFC0];
	s8 =	sadd.s32 $0x200, s8  }
0x122: {  	s5 =	simm.s32 $0x1  }
0x123: {  	s12 =	simm.s32 $0x2;
	v12 =	vmov s5  }
0x124: {  	v13 =	vmov s12;
	v12 =	vand.u32 $0x3D, v12  }
0x125: {  	[tilespmem:s3+$0xFFFFFE98] =	vst v11;
	v15 =	vand.u32 $0x3E, v13;
	v11 =	vadd.s32 v0, v12  }
0x126: {  	[tilespmem:s3+$0xFFFFFEE0] =	vst v8;
	v8 =	vadd.s32 v0, v15  }
0x127: {  	s13 =	simm.s32 $0x3;
	[tilespmem:s3+$0xFFFFFF28] =	vst v9;
	v9 =	vmov s11  }
0x128: {  	[tilespmem:s3+$0xFFFFFF70] =	vst v10;
	v13 =	vand.u32 $0x3C, v9;
	v9 =	vmov s13  }
0x129: {  	[tilespmem:s3+$0xFFFFFFB8] =	vst v14;
	v10 =	vadd.s32 v0, v13;
	v14 =	vand.u32 $0x3F, v9  }
0x12a: {  	v9 =	vadd.s32 v0, v14;
	v11 =	vld.idx.msk [tilespmem:v11+s20+$0x0], $0xffff  }
0x12b: {  	s14 =	simm.s32 $0x0;
	v16 =	vadd.s32 v1, v12;
	v8 =	vld.idx.msk [tilespmem:v8+s20+$0x0], $0xffff  }
0x12c: {  	s19 =	simm.s32 $0x80;
	v17 =	vadd.s32 v1, v15;
	s3 =	sand.u32 $0x1C00, s14  }
0x12d: {  	s8 =	simm.s32 $0x100;
	s5 =	sand.u32 $0x280, s19;
	s26 =	sadd.s32 $0x12C00, s3  }
0x12e: {  	s12 =	sand.u32 $0x300, s8;
	s3 =	sor.u32 s5, s26;
	v10 =	vld.idx.msk [tilespmem:v10+s20+$0x0], $0xffff  }
0x12f: {  	v18 =	vadd.s32 v1, v13;
	s8 =	sor.u32 s12, s26;
	v9 =	vld.idx.msk [tilespmem:v9+s20+$0x0], $0xffff;
	[tilespmem:s3+$0x2000] =	vst v11  }
0x130: {  	[tilespmem:s8+$0x2000] =	vst v8;
	v11 =	vadd.s32 v1, v14;
	v8 =	vld.idx.msk [tilespmem:v16+s20+$0x0], $0xffff  }
0x131: {  	v16 =	vld.idx.msk [tilespmem:v17+s20+$0x0], $0xffff;
	v17 =	vadd.s32 v2, v12  }
0x132: {  	s13 =	sand.u32 $0x380, s9;
	v19 =	vadd.s32 v2, v15  }
0x133: {  	s5 =	sor.u32 s13, s26;
	[tilespmem:s0+$0xFFFFFF90] =	vst v10  }
0x134: {  	v10 =	vld.idx.msk [tilespmem:v18+s20+$0x0], $0xffff;
	[tilespmem:s5+$0x2000] =	vst v9  }
0x135: {  	v9 =	vadd.s32 v2, v13;
	v11 =	vld.idx.msk [tilespmem:v11+s20+$0x0], $0xffff;
	[tilespmem:s3+$0x2010] =	vst v8  }
0x136: {  	[tilespmem:s8+$0x2010] =	vst v16;
	v16 =	vadd.s32 v2, v14;
	v8 =	vld.idx.msk [tilespmem:v17+s20+$0x0], $0xffff  }
0x137: {  	v18 =	vadd.s32 v3, v12;
	v17 =	vld.idx.msk [tilespmem:v19+s20+$0x0], $0xffff  }
0x138: {  	v19 =	vadd.s32 v3, v15  }
0x139: {  	[tilespmem:s0+$0xFFFFFFA0] =	vst v10  }
0x13a: {  	v9 =	vld.idx.msk [tilespmem:v9+s20+$0x0], $0xffff;
	[tilespmem:s5+$0x2010] =	vst v11  }
0x13b: {  	v10 =	vadd.s32 v3, v13;
	v11 =	vld.idx.msk [tilespmem:v16+s20+$0x0], $0xffff;
	[tilespmem:s3+$0x2020] =	vst v8  }
0x13c: {  	s14 =	simm.s32 $0x4;
	[tilespmem:s8+$0x2020] =	vst v17;
	v17 =	vadd.s32 v3, v14;
	v16 =	vld.idx.msk [tilespmem:v18+s20+$0x0], $0xffff  }
0x13d: {  	s19 =	simm.s32 $0x5;
	v8 =	vmov s14;
	v18 =	vadd.s32 v4, v12;
	v19 =	vld.idx.msk [tilespmem:v19+s20+$0x0], $0xffff  }
0x13e: {  	v20 =	vmov s19;
	v21 =	vadd.s32 v4, v15;
	v8 =	vand.u32 $0x3C, v8  }
0x13f: {  	s26 =	simm.s32 $0x6;
	[tilespmem:s0+$0xFFFFFFB0] =	vst v9;
	v9 =	vand.u32 $0x3D, v20;
	v22 =	vadd.s32 v0, v8  }
0x140: {  	v20 =	vmov s26;
	v23 =	vld.idx.msk [tilespmem:v10+s20+$0x0], $0xffff;
	v24 =	vadd.s32 v0, v9;
	[tilespmem:s5+$0x2020] =	vst v11  }
0x141: {  	s11 =	simm.s32 $0x7;
	v25 =	vadd.s32 v4, v13;
	v10 =	vand.u32 $0x3E, v20;
	[tilespmem:s3+$0x2030] =	vst v16;
	v16 =	vld.idx.msk [tilespmem:v17+s20+$0x0], $0xffff  }
0x142: {  	v11 =	vmov s11;
	v17 =	vadd.s32 v0, v10;
	[tilespmem:s8+$0x2030] =	vst v19;
	v18 =	vld.idx.msk [tilespmem:v18+s20+$0x0], $0xffff  }
0x143: {  	v20 =	vadd.s32 v4, v14;
	v11 =	vand.u32 $0x3F, v11;
	v19 =	vld.idx.msk [tilespmem:v21+s20+$0x0], $0xffff  }
0x144: {  	v26 =	vadd.s32 v0, v11;
	v21 =	vld.idx.msk [tilespmem:v22+s20+$0x0], $0xffff  }
0x145: {  	v22 =	vadd.s32 v5, v12;
	v24 =	vld.idx.msk [tilespmem:v24+s20+$0x0], $0xffff;
	[tilespmem:s0+$0xFFFFFFC0] =	vst v23  }
0x146: {  	v55 =	vadd.s32 v5, v15;
	s12 =	simm.s32 $0x200;
	v23 =	vld.idx.msk [tilespmem:v25+s20+$0x0], $0xffff  }
0x147: {  	s13 =	simm.s32 $0x280;
	s9 =	sand.u32 $0x1C00, s12;
	v27 =	vadd.s32 v1, v8;
	v17 =	vld.idx.msk [tilespmem:v17+s20+$0x0], $0xffff;
	[tilespmem:s5+$0x2030] =	vst v16  }
0x148: {  	s11 =	sand.u32 $0x280, s13;
	s13 =	sadd.s32 $0x12C00, s9;
	s9 =	simm.s32 $0x14E70;
	v16 =	vadd.s32 v5, v13;
	[tilespmem:s3+$0x2040] =	vst v18;
	v18 =	vld.idx.msk [tilespmem:v20+s20+$0x0], $0xffff  }
0x149: {  	v20 =	vadd.s32 v1, v9;
	[tilespmem:s9+$0xFFFFFF90] =	vst v21;
	v21 =	vld.idx.msk [tilespmem:v26+s20+$0x0], $0xffff  }
0x14a: {  	s14 =	simm.s32 $0x300;
	s26 =	sor.u32 s11, s13;
	[tilespmem:s8+$0x2040] =	vst v19;
	v19 =	vadd.s32 v1, v10;
	v22 =	vld.idx.msk [tilespmem:v22+s20+$0x0], $0xffff  }
0x14b: {  	v57 =	vadd.s32 v5, v14;
	s11 =	sand.u32 $0x300, s14;
	[tilespmem:s26+$0x2000] =	vst v24;
	v56 =	vld.idx.msk [tilespmem:v55+s20+$0x0], $0xffff  }
0x14c: {  	s28 =	simm.s32 $0x380;
	s12 =	sor.u32 s11, s13;
	v59 =	vadd.s32 v1, v11;
	v58 =	vld.idx.msk [tilespmem:v27+s20+$0x0], $0xffff;
	[tilespmem:s0+$0xFFFFFFD0] =	vst v23  }
0x14d: {  	s19 =	sand.u32 $0x380, s28;
	v23 =	vadd.s32 v6, v12;
	[tilespmem:s12+$0x2000] =	vst v17;
	v16 =	vld.idx.msk [tilespmem:v16+s20+$0x0], $0xffff  }
0x14e: {  	s11 =	sor.u32 s19, s13;
	v17 =	vadd.s32 v6, v15;
	v20 =	vld.idx.msk [tilespmem:v20+s20+$0x0], $0xffff;
	[tilespmem:s5+$0x2040] =	vst v18  }
0x14f: {  	v18 =	vadd.s32 v2, v8;
	v19 =	vld.idx.msk [tilespmem:v19+s20+$0x0], $0xffff;
	[tilespmem:s11+$0x2000] =	vst v21  }
0x150: {  	v62 =	vadd.s32 v6, v13;
	[tilespmem:s3+$0x2050] =	vst v22;
	v21 =	vld.idx.msk [tilespmem:v57+s20+$0x0], $0xffff  }
0x151: {  	v22 =	vadd.s32 v2, v9;
	[tilespmem:s8+$0x2050] =	vst v56;
	v27 =	vld.idx.msk [tilespmem:v59+s20+$0x0], $0xffff  }
0x152: {  	v60 =	vadd.s32 v2, v10;
	[tilespmem:s9+$0xFFFFFFA0] =	vst v58;
	v23 =	vld.idx.msk [tilespmem:v23+s20+$0x0], $0xffff  }
0x153: {  	v61 =	vadd.s32 v6, v14;
	v17 =	vld.idx.msk [tilespmem:v17+s20+$0x0], $0xffff;
	[tilespmem:s0+$0xFFFFFFE0] =	vst v16  }
0x154: {  	v15 =	vadd.s32 v7, v15;
	v16 =	vld.idx.msk [tilespmem:v18+s20+$0x0], $0xffff;
	[tilespmem:s26+$0x2010] =	vst v20  }
0x155: {  	v12 =	vadd.s32 v7, v12;
	[tilespmem:s12+$0x2010] =	vst v19;
	v18 =	vld.idx.msk [tilespmem:v62+s20+$0x0], $0xffff  }
0x156: {  	v19 =	vadd.s32 v2, v11;
	v20 =	vld.idx.msk [tilespmem:v22+s20+$0x0], $0xffff;
	[tilespmem:s5+$0x2050] =	vst v21  }
0x157: {  	v63 =	vadd.s32 v3, v9;
	v22 =	vld.idx.msk [tilespmem:v60+s20+$0x0], $0xffff;
	[tilespmem:s11+$0x2010] =	vst v27  }
0x158: {  	v28 =	vadd.s32 v3, v10;
	v24 =	vld.idx.msk [tilespmem:v61+s20+$0x0], $0xffff;
	[tilespmem:s8+$0x2060] =	vst v17  }
0x159: {  	[tilespmem:s3+$0x2060] =	vst v23;
	v17 =	vld.idx.msk [tilespmem:v15+s20+$0x0], $0xffff  }
0x15a: {  	v14 =	vadd.s32 v7, v14;
	[tilespmem:s9+$0xFFFFFFB0] =	vst v16;
	v15 =	vld.idx.msk [tilespmem:v12+s20+$0x0], $0xffff  }
0x15b: {  	v21 =	vld.idx.msk [tilespmem:v19+s20+$0x0], $0xffff;
	v16 =	vadd.s32 v7, v13;
	[tilespmem:s26+$0x2020] =	vst v20  }
0x15c: {  	v23 =	vadd.s32 v3, v8;
	[tilespmem:s12+$0x2020] =	vst v22;
	v19 =	vld.idx.msk [tilespmem:v63+s20+$0x0], $0xffff  }
0x15d: {  	s13 =	simm.s32 $0x8;
	v12 =	vadd.s32 v4, v9;
	v22 =	vadd.s32 v3, v11;
	v20 =	vld.idx.msk [tilespmem:v28+s20+$0x0], $0xffff;
	[tilespmem:s5+$0x2060] =	vst v24  }
.LBB2_9:
0x15e: {  	s14 =	sadd.s32 $0x1, s13  }
0x15f: {  	v13 =	vmov s13;
	p1 =	slt.u32 s13, $0x3C;
	v24 =	vadd.s32 v4, v8;
	[tilespmem:s0+$0xFFFFFFF0] =	vst v18;
	v14 =	vld.idx.msk [tilespmem:v14+s20+$0x0], $0xffff;
	s19 =	smov.u32 s13;
	s13 =	sadd.s32 $0x4, s13  }
0x160: {  	v25 =	vadd.s32 v4, v10;
	v13 =	vand.u32 $0x3C, v13;
	v18 =	vmov s14;
	s14 =	sadd.s32 $0x2, s19;
	v16 =	vld.idx.msk [tilespmem:v16+s20+$0x0], $0xffff;
	[tilespmem:s8+$0x2070] =	vst v17;
	s8 =	smov.u32 s12  }
0x161: {  	s12 =	sadd.s32 $0x3, s19;
	v17 =	vadd.s32 v0, v13;
	v18 =	vand.u32 $0x3D, v18;
	v26 =	vmov s14;
	v23 =	vld.idx.msk [tilespmem:v23+s20+$0x0], $0xffff;
	[tilespmem:s3+$0x2070] =	vst v15;
	s3 =	smov.u32 s26  }
0x162: {  	v27 =	vmov s12;
	v15 =	vadd.s32 v0, v18;
	v26 =	vand.u32 $0x3E, v26;
	[tilespmem:s11+$0x2020] =	vst v21  }
0x163: {  	v21 =	vadd.s32 v4, v18;
	v27 =	vand.u32 $0x3F, v27;
	v28 =	vadd.s32 v0, v26;
	[tilespmem:s3+$0x2030] =	vst v19;
	v19 =	vld.idx.msk [tilespmem:v22+s20+$0x0], $0xffff  }
0x164: {  	v22 =	vadd.s32 v0, v27;
	v29 =	vld.idx.msk [tilespmem:v12+s20+$0x0], $0xffff;
	[tilespmem:s8+$0x2030] =	vst v20;
	v12 =	vmov v21  }
0x165: {  	v21 =	vadd.s32 v4, v11;
	v20 =	vld.idx.msk [tilespmem:v25+s20+$0x0], $0xffff;
	[tilespmem:s5+$0x2070] =	vst v14;
	s5 =	smov.u32 s11  }
0x166: {  	v14 =	vld.idx.msk [tilespmem:v17+s20+$0x0], $0xffff;
	v17 =	vadd.s32 v5, v9;
	[tilespmem:s0+$0x0] =	vst v16;
	s0 =	smov.u32 s9  }
0x167: {  	v15 =	vld.idx.msk [tilespmem:v15+s20+$0x0], $0xffff;
	[tilespmem:s9+$0xFFFFFFC0] =	vst v23  }
0x168: {  	s28 =	sadd.s32 $0x200, s28;
	v23 =	vadd.s32 v5, v10;
	v16 =	vld.idx.msk [tilespmem:v24+s20+$0x0], $0xffff  }
0x169: {  	s11 =	sadd.s32 $0xFFFFFE80, s28;
	v24 =	vadd.s32 v1, v13;
	v25 =	vld.idx.msk [tilespmem:v28+s20+$0x0], $0xffff;
	[tilespmem:s5+$0x2030] =	vst v19  }
0x16a: {  	s12 =	sadd.s32 $0xFFFFFF00, s28;
	s11 =	sand.u32 $0x1C00, s11;
	v19 =	vadd.s32 v5, v8;
	[tilespmem:s3+$0x2040] =	vst v29;
	v21 =	vld.idx.msk [tilespmem:v21+s20+$0x0], $0xffff  }
0x16b: {  	s12 =	sand.u32 $0x280, s12;
	s11 =	sadd.s32 $0x12C00, s11;
	s9 =	sadd.s32 $0x200, s9;
	v28 =	vadd.s32 v1, v18;
	v17 =	vld.idx.msk [tilespmem:v17+s20+$0x0], $0xffff;
	[tilespmem:s8+$0x2040] =	vst v20  }
0x16c: {  	s26 =	sor.u32 s12, s11;
	s12 =	sadd.s32 $0xFFFFFF80, s28;
	[tilespmem:s9+$0xFFFFFF90] =	vst v14;
	v14 =	vadd.s32 v1, v26;
	v20 =	vld.idx.msk [tilespmem:v22+s20+$0x0], $0xffff  }
0x16d: {  	s12 =	sand.u32 $0x300, s12;
	v22 =	vadd.s32 v5, v11;
	[tilespmem:s26+$0x2000] =	vst v15;
	v15 =	vld.idx.msk [tilespmem:v23+s20+$0x0], $0xffff  }
0x16e: {  	s12 =	sor.u32 s12, s11;
	v23 =	vld.idx.msk [tilespmem:v24+s20+$0x0], $0xffff;
	[tilespmem:s0+$0xFFFFFFD0] =	vst v16;
	v16 =	vadd.s32 v6, v9  }
0x16f: {  	v24 =	vadd.s32 v6, v10;
	[tilespmem:s12+$0x2000] =	vst v25;
	v19 =	vld.idx.msk [tilespmem:v19+s20+$0x0], $0xffff  }
0x170: {  	s14 =	sand.u32 $0x380, s28;
	v25 =	vld.idx.msk [tilespmem:v28+s20+$0x0], $0xffff;
	v28 =	vadd.s32 v1, v27;
	[tilespmem:s5+$0x2040] =	vst v21  }
0x171: {  	s11 =	sor.u32 s14, s11;
	v21 =	vadd.s32 v2, v13;
	v14 =	vld.idx.msk [tilespmem:v14+s20+$0x0], $0xffff;
	[tilespmem:s3+$0x2050] =	vst v17  }
0x172: {  	v17 =	vadd.s32 v2, v18;
	[tilespmem:s11+$0x2000] =	vst v20;
	v20 =	vld.idx.msk [tilespmem:v22+s20+$0x0], $0xffff  }
0x173: {  	v22 =	vadd.s32 v2, v26;
	v16 =	vld.idx.msk [tilespmem:v16+s20+$0x0], $0xffff;
	[tilespmem:s8+$0x2050] =	vst v15  }
0x174: {  	v15 =	vadd.s32 v6, v8;
	[tilespmem:s9+$0xFFFFFFA0] =	vst v23;
	v23 =	vld.idx.msk [tilespmem:v24+s20+$0x0], $0xffff;
	v24 =	vadd.s32 v6, v11  }
0x175: {  	v28 =	vld.idx.msk [tilespmem:v28+s20+$0x0], $0xffff;
	[tilespmem:s0+$0xFFFFFFE0] =	vst v19  }
0x176: {  	v19 =	vld.idx.msk [tilespmem:v21+s20+$0x0], $0xffff;
	[tilespmem:s26+$0x2010] =	vst v25;
	v21 =	vadd.s32 v7, v10;
	v10 =	vmov v26  }
0x177: {  	v26 =	vadd.s32 v7, v9;
	v9 =	vmov v18;
	v25 =	vld.idx.msk [tilespmem:v17+s20+$0x0], $0xffff;
	[tilespmem:s12+$0x2010] =	vst v14  }
0x178: {  	v29 =	vadd.s32 v2, v27;
	v22 =	vld.idx.msk [tilespmem:v22+s20+$0x0], $0xffff;
	[tilespmem:s5+$0x2050] =	vst v20  }
0x179: {  	v20 =	vadd.s32 v3, v9;
	[tilespmem:s3+$0x2060] =	vst v16;
	v24 =	vld.idx.msk [tilespmem:v24+s20+$0x0], $0xffff  }
0x17a: {  	v30 =	vadd.s32 v3, v10;
	v18 =	vld.idx.msk [tilespmem:v15+s20+$0x0], $0xffff;
	[tilespmem:s8+$0x2060] =	vst v23  }
.Ltmp3:
0x17b: {  	v14 =	vadd.s32 v7, v11;
	v16 =	vadd.s32 v7, v8;
	v8 =	vmov v13;
	[tilespmem:s11+$0x2010] =	vst v28;
	v17 =	vld.idx.msk [tilespmem:v21+s20+$0x0], $0xffff;
	(pc) =	sbr.rel @p1 .LBB2_9-.Ltmp3, $4  }
0x17c: {  	v11 =	vmov v27;
	[tilespmem:s9+$0xFFFFFFB0] =	vst v19;
	v15 =	vld.idx.msk [tilespmem:v26+s20+$0x0], $0xffff  }
0x17d: {  	v23 =	vadd.s32 v3, v8;
	[tilespmem:s26+$0x2020] =	vst v25;
	v21 =	vld.idx.msk [tilespmem:v29+s20+$0x0], $0xffff  }
0x17e: {  	v19 =	vld.idx.msk [tilespmem:v20+s20+$0x0], $0xffff;
	[tilespmem:s12+$0x2020] =	vst v22  }
0x17f: {  	v22 =	vadd.s32 v3, v11;
	v20 =	vld.idx.msk [tilespmem:v30+s20+$0x0], $0xffff;
	[tilespmem:s5+$0x2060] =	vst v24  }
0x180: {  	_ =	sdelay $0x3  }
0x181: {  	v13 =	vadd.s32 v4, v10;
	v46 =	vld.idx.msk [tilespmem:v23+s20+$0x0], $0xffff;
	[tilespmem:s11+$0x2020] =	vst v21  }
0x182: {  	v24 =	vadd.s32 v4, v8;
	v21 =	vld.idx.msk [tilespmem:v22+s20+$0x0], $0xffff  }
0x183: {  	v47 =	vadd.s32 v4, v11  }
0x184: {  	[tilespmem:s26+$0x2030] =	vst v19  }
0x185: {  	[tilespmem:s12+$0x2030] =	vst v20;
	v12 =	vld.idx.msk [tilespmem:v12+s20+$0x0], $0xffff  }
0x186: {  	v49 =	vadd.s32 v5, v9;
	v13 =	vld.idx.msk [tilespmem:v13+s20+$0x0], $0xffff;
	[tilespmem:s9+$0xFFFFFFC0] =	vst v46  }
0x187: {  	v48 =	vadd.s32 v5, v10;
	v22 =	vld.idx.msk [tilespmem:v24+s20+$0x0], $0xffff;
	[tilespmem:s11+$0x2030] =	vst v21  }
0x188: {  	v51 =	vadd.s32 v5, v8;
	v21 =	vld.idx.msk [tilespmem:v47+s20+$0x0], $0xffff  }
0x189: {  	v50 =	vadd.s32 v5, v11  }
0x18a: {  	[tilespmem:s26+$0x2040] =	vst v12  }
0x18b: {  	[tilespmem:s12+$0x2040] =	vst v13;
	v53 =	vld.idx.msk [tilespmem:v49+s20+$0x0], $0xffff  }
0x18c: {  	v55 =	vadd.s32 v6, v9;
	v52 =	vld.idx.msk [tilespmem:v48+s20+$0x0], $0xffff;
	[tilespmem:s9+$0xFFFFFFD0] =	vst v22  }
0x18d: {  	v54 =	vadd.s32 v6, v10;
	v22 =	vld.idx.msk [tilespmem:v51+s20+$0x0], $0xffff;
	[tilespmem:s11+$0x2040] =	vst v21  }
0x18e: {  	v57 =	vadd.s32 v6, v8;
	v21 =	vld.idx.msk [tilespmem:v50+s20+$0x0], $0xffff  }
0x18f: {  	v56 =	vadd.s32 v6, v11;
	[tilespmem:s0+$0xFFFFFFF0] =	vst v18  }
0x190: {  	[tilespmem:s26+$0x2050] =	vst v53  }
0x191: {  	[tilespmem:s12+$0x2050] =	vst v52;
	v13 =	vld.idx.msk [tilespmem:v55+s20+$0x0], $0xffff  }
0x192: {  	v59 =	vadd.s32 v7, v9;
	v12 =	vld.idx.msk [tilespmem:v54+s20+$0x0], $0xffff;
	[tilespmem:s9+$0xFFFFFFE0] =	vst v22  }
0x193: {  	v58 =	vadd.s32 v7, v10;
	v61 =	vld.idx.msk [tilespmem:v57+s20+$0x0], $0xffff;
	[tilespmem:s11+$0x2050] =	vst v21  }
0x194: {  	[tilespmem:s8+$0x2070] =	vst v17;
	v8 =	vadd.s32 v7, v8;
	v60 =	vld.idx.msk [tilespmem:v56+s20+$0x0], $0xffff  }
0x195: {  	v62 =	vadd.s32 v7, v11;
	v14 =	vld.idx.msk [tilespmem:v14+s20+$0x0], $0xffff;
	[tilespmem:s3+$0x2070] =	vst v15  }
0x196: {  	v63 =	vld.idx.msk [tilespmem:v16+s20+$0x0], $0xffff;
	[tilespmem:s26+$0x2060] =	vst v13  }
0x197: {  	[tilespmem:s12+$0x2060] =	vst v12;
	v9 =	vld.idx.msk [tilespmem:v59+s20+$0x0], $0xffff  }
0x198: {  	v10 =	vld.idx.msk [tilespmem:v58+s20+$0x0], $0xffff;
	[tilespmem:s9+$0xFFFFFFF0] =	vst v61  }
0x199: {  	v8 =	vld.idx.msk [tilespmem:v8+s20+$0x0], $0xffff;
	[tilespmem:s11+$0x2060] =	vst v60  }
0x19a: {  	[tilespmem:s5+$0x2070] =	vst v14;
	v11 =	vld.idx.msk [tilespmem:v62+s20+$0x0], $0xffff  }
0x19b: {  	p1 =	sne.s32 s29, $0x31;
	[tilespmem:s0+$0x0] =	vst v63  }
.Ltmp4:
0x19c: {  	[tilespmem:s26+$0x2070] =	vst v9;
	(pc) =	sbr.rel @p1 .LBB2_12-.Ltmp4, $4  }
0x19d: {  	[tilespmem:s12+$0x2070] =	vst v10  }
0x19e: {  	[tilespmem:s9+$0x0] =	vst v8  }
0x19f: {  	s28 =	sadd.s32 s1, s7;
	[tilespmem:s11+$0x2070] =	vst v11  }
0x1a0: {  	[hbm4b:s28+s17] =	stream.strided.scatter [tilespmem:s21], [sflag:$0x3], $0x2000, s18, s17, $0x38;
	[tilespmem:$0x1AC00] =	vst v63  }
.Ltmp5:
0x1a1: {  	(pc) =	sbr.rel .LBB2_13-.Ltmp5, $4  }
0x1a2: {  	_ = 	snop  }
0x1a3: {  	_ =	swait.ge [sflag:s22], $0x4000  }
0x1a4: {  	[sflag:s22] =	ssyncset.done $0x0  }
0x1a5: {  	[sflag:s22] =	ssyncadd.s32 $0xFFFFC000  }
.LBB2_12:
0x1a6: {  	s0 =	sand.u32 $0x3FFFFE00, s31  }
0x1a7: {  	s3 =	simm.s32 $0x6400;
	s1 =	sadd.s32 $0x200, s0  }
0x1a8: {  	[tilespmem:s3], [sflag:$0x1] =	stream.indirect.gather [hbm4b:s4+s10], $0x40, s1, s10, $0xb8;
	[tilespmem:$0x1AC00] =	vst v63  }
.Ltmp6:
0x1a9: {  	s31 =	simm.s32 $0x8400;
	s0 =	sadd.s32 $0x280, s0;
	(pc) =	sbr.rel @p0 .LBB2_14-.Ltmp6, $4  }
0x1aa: {  	[tilespmem:s31], [sflag:$0x1] =	stream.indirect.gather [hbm4b:s4+s10], $0x40, s0, s10, $0xb8;
	[tilespmem:$0x1AC00] =	vst v63  }
0x1ab: {  	_ =	swait.ge [sflag:s22], $0x4000  }
0x1ac: {  	[sflag:s22] =	ssyncset.done $0x0  }
0x1ad: {  	[sflag:s22] =	ssyncadd.s32 $0xFFFFC000  }
.LBB2_13:
0x1ae: {  	_ =	swait.ge [sflag:s23], $0x4000  }
0x1af: {  	[sflag:s23] =	ssyncset.done $0x0  }
0x1b0: {  	[sflag:s23] =	ssyncadd.s32 $0xFFFFC000  }
.LBB2_14:
0x1b1: {  	s5 =	simm.s32 $0xA500  }
0x1b2: {  	v8 =	vld [tilespmem:s5+$0xC0]  }
0x1b3: {  	v9 =	vld [tilespmem:s5+$0xFFFFFF40]  }
0x1b4: {  	v10 =	vld [tilespmem:s5+$0xFFFFFF80]  }
0x1b5: {  	v11 =	vld [tilespmem:s5+$0xFFFFFFC0]  }
0x1b6: {  	s1 =	simm.s32 $0xE520;
	v12 =	vld [tilespmem:s5+$0x0]  }
0x1b7: {  	v13 =	vld [tilespmem:s5+$0x40];
	[tilespmem:s1+$0xD8] =	vst v8  }
0x1b8: {  	[tilespmem:s1+$0xFFFFFF28] =	vst v9;
	v9 =	vld [tilespmem:s5+$0x80]  }
0x1b9: {  	[tilespmem:s1+$0xFFFFFF70] =	vst v10;
	v10 =	vld [tilespmem:s5+$0xFFFFFF00]  }
0x1ba: {  	[tilespmem:s1+$0xFFFFFFB8] =	vst v11;
	v8 =	vld [tilespmem:s5+$0xD0]  }
0x1bb: {  	[tilespmem:s1+$0x0] =	vst v12;
	v11 =	vld [tilespmem:s5+$0xFFFFFF50]  }
0x1bc: {  	[tilespmem:s1+$0x48] =	vst v13;
	v12 =	vld [tilespmem:s5+$0xFFFFFF90]  }
0x1bd: {  	v13 =	vld [tilespmem:s5+$0xFFFFFFD0];
	[tilespmem:s1+$0x90] =	vst v9  }
0x1be: {  	[tilespmem:s1+$0xFFFFFEE0] =	vst v10;
	v9 =	vld [tilespmem:s5+$0x10]  }
0x1bf: {  	[tilespmem:s1+$0xE8] =	vst v8;
	v10 =	vld [tilespmem:s5+$0xFFFFFF10]  }
0x1c0: {  	[tilespmem:s1+$0xFFFFFF38] =	vst v11;
	v11 =	vld [tilespmem:s5+$0x50]  }
0x1c1: {  	[tilespmem:s1+$0xFFFFFF80] =	vst v12;
	v12 =	vld [tilespmem:s5+$0x90]  }
0x1c2: {  	[tilespmem:s1+$0xFFFFFFC8] =	vst v13;
	v8 =	vld [tilespmem:s5+$0xE0]  }
0x1c3: {  	v13 =	vld [tilespmem:s5+$0xFFFFFF60];
	[tilespmem:s1+$0x10] =	vst v9  }
0x1c4: {  	v9 =	vld [tilespmem:s5+$0xFFFFFFA0];
	[tilespmem:s1+$0xFFFFFEF0] =	vst v10  }
0x1c5: {  	[tilespmem:s1+$0x58] =	vst v11;
	v11 =	vld [tilespmem:s5+$0xFFFFFFE0]  }
0x1c6: {  	[tilespmem:s1+$0xA0] =	vst v12;
	v10 =	vld [tilespmem:s5+$0xFFFFFF20]  }
0x1c7: {  	v12 =	vld [tilespmem:s5+$0x20];
	[tilespmem:s1+$0xF8] =	vst v8  }
0x1c8: {  	[tilespmem:s1+$0xFFFFFF48] =	vst v13;
	v13 =	vld [tilespmem:s5+$0x60]  }
0x1c9: {  	v8 =	vld [tilespmem:s5+$0xF0];
	[tilespmem:s1+$0xFFFFFF90] =	vst v9  }
0x1ca: {  	v14 =	vld [tilespmem:s5+$0xA0];
	[tilespmem:s1+$0xFFFFFFD8] =	vst v11  }
0x1cb: {  	[tilespmem:s1+$0xFFFFFF00] =	vst v10;
	v10 =	vld [tilespmem:s5+$0xFFFFFF70]  }
0x1cc: {  	[tilespmem:s1+$0x20] =	vst v12;
	v15 =	vld [tilespmem:s5+$0xFFFFFF30]  }
0x1cd: {  	v11 =	vld [tilespmem:s5+$0xFFFFFFB0];
	[tilespmem:s1+$0x68] =	vst v13  }
0x1ce: {  	[tilespmem:s1+$0x108] =	vst v8;
	v8 =	vld [tilespmem:s5+$0xFFFFFFF0]  }
0x1cf: {  	v9 =	vld [tilespmem:s5+$0x30];
	[tilespmem:s1+$0xB0] =	vst v14  }
0x1d0: {  	[tilespmem:s1+$0xFFFFFF58] =	vst v10;
	v10 =	vld [tilespmem:s5+$0x70]  }
0x1d1: {  	s3 =	simm.s32 $0x0;
	s0 =	simm.s32 $0x16C40;
	v14 =	vld [tilespmem:s5+$0xB0];
	s5 =	simm.s32 $0xA700;
	[tilespmem:s1+$0xFFFFFF10] =	vst v15  }
.LBB2_15:
0x1d2: {  	v12 =	vld [tilespmem:s5+$0xC0];
	s3 =	sadd.s32 $0x8, s3;
	[tilespmem:s1+$0xFFFFFFA0] =	vst v11  }
0x1d3: {  	v11 =	vld [tilespmem:s5+$0xFFFFFF40];
	p0 =	slt.u32 s3, $0x78;
	[tilespmem:s1+$0xFFFFFFE8] =	vst v8  }
0x1d4: {  	v8 =	vld [tilespmem:s5+$0xFFFFFF80];
	[tilespmem:s1+$0x30] =	vst v9  }
0x1d5: {  	v9 =	vld [tilespmem:s5+$0xFFFFFFC0];
	[tilespmem:s1+$0x78] =	vst v10  }
0x1d6: {  	v10 =	vld [tilespmem:s5+$0x0];
	[tilespmem:s1+$0xC0] =	vst v14;
	s1 =	sadd.s32 $0x240, s1  }
0x1d7: {  	v13 =	vld [tilespmem:s5+$0x40];
	[tilespmem:s1+$0xD8] =	vst v12  }
0x1d8: {  	[tilespmem:s1+$0xFFFFFF28] =	vst v11;
	v11 =	vld [tilespmem:s5+$0xD0]  }
0x1d9: {  	[tilespmem:s1+$0xFFFFFF70] =	vst v8;
	v8 =	vld [tilespmem:s5+$0x80]  }
0x1da: {  	v12 =	vld [tilespmem:s5+$0xFFFFFF00];
	[tilespmem:s1+$0xFFFFFFB8] =	vst v9  }
0x1db: {  	v9 =	vld [tilespmem:s5+$0xFFFFFF50];
	[tilespmem:s1+$0x0] =	vst v10  }
0x1dc: {  	v10 =	vld [tilespmem:s5+$0xFFFFFF90];
	[tilespmem:s1+$0x48] =	vst v13  }
0x1dd: {  	v13 =	vld [tilespmem:s5+$0xFFFFFFD0];
	[tilespmem:s1+$0xE8] =	vst v11  }
0x1de: {  	[tilespmem:s1+$0x90] =	vst v8;
	v8 =	vld [tilespmem:s5+$0xE0]  }
0x1df: {  	[tilespmem:s1+$0xFFFFFEE0] =	vst v12;
	v11 =	vld [tilespmem:s5+$0x10]  }
0x1e0: {  	v12 =	vld [tilespmem:s5+$0xFFFFFF10];
	[tilespmem:s1+$0xFFFFFF38] =	vst v9  }
0x1e1: {  	[tilespmem:s1+$0xFFFFFF80] =	vst v10;
	v9 =	vld [tilespmem:s5+$0x50]  }
0x1e2: {  	[tilespmem:s1+$0xFFFFFFC8] =	vst v13;
	v10 =	vld [tilespmem:s5+$0x90]  }
0x1e3: {  	v13 =	vld [tilespmem:s5+$0xFFFFFF60];
	[tilespmem:s1+$0xF8] =	vst v8  }
0x1e4: {  	[tilespmem:s1+$0x10] =	vst v11;
	v8 =	vld [tilespmem:s5+$0xF0]  }
0x1e5: {  	[tilespmem:s1+$0xFFFFFEF0] =	vst v12;
	v11 =	vld [tilespmem:s5+$0xFFFFFFA0]  }
0x1e6: {  	v12 =	vld [tilespmem:s5+$0xFFFFFF20];
	[tilespmem:s1+$0x58] =	vst v9  }
0x1e7: {  	v9 =	vld [tilespmem:s5+$0xFFFFFFE0];
	[tilespmem:s1+$0xA0] =	vst v10  }
0x1e8: {  	[tilespmem:s1+$0xFFFFFF48] =	vst v13;
	v10 =	vld [tilespmem:s5+$0x20]  }
0x1e9: {  	s9 =	simm.s32 $0x0;
	s8 =	simm.s32 $0x180;
	v13 =	vld [tilespmem:s5+$0x60];
	[tilespmem:s1+$0x108] =	vst v8  }
0x1ea: {  	[tilespmem:s1+$0xFFFFFF90] =	vst v11;
	v14 =	vld [tilespmem:s5+$0xA0]  }
0x1eb: {  	[tilespmem:s1+$0xFFFFFF00] =	vst v12;
	v12 =	vld [tilespmem:s5+$0xFFFFFF70]  }
0x1ec: {  	v15 =	vld [tilespmem:s5+$0xFFFFFF30];
	[tilespmem:s1+$0xFFFFFFD8] =	vst v9  }
.Ltmp7:
0x1ed: {  	v11 =	vld [tilespmem:s5+$0xFFFFFFB0];
	[tilespmem:s1+$0x20] =	vst v10;
	(pc) =	sbr.rel @p0 .LBB2_15-.Ltmp7, $4  }
0x1ee: {  	v8 =	vld [tilespmem:s5+$0xFFFFFFF0];
	[tilespmem:s1+$0x68] =	vst v13  }
0x1ef: {  	v9 =	vld [tilespmem:s5+$0x30];
	[tilespmem:s1+$0xB0] =	vst v14  }
0x1f0: {  	[tilespmem:s1+$0xFFFFFF58] =	vst v12;
	v10 =	vld [tilespmem:s5+$0x70]  }
0x1f1: {  	[tilespmem:s1+$0xFFFFFF10] =	vst v15;
	v14 =	vld [tilespmem:s5+$0xB0];
	s5 =	sadd.s32 $0x200, s5  }
0x1f2: {  	s3 =	simm.s32 $0x1  }
0x1f3: {  	s14 =	simm.s32 $0x2;
	v12 =	vmov s3  }
0x1f4: {  	v13 =	vmov s14;
	v12 =	vand.u32 $0x3D, v12  }
0x1f5: {  	[tilespmem:s1+$0xFFFFFFA0] =	vst v11;
	v15 =	vand.u32 $0x3E, v13;
	v11 =	vadd.s32 v0, v12  }
0x1f6: {  	[tilespmem:s1+$0xFFFFFFE8] =	vst v8;
	v8 =	vadd.s32 v0, v15  }
0x1f7: {  	s19 =	simm.s32 $0x3;
	[tilespmem:s1+$0x30] =	vst v9;
	v9 =	vmov s9  }
0x1f8: {  	[tilespmem:s1+$0x78] =	vst v10;
	v13 =	vand.u32 $0x3C, v9;
	v9 =	vmov s19  }
0x1f9: {  	[tilespmem:s1+$0xC0] =	vst v14;
	v10 =	vadd.s32 v0, v13;
	v14 =	vand.u32 $0x3F, v9  }
0x1fa: {  	v9 =	vadd.s32 v0, v14;
	v11 =	vld.idx.msk [tilespmem:v11+s16+$0x0], $0xffff  }
0x1fb: {  	s26 =	simm.s32 $0x0;
	v16 =	vadd.s32 v1, v12;
	v8 =	vld.idx.msk [tilespmem:v8+s16+$0x0], $0xffff  }
0x1fc: {  	s28 =	simm.s32 $0x80;
	v17 =	vadd.s32 v1, v15;
	s1 =	sand.u32 $0x1C00, s26  }
0x1fd: {  	s5 =	simm.s32 $0x100;
	s3 =	sand.u32 $0x280, s28;
	s31 =	sadd.s32 $0x16C00, s1  }
0x1fe: {  	s11 =	sand.u32 $0x300, s5;
	s1 =	sor.u32 s3, s31;
	v10 =	vld.idx.msk [tilespmem:v10+s16+$0x0], $0xffff  }
0x1ff: {  	v18 =	vadd.s32 v1, v13;
	s5 =	sor.u32 s11, s31;
	v9 =	vld.idx.msk [tilespmem:v9+s16+$0x0], $0xffff;
	[tilespmem:s1+$0x0] =	vst v11  }
0x200: {  	[tilespmem:s5+$0x0] =	vst v8;
	v11 =	vadd.s32 v1, v14;
	v8 =	vld.idx.msk [tilespmem:v16+s16+$0x0], $0xffff  }
0x201: {  	v16 =	vld.idx.msk [tilespmem:v17+s16+$0x0], $0xffff;
	v17 =	vadd.s32 v2, v12  }
0x202: {  	s12 =	sand.u32 $0x380, s8;
	v19 =	vadd.s32 v2, v15  }
0x203: {  	s3 =	sor.u32 s12, s31;
	[tilespmem:s0+$0xFFFFFFC0] =	vst v10  }
0x204: {  	v10 =	vld.idx.msk [tilespmem:v18+s16+$0x0], $0xffff;
	[tilespmem:s3+$0x0] =	vst v9  }
0x205: {  	v9 =	vadd.s32 v2, v13;
	v11 =	vld.idx.msk [tilespmem:v11+s16+$0x0], $0xffff;
	[tilespmem:s1+$0x10] =	vst v8  }
0x206: {  	[tilespmem:s5+$0x10] =	vst v16;
	v16 =	vadd.s32 v2, v14;
	v8 =	vld.idx.msk [tilespmem:v17+s16+$0x0], $0xffff  }
0x207: {  	v18 =	vadd.s32 v3, v12;
	v17 =	vld.idx.msk [tilespmem:v19+s16+$0x0], $0xffff  }
0x208: {  	v19 =	vadd.s32 v3, v15  }
0x209: {  	[tilespmem:s0+$0xFFFFFFD0] =	vst v10  }
0x20a: {  	v9 =	vld.idx.msk [tilespmem:v9+s16+$0x0], $0xffff;
	[tilespmem:s3+$0x10] =	vst v11  }
0x20b: {  	v10 =	vadd.s32 v3, v13;
	v11 =	vld.idx.msk [tilespmem:v16+s16+$0x0], $0xffff;
	[tilespmem:s1+$0x20] =	vst v8  }
0x20c: {  	s13 =	simm.s32 $0x4;
	[tilespmem:s5+$0x20] =	vst v17;
	v17 =	vadd.s32 v3, v14;
	v16 =	vld.idx.msk [tilespmem:v18+s16+$0x0], $0xffff  }
0x20d: {  	s14 =	simm.s32 $0x5;
	v8 =	vmov s13;
	v18 =	vadd.s32 v4, v12;
	v19 =	vld.idx.msk [tilespmem:v19+s16+$0x0], $0xffff  }
0x20e: {  	v20 =	vmov s14;
	v21 =	vadd.s32 v4, v15;
	v8 =	vand.u32 $0x3C, v8  }
0x20f: {  	s19 =	simm.s32 $0x6;
	[tilespmem:s0+$0xFFFFFFE0] =	vst v9;
	v9 =	vand.u32 $0x3D, v20;
	v22 =	vadd.s32 v0, v8  }
0x210: {  	v20 =	vmov s19;
	v23 =	vld.idx.msk [tilespmem:v10+s16+$0x0], $0xffff;
	v24 =	vadd.s32 v0, v9;
	[tilespmem:s3+$0x20] =	vst v11  }
0x211: {  	v25 =	vadd.s32 v4, v13;
	s26 =	simm.s32 $0x7;
	v10 =	vand.u32 $0x3E, v20;
	[tilespmem:s1+$0x30] =	vst v16;
	v16 =	vld.idx.msk [tilespmem:v17+s16+$0x0], $0xffff  }
0x212: {  	v11 =	vmov s26;
	v17 =	vadd.s32 v0, v10;
	[tilespmem:s5+$0x30] =	vst v19;
	v18 =	vld.idx.msk [tilespmem:v18+s16+$0x0], $0xffff  }
0x213: {  	v20 =	vadd.s32 v4, v14;
	v11 =	vand.u32 $0x3F, v11;
	v19 =	vld.idx.msk [tilespmem:v21+s16+$0x0], $0xffff  }
0x214: {  	v26 =	vadd.s32 v0, v11;
	v21 =	vld.idx.msk [tilespmem:v22+s16+$0x0], $0xffff  }
0x215: {  	v22 =	vadd.s32 v5, v12;
	v24 =	vld.idx.msk [tilespmem:v24+s16+$0x0], $0xffff;
	[tilespmem:s0+$0xFFFFFFF0] =	vst v23  }
0x216: {  	s28 =	simm.s32 $0x200;
	v55 =	vadd.s32 v5, v15;
	v23 =	vld.idx.msk [tilespmem:v25+s16+$0x0], $0xffff  }
0x217: {  	s8 =	sand.u32 $0x1C00, s28;
	v27 =	vadd.s32 v1, v8;
	v17 =	vld.idx.msk [tilespmem:v17+s16+$0x0], $0xffff;
	[tilespmem:s3+$0x30] =	vst v16  }
0x218: {  	s31 =	simm.s32 $0x280;
	s11 =	sadd.s32 $0x16C00, s8;
	s8 =	simm.s32 $0x16E40;
	v16 =	vadd.s32 v5, v13;
	[tilespmem:s1+$0x40] =	vst v18;
	v18 =	vld.idx.msk [tilespmem:v20+s16+$0x0], $0xffff  }
0x219: {  	s9 =	sand.u32 $0x280, s31;
	v20 =	vadd.s32 v1, v9;
	[tilespmem:s8+$0xFFFFFFC0] =	vst v21;
	v21 =	vld.idx.msk [tilespmem:v26+s16+$0x0], $0xffff  }
0x21a: {  	s12 =	simm.s32 $0x300;
	s9 =	sor.u32 s9, s11;
	[tilespmem:s5+$0x40] =	vst v19;
	v19 =	vadd.s32 v1, v10;
	v22 =	vld.idx.msk [tilespmem:v22+s16+$0x0], $0xffff  }
0x21b: {  	v57 =	vadd.s32 v5, v14;
	s12 =	sand.u32 $0x300, s12;
	[tilespmem:s9+$0x0] =	vst v24;
	v56 =	vld.idx.msk [tilespmem:v55+s16+$0x0], $0xffff  }
0x21c: {  	s12 =	sor.u32 s12, s11;
	s26 =	simm.s32 $0x380;
	v59 =	vadd.s32 v1, v11;
	v58 =	vld.idx.msk [tilespmem:v27+s16+$0x0], $0xffff;
	[tilespmem:s0+$0x0] =	vst v23  }
0x21d: {  	s13 =	sand.u32 $0x380, s26;
	v23 =	vadd.s32 v6, v12;
	[tilespmem:s12+$0x0] =	vst v17;
	v16 =	vld.idx.msk [tilespmem:v16+s16+$0x0], $0xffff  }
0x21e: {  	s11 =	sor.u32 s13, s11;
	v17 =	vadd.s32 v6, v15;
	v20 =	vld.idx.msk [tilespmem:v20+s16+$0x0], $0xffff;
	[tilespmem:s3+$0x40] =	vst v18  }
0x21f: {  	v18 =	vadd.s32 v2, v8;
	v19 =	vld.idx.msk [tilespmem:v19+s16+$0x0], $0xffff;
	[tilespmem:s11+$0x0] =	vst v21  }
0x220: {  	v62 =	vadd.s32 v6, v13;
	[tilespmem:s1+$0x50] =	vst v22;
	v21 =	vld.idx.msk [tilespmem:v57+s16+$0x0], $0xffff  }
0x221: {  	v22 =	vadd.s32 v2, v9;
	[tilespmem:s5+$0x50] =	vst v56;
	v27 =	vld.idx.msk [tilespmem:v59+s16+$0x0], $0xffff  }
0x222: {  	v60 =	vadd.s32 v2, v10;
	[tilespmem:s8+$0xFFFFFFD0] =	vst v58;
	v23 =	vld.idx.msk [tilespmem:v23+s16+$0x0], $0xffff  }
0x223: {  	v61 =	vadd.s32 v6, v14;
	v17 =	vld.idx.msk [tilespmem:v17+s16+$0x0], $0xffff;
	[tilespmem:s0+$0x10] =	vst v16  }
0x224: {  	v15 =	vadd.s32 v7, v15;
	v16 =	vld.idx.msk [tilespmem:v18+s16+$0x0], $0xffff;
	[tilespmem:s9+$0x10] =	vst v20  }
0x225: {  	v12 =	vadd.s32 v7, v12;
	[tilespmem:s12+$0x10] =	vst v19;
	v18 =	vld.idx.msk [tilespmem:v62+s16+$0x0], $0xffff  }
0x226: {  	v19 =	vadd.s32 v2, v11;
	v20 =	vld.idx.msk [tilespmem:v22+s16+$0x0], $0xffff;
	[tilespmem:s3+$0x50] =	vst v21  }
0x227: {  	v63 =	vadd.s32 v3, v9;
	v22 =	vld.idx.msk [tilespmem:v60+s16+$0x0], $0xffff;
	[tilespmem:s11+$0x10] =	vst v27  }
0x228: {  	v28 =	vadd.s32 v3, v10;
	v24 =	vld.idx.msk [tilespmem:v61+s16+$0x0], $0xffff;
	[tilespmem:s5+$0x60] =	vst v17  }
0x229: {  	[tilespmem:s1+$0x60] =	vst v23;
	v17 =	vld.idx.msk [tilespmem:v15+s16+$0x0], $0xffff  }
0x22a: {  	v14 =	vadd.s32 v7, v14;
	[tilespmem:s8+$0xFFFFFFE0] =	vst v16;
	v15 =	vld.idx.msk [tilespmem:v12+s16+$0x0], $0xffff  }
0x22b: {  	v21 =	vld.idx.msk [tilespmem:v19+s16+$0x0], $0xffff;
	v16 =	vadd.s32 v7, v13;
	[tilespmem:s9+$0x20] =	vst v20  }
0x22c: {  	v23 =	vadd.s32 v3, v8;
	[tilespmem:s12+$0x20] =	vst v22;
	v19 =	vld.idx.msk [tilespmem:v63+s16+$0x0], $0xffff  }
0x22d: {  	s13 =	simm.s32 $0x8;
	v12 =	vadd.s32 v4, v9;
	v22 =	vadd.s32 v3, v11;
	v20 =	vld.idx.msk [tilespmem:v28+s16+$0x0], $0xffff;
	[tilespmem:s3+$0x60] =	vst v24  }
.LBB2_17:
0x22e: {  	s14 =	sadd.s32 $0x1, s13  }
0x22f: {  	v13 =	vmov s13;
	p0 =	slt.u32 s13, $0x3C;
	v24 =	vadd.s32 v4, v8;
	[tilespmem:s0+$0x20] =	vst v18;
	v14 =	vld.idx.msk [tilespmem:v14+s16+$0x0], $0xffff;
	s19 =	smov.u32 s13;
	s13 =	sadd.s32 $0x4, s13  }
0x230: {  	v25 =	vadd.s32 v4, v10;
	v13 =	vand.u32 $0x3C, v13;
	v18 =	vmov s14;
	s14 =	sadd.s32 $0x2, s19;
	v16 =	vld.idx.msk [tilespmem:v16+s16+$0x0], $0xffff;
	[tilespmem:s5+$0x70] =	vst v17;
	s5 =	smov.u32 s12  }
0x231: {  	s12 =	sadd.s32 $0x3, s19;
	v17 =	vadd.s32 v0, v13;
	v18 =	vand.u32 $0x3D, v18;
	v26 =	vmov s14;
	v23 =	vld.idx.msk [tilespmem:v23+s16+$0x0], $0xffff;
	[tilespmem:s1+$0x70] =	vst v15;
	s1 =	smov.u32 s9  }
0x232: {  	v27 =	vmov s12;
	v15 =	vadd.s32 v0, v18;
	v26 =	vand.u32 $0x3E, v26;
	[tilespmem:s11+$0x20] =	vst v21  }
0x233: {  	v21 =	vadd.s32 v4, v18;
	v27 =	vand.u32 $0x3F, v27;
	v28 =	vadd.s32 v0, v26;
	[tilespmem:s1+$0x30] =	vst v19;
	v19 =	vld.idx.msk [tilespmem:v22+s16+$0x0], $0xffff  }
0x234: {  	v22 =	vadd.s32 v0, v27;
	v29 =	vld.idx.msk [tilespmem:v12+s16+$0x0], $0xffff;
	[tilespmem:s5+$0x30] =	vst v20;
	v12 =	vmov v21  }
0x235: {  	v21 =	vadd.s32 v4, v11;
	v20 =	vld.idx.msk [tilespmem:v25+s16+$0x0], $0xffff;
	[tilespmem:s3+$0x70] =	vst v14;
	s3 =	smov.u32 s11  }
0x236: {  	v14 =	vld.idx.msk [tilespmem:v17+s16+$0x0], $0xffff;
	v17 =	vadd.s32 v5, v9;
	[tilespmem:s0+$0x30] =	vst v16;
	s0 =	smov.u32 s8  }
0x237: {  	v15 =	vld.idx.msk [tilespmem:v15+s16+$0x0], $0xffff;
	[tilespmem:s8+$0xFFFFFFF0] =	vst v23  }
0x238: {  	s26 =	sadd.s32 $0x200, s26;
	v23 =	vadd.s32 v5, v10;
	v16 =	vld.idx.msk [tilespmem:v24+s16+$0x0], $0xffff  }
0x239: {  	s9 =	sadd.s32 $0xFFFFFE80, s26;
	v24 =	vadd.s32 v1, v13;
	v25 =	vld.idx.msk [tilespmem:v28+s16+$0x0], $0xffff;
	[tilespmem:s3+$0x30] =	vst v19  }
0x23a: {  	s9 =	sand.u32 $0x1C00, s9;
	s11 =	sadd.s32 $0xFFFFFF00, s26;
	v19 =	vadd.s32 v5, v8;
	[tilespmem:s1+$0x40] =	vst v29;
	v21 =	vld.idx.msk [tilespmem:v21+s16+$0x0], $0xffff  }
0x23b: {  	s14 =	sadd.s32 $0x16C00, s9;
	s11 =	sand.u32 $0x280, s11;
	s8 =	sadd.s32 $0x200, s8;
	v28 =	vadd.s32 v1, v18;
	v17 =	vld.idx.msk [tilespmem:v17+s16+$0x0], $0xffff;
	[tilespmem:s5+$0x40] =	vst v20  }
0x23c: {  	s9 =	sor.u32 s11, s14;
	s11 =	sadd.s32 $0xFFFFFF80, s26;
	[tilespmem:s8+$0xFFFFFFC0] =	vst v14;
	v14 =	vadd.s32 v1, v26;
	v20 =	vld.idx.msk [tilespmem:v22+s16+$0x0], $0xffff  }
0x23d: {  	s11 =	sand.u32 $0x300, s11;
	v22 =	vadd.s32 v5, v11;
	[tilespmem:s9+$0x0] =	vst v15;
	v15 =	vld.idx.msk [tilespmem:v23+s16+$0x0], $0xffff  }
0x23e: {  	s12 =	sor.u32 s11, s14;
	v23 =	vld.idx.msk [tilespmem:v24+s16+$0x0], $0xffff;
	[tilespmem:s0+$0x0] =	vst v16;
	v16 =	vadd.s32 v6, v9  }
0x23f: {  	v24 =	vadd.s32 v6, v10;
	[tilespmem:s12+$0x0] =	vst v25;
	v19 =	vld.idx.msk [tilespmem:v19+s16+$0x0], $0xffff  }
0x240: {  	s11 =	sand.u32 $0x380, s26;
	v25 =	vld.idx.msk [tilespmem:v28+s16+$0x0], $0xffff;
	v28 =	vadd.s32 v1, v27;
	[tilespmem:s3+$0x40] =	vst v21  }
0x241: {  	s11 =	sor.u32 s11, s14;
	v21 =	vadd.s32 v2, v13;
	v14 =	vld.idx.msk [tilespmem:v14+s16+$0x0], $0xffff;
	[tilespmem:s1+$0x50] =	vst v17  }
0x242: {  	v17 =	vadd.s32 v2, v18;
	[tilespmem:s11+$0x0] =	vst v20;
	v20 =	vld.idx.msk [tilespmem:v22+s16+$0x0], $0xffff  }
0x243: {  	v22 =	vadd.s32 v2, v26;
	v16 =	vld.idx.msk [tilespmem:v16+s16+$0x0], $0xffff;
	[tilespmem:s5+$0x50] =	vst v15  }
0x244: {  	v15 =	vadd.s32 v6, v8;
	[tilespmem:s8+$0xFFFFFFD0] =	vst v23;
	v23 =	vld.idx.msk [tilespmem:v24+s16+$0x0], $0xffff;
	v24 =	vadd.s32 v6, v11  }
0x245: {  	v28 =	vld.idx.msk [tilespmem:v28+s16+$0x0], $0xffff;
	[tilespmem:s0+$0x10] =	vst v19  }
0x246: {  	v19 =	vld.idx.msk [tilespmem:v21+s16+$0x0], $0xffff;
	[tilespmem:s9+$0x10] =	vst v25;
	v21 =	vadd.s32 v7, v10;
	v10 =	vmov v26  }
0x247: {  	v26 =	vadd.s32 v7, v9;
	v9 =	vmov v18;
	v25 =	vld.idx.msk [tilespmem:v17+s16+$0x0], $0xffff;
	[tilespmem:s12+$0x10] =	vst v14  }
0x248: {  	v29 =	vadd.s32 v2, v27;
	v22 =	vld.idx.msk [tilespmem:v22+s16+$0x0], $0xffff;
	[tilespmem:s3+$0x50] =	vst v20  }
0x249: {  	v20 =	vadd.s32 v3, v9;
	[tilespmem:s1+$0x60] =	vst v16;
	v24 =	vld.idx.msk [tilespmem:v24+s16+$0x0], $0xffff  }
0x24a: {  	v30 =	vadd.s32 v3, v10;
	v18 =	vld.idx.msk [tilespmem:v15+s16+$0x0], $0xffff;
	[tilespmem:s5+$0x60] =	vst v23  }
.Ltmp8:
0x24b: {  	v14 =	vadd.s32 v7, v11;
	v16 =	vadd.s32 v7, v8;
	v8 =	vmov v13;
	[tilespmem:s11+$0x10] =	vst v28;
	v17 =	vld.idx.msk [tilespmem:v21+s16+$0x0], $0xffff;
	(pc) =	sbr.rel @p0 .LBB2_17-.Ltmp8, $4  }
0x24c: {  	v11 =	vmov v27;
	[tilespmem:s8+$0xFFFFFFE0] =	vst v19;
	v15 =	vld.idx.msk [tilespmem:v26+s16+$0x0], $0xffff  }
0x24d: {  	v23 =	vadd.s32 v3, v8;
	[tilespmem:s9+$0x20] =	vst v25;
	v21 =	vld.idx.msk [tilespmem:v29+s16+$0x0], $0xffff  }
0x24e: {  	v19 =	vld.idx.msk [tilespmem:v20+s16+$0x0], $0xffff;
	[tilespmem:s12+$0x20] =	vst v22  }
0x24f: {  	v22 =	vadd.s32 v3, v11;
	v20 =	vld.idx.msk [tilespmem:v30+s16+$0x0], $0xffff;
	[tilespmem:s3+$0x60] =	vst v24  }
0x250: {  	_ =	sdelay $0x3  }
0x251: {  	v13 =	vadd.s32 v4, v10;
	v52 =	vld.idx.msk [tilespmem:v23+s16+$0x0], $0xffff;
	[tilespmem:s11+$0x20] =	vst v21  }
0x252: {  	v24 =	vadd.s32 v4, v8;
	v21 =	vld.idx.msk [tilespmem:v22+s16+$0x0], $0xffff  }
0x253: {  	v53 =	vadd.s32 v4, v11  }
0x254: {  	[tilespmem:s9+$0x30] =	vst v19  }
0x255: {  	[tilespmem:s12+$0x30] =	vst v20;
	v12 =	vld.idx.msk [tilespmem:v12+s16+$0x0], $0xffff  }
0x256: {  	v55 =	vadd.s32 v5, v9;
	v13 =	vld.idx.msk [tilespmem:v13+s16+$0x0], $0xffff;
	[tilespmem:s8+$0xFFFFFFF0] =	vst v52  }
0x257: {  	v54 =	vadd.s32 v5, v10;
	v22 =	vld.idx.msk [tilespmem:v24+s16+$0x0], $0xffff;
	[tilespmem:s11+$0x30] =	vst v21  }
0x258: {  	v57 =	vadd.s32 v5, v8;
	v21 =	vld.idx.msk [tilespmem:v53+s16+$0x0], $0xffff  }
0x259: {  	v56 =	vadd.s32 v5, v11  }
0x25a: {  	[tilespmem:s9+$0x40] =	vst v12  }
0x25b: {  	[tilespmem:s12+$0x40] =	vst v13;
	v13 =	vld.idx.msk [tilespmem:v55+s16+$0x0], $0xffff  }
0x25c: {  	v59 =	vadd.s32 v6, v9;
	v12 =	vld.idx.msk [tilespmem:v54+s16+$0x0], $0xffff;
	[tilespmem:s8+$0x0] =	vst v22  }
0x25d: {  	v58 =	vadd.s32 v6, v10;
	v22 =	vld.idx.msk [tilespmem:v57+s16+$0x0], $0xffff;
	[tilespmem:s11+$0x40] =	vst v21  }
0x25e: {  	v61 =	vadd.s32 v6, v8;
	v21 =	vld.idx.msk [tilespmem:v56+s16+$0x0], $0xffff  }
0x25f: {  	v60 =	vadd.s32 v6, v11;
	[tilespmem:s0+$0x20] =	vst v18  }
0x260: {  	[tilespmem:s9+$0x50] =	vst v13  }
0x261: {  	[tilespmem:s12+$0x50] =	vst v12;
	v13 =	vld.idx.msk [tilespmem:v59+s16+$0x0], $0xffff  }
0x262: {  	v9 =	vadd.s32 v7, v9;
	v12 =	vld.idx.msk [tilespmem:v58+s16+$0x0], $0xffff;
	[tilespmem:s8+$0x10] =	vst v22  }
0x263: {  	v10 =	vadd.s32 v7, v10;
	v63 =	vld.idx.msk [tilespmem:v61+s16+$0x0], $0xffff;
	[tilespmem:s11+$0x50] =	vst v21  }
0x264: {  	[tilespmem:s5+$0x70] =	vst v17;
	v8 =	vadd.s32 v7, v8;
	v62 =	vld.idx.msk [tilespmem:v60+s16+$0x0], $0xffff  }
0x265: {  	v11 =	vadd.s32 v7, v11;
	v14 =	vld.idx.msk [tilespmem:v14+s16+$0x0], $0xffff;
	[tilespmem:s1+$0x70] =	vst v15  }
0x266: {  	v15 =	vld.idx.msk [tilespmem:v16+s16+$0x0], $0xffff;
	[tilespmem:s9+$0x60] =	vst v13  }
0x267: {  	[tilespmem:s12+$0x60] =	vst v12;
	v9 =	vld.idx.msk [tilespmem:v9+s16+$0x0], $0xffff  }
0x268: {  	v10 =	vld.idx.msk [tilespmem:v10+s16+$0x0], $0xffff;
	[tilespmem:s8+$0x20] =	vst v63  }
0x269: {  	v8 =	vld.idx.msk [tilespmem:v8+s16+$0x0], $0xffff;
	[tilespmem:s11+$0x60] =	vst v62  }
0x26a: {  	[tilespmem:s3+$0x70] =	vst v14;
	v11 =	vld.idx.msk [tilespmem:v11+s16+$0x0], $0xffff  }
0x26b: {  	[tilespmem:s0+$0x30] =	vst v15  }
0x26c: {  	[tilespmem:s9+$0x70] =	vst v9  }
0x26d: {  	[tilespmem:s12+$0x70] =	vst v10  }
0x26e: {  	s1 =	sadd.s32 s6, s30;
	[tilespmem:s8+$0x30] =	vst v8  }
0x26f: {  	s31 =	simm.s32 $0xC5F0;
	s30 =	sadd.s32 s2, s1;
	[tilespmem:s11+$0x70] =	vst v11  }
0x270: {  	[hbm4b:s30+s17] =	stream.strided.scatter [tilespmem:s24], [sflag:$0x4], $0x2000, s18, s17, $0x38;
	[tilespmem:$0x1AC00] =	vst v63  }
0x271: {  	v8 =	vld [tilespmem:s31+$0xFFFFFFD0]  }
0x272: {  	v9 =	vld [tilespmem:s31+$0xFFFFFE50]  }
0x273: {  	v10 =	vld [tilespmem:s31+$0xFFFFFE90]  }
0x274: {  	v11 =	vld [tilespmem:s31+$0xFFFFFED0]  }
0x275: {  	s3 =	simm.s32 $0x10A28;
	v12 =	vld [tilespmem:s31+$0xFFFFFF10]  }
0x276: {  	v13 =	vld [tilespmem:s31+$0xFFFFFF50];
	[tilespmem:s3+$0xFFFFFFD0] =	vst v8  }
0x277: {  	[tilespmem:s3+$0xFFFFFE20] =	vst v9;
	v9 =	vld [tilespmem:s31+$0xFFFFFF90]  }
0x278: {  	[tilespmem:s3+$0xFFFFFE68] =	vst v10;
	v10 =	vld [tilespmem:s31+$0xFFFFFE10]  }
0x279: {  	[tilespmem:s3+$0xFFFFFEB0] =	vst v11;
	v8 =	vld [tilespmem:s31+$0xFFFFFFE0]  }
0x27a: {  	[tilespmem:s3+$0xFFFFFEF8] =	vst v12;
	v11 =	vld [tilespmem:s31+$0xFFFFFE60]  }
0x27b: {  	[tilespmem:s3+$0xFFFFFF40] =	vst v13;
	v12 =	vld [tilespmem:s31+$0xFFFFFEA0]  }
0x27c: {  	v13 =	vld [tilespmem:s31+$0xFFFFFEE0];
	[tilespmem:s3+$0xFFFFFF88] =	vst v9  }
0x27d: {  	[tilespmem:s3+$0xFFFFFDD8] =	vst v10;
	v9 =	vld [tilespmem:s31+$0xFFFFFF20]  }
0x27e: {  	[tilespmem:s3+$0xFFFFFFE0] =	vst v8;
	v10 =	vld [tilespmem:s31+$0xFFFFFE20]  }
0x27f: {  	[tilespmem:s3+$0xFFFFFE30] =	vst v11;
	v11 =	vld [tilespmem:s31+$0xFFFFFF60]  }
0x280: {  	[tilespmem:s3+$0xFFFFFE78] =	vst v12;
	v12 =	vld [tilespmem:s31+$0xFFFFFFA0]  }
0x281: {  	[tilespmem:s3+$0xFFFFFEC0] =	vst v13;
	v8 =	vld [tilespmem:s31+$0xFFFFFFF0]  }
0x282: {  	v13 =	vld [tilespmem:s31+$0xFFFFFE70];
	[tilespmem:s3+$0xFFFFFF08] =	vst v9  }
0x283: {  	v9 =	vld [tilespmem:s31+$0xFFFFFEB0];
	[tilespmem:s3+$0xFFFFFDE8] =	vst v10  }
0x284: {  	[tilespmem:s3+$0xFFFFFF50] =	vst v11;
	v11 =	vld [tilespmem:s31+$0xFFFFFEF0]  }
0x285: {  	[tilespmem:s3+$0xFFFFFF98] =	vst v12;
	v10 =	vld [tilespmem:s31+$0xFFFFFE30]  }
0x286: {  	v12 =	vld [tilespmem:s31+$0xFFFFFF30];
	[tilespmem:s3+$0xFFFFFFF0] =	vst v8  }
0x287: {  	[tilespmem:s3+$0xFFFFFE40] =	vst v13;
	v13 =	vld [tilespmem:s31+$0xFFFFFF70]  }
0x288: {  	v8 =	vld [tilespmem:s31+$0x0];
	[tilespmem:s3+$0xFFFFFE88] =	vst v9  }
0x289: {  	v14 =	vld [tilespmem:s31+$0xFFFFFFB0];
	[tilespmem:s3+$0xFFFFFED0] =	vst v11  }
0x28a: {  	[tilespmem:s3+$0xFFFFFDF8] =	vst v10;
	v10 =	vld [tilespmem:s31+$0xFFFFFE80]  }
0x28b: {  	[tilespmem:s3+$0xFFFFFF18] =	vst v12;
	v15 =	vld [tilespmem:s31+$0xFFFFFE40]  }
0x28c: {  	v11 =	vld [tilespmem:s31+$0xFFFFFEC0];
	[tilespmem:s3+$0xFFFFFF60] =	vst v13  }
0x28d: {  	[tilespmem:s3+$0x0] =	vst v8;
	v8 =	vld [tilespmem:s31+$0xFFFFFF00]  }
0x28e: {  	v9 =	vld [tilespmem:s31+$0xFFFFFF40];
	[tilespmem:s3+$0xFFFFFFA8] =	vst v14  }
0x28f: {  	[tilespmem:s3+$0xFFFFFE50] =	vst v10;
	v10 =	vld [tilespmem:s31+$0xFFFFFF80]  }
0x290: {  	s5 =	simm.s32 $0x0;
	s0 =	simm.s32 $0x18C70;
	s8 =	simm.s32 $0xC7F0;
	v14 =	vld [tilespmem:s31+$0xFFFFFFC0];
	[tilespmem:s3+$0xFFFFFE08] =	vst v15  }
.LBB2_19:
0x291: {  	v12 =	vld [tilespmem:s8+$0xFFFFFFD0];
	s5 =	sadd.s32 $0x8, s5;
	[tilespmem:s3+$0xFFFFFE98] =	vst v11  }
0x292: {  	v11 =	vld [tilespmem:s8+$0xFFFFFE50];
	p0 =	slt.u32 s5, $0x78;
	[tilespmem:s3+$0xFFFFFEE0] =	vst v8  }
0x293: {  	v8 =	vld [tilespmem:s8+$0xFFFFFE90];
	[tilespmem:s3+$0xFFFFFF28] =	vst v9  }
0x294: {  	v9 =	vld [tilespmem:s8+$0xFFFFFED0];
	[tilespmem:s3+$0xFFFFFF70] =	vst v10  }
0x295: {  	v10 =	vld [tilespmem:s8+$0xFFFFFF10];
	[tilespmem:s3+$0xFFFFFFB8] =	vst v14;
	s3 =	sadd.s32 $0x240, s3  }
0x296: {  	v13 =	vld [tilespmem:s8+$0xFFFFFF50];
	[tilespmem:s3+$0xFFFFFFD0] =	vst v12  }
0x297: {  	[tilespmem:s3+$0xFFFFFE20] =	vst v11;
	v11 =	vld [tilespmem:s8+$0xFFFFFFE0]  }
0x298: {  	[tilespmem:s3+$0xFFFFFE68] =	vst v8;
	v8 =	vld [tilespmem:s8+$0xFFFFFF90]  }
0x299: {  	v12 =	vld [tilespmem:s8+$0xFFFFFE10];
	[tilespmem:s3+$0xFFFFFEB0] =	vst v9  }
0x29a: {  	v9 =	vld [tilespmem:s8+$0xFFFFFE60];
	[tilespmem:s3+$0xFFFFFEF8] =	vst v10  }
0x29b: {  	v10 =	vld [tilespmem:s8+$0xFFFFFEA0];
	[tilespmem:s3+$0xFFFFFF40] =	vst v13  }
0x29c: {  	v13 =	vld [tilespmem:s8+$0xFFFFFEE0];
	[tilespmem:s3+$0xFFFFFFE0] =	vst v11  }
0x29d: {  	[tilespmem:s3+$0xFFFFFF88] =	vst v8;
	v8 =	vld [tilespmem:s8+$0xFFFFFFF0]  }
0x29e: {  	[tilespmem:s3+$0xFFFFFDD8] =	vst v12;
	v11 =	vld [tilespmem:s8+$0xFFFFFF20]  }
0x29f: {  	v12 =	vld [tilespmem:s8+$0xFFFFFE20];
	[tilespmem:s3+$0xFFFFFE30] =	vst v9  }
0x2a0: {  	[tilespmem:s3+$0xFFFFFE78] =	vst v10;
	v9 =	vld [tilespmem:s8+$0xFFFFFF60]  }
0x2a1: {  	[tilespmem:s3+$0xFFFFFEC0] =	vst v13;
	v10 =	vld [tilespmem:s8+$0xFFFFFFA0]  }
0x2a2: {  	v13 =	vld [tilespmem:s8+$0xFFFFFE70];
	[tilespmem:s3+$0xFFFFFFF0] =	vst v8  }
0x2a3: {  	[tilespmem:s3+$0xFFFFFF08] =	vst v11;
	v8 =	vld [tilespmem:s8+$0x0]  }
0x2a4: {  	[tilespmem:s3+$0xFFFFFDE8] =	vst v12;
	v11 =	vld [tilespmem:s8+$0xFFFFFEB0]  }
0x2a5: {  	v12 =	vld [tilespmem:s8+$0xFFFFFE30];
	[tilespmem:s3+$0xFFFFFF50] =	vst v9  }
0x2a6: {  	v9 =	vld [tilespmem:s8+$0xFFFFFEF0];
	[tilespmem:s3+$0xFFFFFF98] =	vst v10  }
0x2a7: {  	[tilespmem:s3+$0xFFFFFE40] =	vst v13;
	v10 =	vld [tilespmem:s8+$0xFFFFFF30]  }
0x2a8: {  	s11 =	simm.s32 $0x0;
	s9 =	simm.s32 $0x180;
	v13 =	vld [tilespmem:s8+$0xFFFFFF70];
	[tilespmem:s3+$0x0] =	vst v8  }
0x2a9: {  	[tilespmem:s3+$0xFFFFFE88] =	vst v11;
	v14 =	vld [tilespmem:s8+$0xFFFFFFB0]  }
0x2aa: {  	[tilespmem:s3+$0xFFFFFDF8] =	vst v12;
	v12 =	vld [tilespmem:s8+$0xFFFFFE80]  }
0x2ab: {  	v15 =	vld [tilespmem:s8+$0xFFFFFE40];
	[tilespmem:s3+$0xFFFFFED0] =	vst v9  }
.Ltmp9:
0x2ac: {  	v11 =	vld [tilespmem:s8+$0xFFFFFEC0];
	[tilespmem:s3+$0xFFFFFF18] =	vst v10;
	(pc) =	sbr.rel @p0 .LBB2_19-.Ltmp9, $4  }
0x2ad: {  	v8 =	vld [tilespmem:s8+$0xFFFFFF00];
	[tilespmem:s3+$0xFFFFFF60] =	vst v13  }
0x2ae: {  	v9 =	vld [tilespmem:s8+$0xFFFFFF40];
	[tilespmem:s3+$0xFFFFFFA8] =	vst v14  }
0x2af: {  	[tilespmem:s3+$0xFFFFFE50] =	vst v12;
	v10 =	vld [tilespmem:s8+$0xFFFFFF80]  }
0x2b0: {  	[tilespmem:s3+$0xFFFFFE08] =	vst v15;
	v14 =	vld [tilespmem:s8+$0xFFFFFFC0];
	s8 =	sadd.s32 $0x200, s8  }
0x2b1: {  	s5 =	simm.s32 $0x1  }
0x2b2: {  	s14 =	simm.s32 $0x2;
	v12 =	vmov s5  }
0x2b3: {  	v13 =	vmov s14;
	v12 =	vand.u32 $0x3D, v12  }
0x2b4: {  	[tilespmem:s3+$0xFFFFFE98] =	vst v11;
	v15 =	vand.u32 $0x3E, v13;
	v11 =	vadd.s32 v0, v12  }
0x2b5: {  	[tilespmem:s3+$0xFFFFFEE0] =	vst v8;
	v8 =	vadd.s32 v0, v15  }
0x2b6: {  	s19 =	simm.s32 $0x3;
	[tilespmem:s3+$0xFFFFFF28] =	vst v9;
	v9 =	vmov s11  }
0x2b7: {  	[tilespmem:s3+$0xFFFFFF70] =	vst v10;
	v13 =	vand.u32 $0x3C, v9;
	v9 =	vmov s19  }
0x2b8: {  	[tilespmem:s3+$0xFFFFFFB8] =	vst v14;
	v10 =	vadd.s32 v0, v13;
	v14 =	vand.u32 $0x3F, v9  }
0x2b9: {  	v9 =	vadd.s32 v0, v14;
	v11 =	vld.idx.msk [tilespmem:v11+s20+$0x0], $0xffff  }
0x2ba: {  	s26 =	simm.s32 $0x0;
	v16 =	vadd.s32 v1, v12;
	v8 =	vld.idx.msk [tilespmem:v8+s20+$0x0], $0xffff  }
0x2bb: {  	s30 =	simm.s32 $0x80;
	v17 =	vadd.s32 v1, v15;
	s3 =	sand.u32 $0x1C00, s26  }
0x2bc: {  	s8 =	simm.s32 $0x100;
	s5 =	sand.u32 $0x280, s30;
	s31 =	sadd.s32 $0x16C00, s3  }
0x2bd: {  	s8 =	sand.u32 $0x300, s8;
	s3 =	sor.u32 s5, s31;
	v10 =	vld.idx.msk [tilespmem:v10+s20+$0x0], $0xffff  }
0x2be: {  	v18 =	vadd.s32 v1, v13;
	s8 =	sor.u32 s8, s31;
	v9 =	vld.idx.msk [tilespmem:v9+s20+$0x0], $0xffff;
	[tilespmem:s3+$0x2000] =	vst v11  }
0x2bf: {  	[tilespmem:s8+$0x2000] =	vst v8;
	v11 =	vadd.s32 v1, v14;
	v8 =	vld.idx.msk [tilespmem:v16+s20+$0x0], $0xffff  }
0x2c0: {  	v16 =	vld.idx.msk [tilespmem:v17+s20+$0x0], $0xffff;
	v17 =	vadd.s32 v2, v12  }
0x2c1: {  	s9 =	sand.u32 $0x380, s9;
	v19 =	vadd.s32 v2, v15  }
0x2c2: {  	s5 =	sor.u32 s9, s31;
	[tilespmem:s0+$0xFFFFFF90] =	vst v10  }
0x2c3: {  	v10 =	vld.idx.msk [tilespmem:v18+s20+$0x0], $0xffff;
	[tilespmem:s5+$0x2000] =	vst v9  }
0x2c4: {  	v9 =	vadd.s32 v2, v13;
	v11 =	vld.idx.msk [tilespmem:v11+s20+$0x0], $0xffff;
	[tilespmem:s3+$0x2010] =	vst v8  }
0x2c5: {  	[tilespmem:s8+$0x2010] =	vst v16;
	v16 =	vadd.s32 v2, v14;
	v8 =	vld.idx.msk [tilespmem:v17+s20+$0x0], $0xffff  }
0x2c6: {  	v18 =	vadd.s32 v3, v12;
	v17 =	vld.idx.msk [tilespmem:v19+s20+$0x0], $0xffff  }
0x2c7: {  	v19 =	vadd.s32 v3, v15  }
0x2c8: {  	[tilespmem:s0+$0xFFFFFFA0] =	vst v10  }
0x2c9: {  	v9 =	vld.idx.msk [tilespmem:v9+s20+$0x0], $0xffff;
	[tilespmem:s5+$0x2010] =	vst v11  }
0x2ca: {  	v10 =	vadd.s32 v3, v13;
	v11 =	vld.idx.msk [tilespmem:v16+s20+$0x0], $0xffff;
	[tilespmem:s3+$0x2020] =	vst v8  }
0x2cb: {  	s11 =	simm.s32 $0x4;
	[tilespmem:s8+$0x2020] =	vst v17;
	v17 =	vadd.s32 v3, v14;
	v16 =	vld.idx.msk [tilespmem:v18+s20+$0x0], $0xffff  }
0x2cc: {  	s12 =	simm.s32 $0x5;
	v8 =	vmov s11;
	v18 =	vadd.s32 v4, v12;
	v19 =	vld.idx.msk [tilespmem:v19+s20+$0x0], $0xffff  }
0x2cd: {  	v20 =	vmov s12;
	v21 =	vadd.s32 v4, v15;
	v8 =	vand.u32 $0x3C, v8  }
0x2ce: {  	s13 =	simm.s32 $0x6;
	[tilespmem:s0+$0xFFFFFFB0] =	vst v9;
	v9 =	vand.u32 $0x3D, v20;
	v22 =	vadd.s32 v0, v8  }
0x2cf: {  	v20 =	vmov s13;
	v23 =	vld.idx.msk [tilespmem:v10+s20+$0x0], $0xffff;
	v24 =	vadd.s32 v0, v9;
	[tilespmem:s5+$0x2020] =	vst v11  }
0x2d0: {  	s14 =	simm.s32 $0x7;
	v25 =	vadd.s32 v4, v13;
	v10 =	vand.u32 $0x3E, v20;
	[tilespmem:s3+$0x2030] =	vst v16;
	v16 =	vld.idx.msk [tilespmem:v17+s20+$0x0], $0xffff  }
0x2d1: {  	v11 =	vmov s14;
	v17 =	vadd.s32 v0, v10;
	[tilespmem:s8+$0x2030] =	vst v19;
	v18 =	vld.idx.msk [tilespmem:v18+s20+$0x0], $0xffff  }
0x2d2: {  	v20 =	vadd.s32 v4, v14;
	v11 =	vand.u32 $0x3F, v11;
	v19 =	vld.idx.msk [tilespmem:v21+s20+$0x0], $0xffff  }
0x2d3: {  	v26 =	vadd.s32 v0, v11;
	v21 =	vld.idx.msk [tilespmem:v22+s20+$0x0], $0xffff  }
0x2d4: {  	v22 =	vadd.s32 v5, v12;
	v24 =	vld.idx.msk [tilespmem:v24+s20+$0x0], $0xffff;
	[tilespmem:s0+$0xFFFFFFC0] =	vst v23  }
0x2d5: {  	v55 =	vadd.s32 v5, v15;
	s19 =	simm.s32 $0x200;
	v23 =	vld.idx.msk [tilespmem:v25+s20+$0x0], $0xffff  }
0x2d6: {  	s9 =	sand.u32 $0x1C00, s19;
	v27 =	vadd.s32 v1, v8;
	v17 =	vld.idx.msk [tilespmem:v17+s20+$0x0], $0xffff;
	[tilespmem:s5+$0x2030] =	vst v16  }
0x2d7: {  	s26 =	simm.s32 $0x280;
	s13 =	sadd.s32 $0x16C00, s9;
	s9 =	simm.s32 $0x18E70;
	v16 =	vadd.s32 v5, v13;
	[tilespmem:s3+$0x2040] =	vst v18;
	v18 =	vld.idx.msk [tilespmem:v20+s20+$0x0], $0xffff  }
0x2d8: {  	s11 =	sand.u32 $0x280, s26;
	v20 =	vadd.s32 v1, v9;
	[tilespmem:s9+$0xFFFFFF90] =	vst v21;
	v21 =	vld.idx.msk [tilespmem:v26+s20+$0x0], $0xffff  }
0x2d9: {  	s30 =	simm.s32 $0x300;
	s26 =	sor.u32 s11, s13;
	[tilespmem:s8+$0x2040] =	vst v19;
	v19 =	vadd.s32 v1, v10;
	v22 =	vld.idx.msk [tilespmem:v22+s20+$0x0], $0xffff  }
0x2da: {  	v57 =	vadd.s32 v5, v14;
	s11 =	sand.u32 $0x300, s30;
	[tilespmem:s26+$0x2000] =	vst v24;
	v56 =	vld.idx.msk [tilespmem:v55+s20+$0x0], $0xffff  }
0x2db: {  	s28 =	simm.s32 $0x380;
	s12 =	sor.u32 s11, s13;
	v59 =	vadd.s32 v1, v11;
	v58 =	vld.idx.msk [tilespmem:v27+s20+$0x0], $0xffff;
	[tilespmem:s0+$0xFFFFFFD0] =	vst v23  }
0x2dc: {  	s31 =	sand.u32 $0x380, s28;
	v23 =	vadd.s32 v6, v12;
	[tilespmem:s12+$0x2000] =	vst v17;
	v16 =	vld.idx.msk [tilespmem:v16+s20+$0x0], $0xffff  }
0x2dd: {  	s11 =	sor.u32 s31, s13;
	v17 =	vadd.s32 v6, v15;
	v20 =	vld.idx.msk [tilespmem:v20+s20+$0x0], $0xffff;
	[tilespmem:s5+$0x2040] =	vst v18  }
0x2de: {  	v18 =	vadd.s32 v2, v8;
	v19 =	vld.idx.msk [tilespmem:v19+s20+$0x0], $0xffff;
	[tilespmem:s11+$0x2000] =	vst v21  }
0x2df: {  	v62 =	vadd.s32 v6, v13;
	[tilespmem:s3+$0x2050] =	vst v22;
	v21 =	vld.idx.msk [tilespmem:v57+s20+$0x0], $0xffff  }
0x2e0: {  	v22 =	vadd.s32 v2, v9;
	[tilespmem:s8+$0x2050] =	vst v56;
	v27 =	vld.idx.msk [tilespmem:v59+s20+$0x0], $0xffff  }
0x2e1: {  	v60 =	vadd.s32 v2, v10;
	[tilespmem:s9+$0xFFFFFFA0] =	vst v58;
	v23 =	vld.idx.msk [tilespmem:v23+s20+$0x0], $0xffff  }
0x2e2: {  	v61 =	vadd.s32 v6, v14;
	v17 =	vld.idx.msk [tilespmem:v17+s20+$0x0], $0xffff;
	[tilespmem:s0+$0xFFFFFFE0] =	vst v16  }
0x2e3: {  	v15 =	vadd.s32 v7, v15;
	v16 =	vld.idx.msk [tilespmem:v18+s20+$0x0], $0xffff;
	[tilespmem:s26+$0x2010] =	vst v20  }
0x2e4: {  	v12 =	vadd.s32 v7, v12;
	[tilespmem:s12+$0x2010] =	vst v19;
	v18 =	vld.idx.msk [tilespmem:v62+s20+$0x0], $0xffff  }
0x2e5: {  	v19 =	vadd.s32 v2, v11;
	v20 =	vld.idx.msk [tilespmem:v22+s20+$0x0], $0xffff;
	[tilespmem:s5+$0x2050] =	vst v21  }
0x2e6: {  	v63 =	vadd.s32 v3, v9;
	v22 =	vld.idx.msk [tilespmem:v60+s20+$0x0], $0xffff;
	[tilespmem:s11+$0x2010] =	vst v27  }
0x2e7: {  	v28 =	vadd.s32 v3, v10;
	v24 =	vld.idx.msk [tilespmem:v61+s20+$0x0], $0xffff;
	[tilespmem:s8+$0x2060] =	vst v17  }
0x2e8: {  	[tilespmem:s3+$0x2060] =	vst v23;
	v17 =	vld.idx.msk [tilespmem:v15+s20+$0x0], $0xffff  }
0x2e9: {  	v14 =	vadd.s32 v7, v14;
	[tilespmem:s9+$0xFFFFFFB0] =	vst v16;
	v15 =	vld.idx.msk [tilespmem:v12+s20+$0x0], $0xffff  }
0x2ea: {  	v21 =	vld.idx.msk [tilespmem:v19+s20+$0x0], $0xffff;
	v16 =	vadd.s32 v7, v13;
	[tilespmem:s26+$0x2020] =	vst v20  }
0x2eb: {  	v23 =	vadd.s32 v3, v8;
	[tilespmem:s12+$0x2020] =	vst v22;
	v19 =	vld.idx.msk [tilespmem:v63+s20+$0x0], $0xffff  }
0x2ec: {  	s13 =	simm.s32 $0x8;
	v12 =	vadd.s32 v4, v9;
	v22 =	vadd.s32 v3, v11;
	v20 =	vld.idx.msk [tilespmem:v28+s20+$0x0], $0xffff;
	[tilespmem:s5+$0x2060] =	vst v24  }
.LBB2_21:
0x2ed: {  	s14 =	sadd.s32 $0x1, s13  }
0x2ee: {  	v13 =	vmov s13;
	p0 =	slt.u32 s13, $0x3C;
	v24 =	vadd.s32 v4, v8;
	[tilespmem:s0+$0xFFFFFFF0] =	vst v18;
	v14 =	vld.idx.msk [tilespmem:v14+s20+$0x0], $0xffff;
	s19 =	smov.u32 s13;
	s13 =	sadd.s32 $0x4, s13  }
0x2ef: {  	v25 =	vadd.s32 v4, v10;
	v13 =	vand.u32 $0x3C, v13;
	v18 =	vmov s14;
	s14 =	sadd.s32 $0x2, s19;
	v16 =	vld.idx.msk [tilespmem:v16+s20+$0x0], $0xffff;
	[tilespmem:s8+$0x2070] =	vst v17;
	s8 =	smov.u32 s12  }
0x2f0: {  	s12 =	sadd.s32 $0x3, s19;
	v17 =	vadd.s32 v0, v13;
	v18 =	vand.u32 $0x3D, v18;
	v26 =	vmov s14;
	v23 =	vld.idx.msk [tilespmem:v23+s20+$0x0], $0xffff;
	[tilespmem:s3+$0x2070] =	vst v15;
	s3 =	smov.u32 s26  }
0x2f1: {  	v27 =	vmov s12;
	v15 =	vadd.s32 v0, v18;
	v26 =	vand.u32 $0x3E, v26;
	[tilespmem:s11+$0x2020] =	vst v21  }
0x2f2: {  	v21 =	vadd.s32 v4, v18;
	v27 =	vand.u32 $0x3F, v27;
	v28 =	vadd.s32 v0, v26;
	[tilespmem:s3+$0x2030] =	vst v19;
	v19 =	vld.idx.msk [tilespmem:v22+s20+$0x0], $0xffff  }
0x2f3: {  	v22 =	vadd.s32 v0, v27;
	v29 =	vld.idx.msk [tilespmem:v12+s20+$0x0], $0xffff;
	[tilespmem:s8+$0x2030] =	vst v20;
	v12 =	vmov v21  }
0x2f4: {  	v21 =	vadd.s32 v4, v11;
	v20 =	vld.idx.msk [tilespmem:v25+s20+$0x0], $0xffff;
	[tilespmem:s5+$0x2070] =	vst v14;
	s5 =	smov.u32 s11  }
0x2f5: {  	v14 =	vld.idx.msk [tilespmem:v17+s20+$0x0], $0xffff;
	v17 =	vadd.s32 v5, v9;
	[tilespmem:s0+$0x0] =	vst v16;
	s0 =	smov.u32 s9  }
0x2f6: {  	v15 =	vld.idx.msk [tilespmem:v15+s20+$0x0], $0xffff;
	[tilespmem:s9+$0xFFFFFFC0] =	vst v23  }
0x2f7: {  	s28 =	sadd.s32 $0x200, s28;
	v23 =	vadd.s32 v5, v10;
	v16 =	vld.idx.msk [tilespmem:v24+s20+$0x0], $0xffff  }
0x2f8: {  	s11 =	sadd.s32 $0xFFFFFE80, s28;
	v24 =	vadd.s32 v1, v13;
	v25 =	vld.idx.msk [tilespmem:v28+s20+$0x0], $0xffff;
	[tilespmem:s5+$0x2030] =	vst v19  }
0x2f9: {  	s12 =	sadd.s32 $0xFFFFFF00, s28;
	s11 =	sand.u32 $0x1C00, s11;
	v19 =	vadd.s32 v5, v8;
	[tilespmem:s3+$0x2040] =	vst v29;
	v21 =	vld.idx.msk [tilespmem:v21+s20+$0x0], $0xffff  }
0x2fa: {  	s12 =	sand.u32 $0x280, s12;
	s11 =	sadd.s32 $0x16C00, s11;
	s9 =	sadd.s32 $0x200, s9;
	v28 =	vadd.s32 v1, v18;
	v17 =	vld.idx.msk [tilespmem:v17+s20+$0x0], $0xffff;
	[tilespmem:s8+$0x2040] =	vst v20  }
0x2fb: {  	s26 =	sor.u32 s12, s11;
	s12 =	sadd.s32 $0xFFFFFF80, s28;
	[tilespmem:s9+$0xFFFFFF90] =	vst v14;
	v14 =	vadd.s32 v1, v26;
	v20 =	vld.idx.msk [tilespmem:v22+s20+$0x0], $0xffff  }
0x2fc: {  	s12 =	sand.u32 $0x300, s12;
	v22 =	vadd.s32 v5, v11;
	[tilespmem:s26+$0x2000] =	vst v15;
	v15 =	vld.idx.msk [tilespmem:v23+s20+$0x0], $0xffff  }
0x2fd: {  	s12 =	sor.u32 s12, s11;
	v23 =	vld.idx.msk [tilespmem:v24+s20+$0x0], $0xffff;
	[tilespmem:s0+$0xFFFFFFD0] =	vst v16;
	v16 =	vadd.s32 v6, v9  }
0x2fe: {  	v24 =	vadd.s32 v6, v10;
	[tilespmem:s12+$0x2000] =	vst v25;
	v19 =	vld.idx.msk [tilespmem:v19+s20+$0x0], $0xffff  }
0x2ff: {  	s14 =	sand.u32 $0x380, s28;
	v25 =	vld.idx.msk [tilespmem:v28+s20+$0x0], $0xffff;
	v28 =	vadd.s32 v1, v27;
	[tilespmem:s5+$0x2040] =	vst v21  }
0x300: {  	s11 =	sor.u32 s14, s11;
	v21 =	vadd.s32 v2, v13;
	v14 =	vld.idx.msk [tilespmem:v14+s20+$0x0], $0xffff;
	[tilespmem:s3+$0x2050] =	vst v17  }
0x301: {  	v17 =	vadd.s32 v2, v18;
	[tilespmem:s11+$0x2000] =	vst v20;
	v20 =	vld.idx.msk [tilespmem:v22+s20+$0x0], $0xffff  }
0x302: {  	v22 =	vadd.s32 v2, v26;
	v16 =	vld.idx.msk [tilespmem:v16+s20+$0x0], $0xffff;
	[tilespmem:s8+$0x2050] =	vst v15  }
0x303: {  	v15 =	vadd.s32 v6, v8;
	[tilespmem:s9+$0xFFFFFFA0] =	vst v23;
	v23 =	vld.idx.msk [tilespmem:v24+s20+$0x0], $0xffff;
	v24 =	vadd.s32 v6, v11  }
0x304: {  	v28 =	vld.idx.msk [tilespmem:v28+s20+$0x0], $0xffff;
	[tilespmem:s0+$0xFFFFFFE0] =	vst v19  }
0x305: {  	v19 =	vld.idx.msk [tilespmem:v21+s20+$0x0], $0xffff;
	[tilespmem:s26+$0x2010] =	vst v25;
	v21 =	vadd.s32 v7, v10;
	v10 =	vmov v26  }
0x306: {  	v26 =	vadd.s32 v7, v9;
	v9 =	vmov v18;
	v25 =	vld.idx.msk [tilespmem:v17+s20+$0x0], $0xffff;
	[tilespmem:s12+$0x2010] =	vst v14  }
0x307: {  	v29 =	vadd.s32 v2, v27;
	v22 =	vld.idx.msk [tilespmem:v22+s20+$0x0], $0xffff;
	[tilespmem:s5+$0x2050] =	vst v20  }
0x308: {  	v20 =	vadd.s32 v3, v9;
	[tilespmem:s3+$0x2060] =	vst v16;
	v24 =	vld.idx.msk [tilespmem:v24+s20+$0x0], $0xffff  }
0x309: {  	v30 =	vadd.s32 v3, v10;
	v18 =	vld.idx.msk [tilespmem:v15+s20+$0x0], $0xffff;
	[tilespmem:s8+$0x2060] =	vst v23  }
.Ltmp10:
0x30a: {  	v14 =	vadd.s32 v7, v11;
	v16 =	vadd.s32 v7, v8;
	v8 =	vmov v13;
	[tilespmem:s11+$0x2010] =	vst v28;
	v17 =	vld.idx.msk [tilespmem:v21+s20+$0x0], $0xffff;
	(pc) =	sbr.rel @p0 .LBB2_21-.Ltmp10, $4  }
0x30b: {  	v11 =	vmov v27;
	[tilespmem:s9+$0xFFFFFFB0] =	vst v19;
	v15 =	vld.idx.msk [tilespmem:v26+s20+$0x0], $0xffff  }
0x30c: {  	v23 =	vadd.s32 v3, v8;
	[tilespmem:s26+$0x2020] =	vst v25;
	v21 =	vld.idx.msk [tilespmem:v29+s20+$0x0], $0xffff  }
0x30d: {  	v19 =	vld.idx.msk [tilespmem:v20+s20+$0x0], $0xffff;
	[tilespmem:s12+$0x2020] =	vst v22  }
0x30e: {  	v22 =	vadd.s32 v3, v11;
	v20 =	vld.idx.msk [tilespmem:v30+s20+$0x0], $0xffff;
	[tilespmem:s5+$0x2060] =	vst v24  }
0x30f: {  	_ =	sdelay $0x3  }
0x310: {  	v13 =	vadd.s32 v4, v10;
	v46 =	vld.idx.msk [tilespmem:v23+s20+$0x0], $0xffff;
	[tilespmem:s11+$0x2020] =	vst v21  }
0x311: {  	v24 =	vadd.s32 v4, v8;
	v21 =	vld.idx.msk [tilespmem:v22+s20+$0x0], $0xffff  }
0x312: {  	v47 =	vadd.s32 v4, v11  }
0x313: {  	[tilespmem:s26+$0x2030] =	vst v19  }
0x314: {  	[tilespmem:s12+$0x2030] =	vst v20;
	v12 =	vld.idx.msk [tilespmem:v12+s20+$0x0], $0xffff  }
0x315: {  	v49 =	vadd.s32 v5, v9;
	v13 =	vld.idx.msk [tilespmem:v13+s20+$0x0], $0xffff;
	[tilespmem:s9+$0xFFFFFFC0] =	vst v46  }
0x316: {  	v48 =	vadd.s32 v5, v10;
	v22 =	vld.idx.msk [tilespmem:v24+s20+$0x0], $0xffff;
	[tilespmem:s11+$0x2030] =	vst v21  }
0x317: {  	v51 =	vadd.s32 v5, v8;
	v21 =	vld.idx.msk [tilespmem:v47+s20+$0x0], $0xffff  }
0x318: {  	v50 =	vadd.s32 v5, v11  }
0x319: {  	[tilespmem:s26+$0x2040] =	vst v12  }
0x31a: {  	[tilespmem:s12+$0x2040] =	vst v13;
	v53 =	vld.idx.msk [tilespmem:v49+s20+$0x0], $0xffff  }
0x31b: {  	v55 =	vadd.s32 v6, v9;
	v52 =	vld.idx.msk [tilespmem:v48+s20+$0x0], $0xffff;
	[tilespmem:s9+$0xFFFFFFD0] =	vst v22  }
0x31c: {  	v54 =	vadd.s32 v6, v10;
	v22 =	vld.idx.msk [tilespmem:v51+s20+$0x0], $0xffff;
	[tilespmem:s11+$0x2040] =	vst v21  }
0x31d: {  	v57 =	vadd.s32 v6, v8;
	v21 =	vld.idx.msk [tilespmem:v50+s20+$0x0], $0xffff  }
0x31e: {  	v56 =	vadd.s32 v6, v11;
	[tilespmem:s0+$0xFFFFFFF0] =	vst v18  }
0x31f: {  	[tilespmem:s26+$0x2050] =	vst v53  }
0x320: {  	[tilespmem:s12+$0x2050] =	vst v52;
	v13 =	vld.idx.msk [tilespmem:v55+s20+$0x0], $0xffff  }
0x321: {  	v59 =	vadd.s32 v7, v9;
	v12 =	vld.idx.msk [tilespmem:v54+s20+$0x0], $0xffff;
	[tilespmem:s9+$0xFFFFFFE0] =	vst v22  }
0x322: {  	v58 =	vadd.s32 v7, v10;
	v61 =	vld.idx.msk [tilespmem:v57+s20+$0x0], $0xffff;
	[tilespmem:s11+$0x2050] =	vst v21  }
0x323: {  	[tilespmem:s8+$0x2070] =	vst v17;
	v8 =	vadd.s32 v7, v8;
	v60 =	vld.idx.msk [tilespmem:v56+s20+$0x0], $0xffff  }
0x324: {  	v62 =	vadd.s32 v7, v11;
	v14 =	vld.idx.msk [tilespmem:v14+s20+$0x0], $0xffff;
	[tilespmem:s3+$0x2070] =	vst v15  }
0x325: {  	v63 =	vld.idx.msk [tilespmem:v16+s20+$0x0], $0xffff;
	[tilespmem:s26+$0x2060] =	vst v13  }
0x326: {  	[tilespmem:s12+$0x2060] =	vst v12;
	v9 =	vld.idx.msk [tilespmem:v59+s20+$0x0], $0xffff  }
0x327: {  	v10 =	vld.idx.msk [tilespmem:v58+s20+$0x0], $0xffff;
	[tilespmem:s9+$0xFFFFFFF0] =	vst v61  }
0x328: {  	v8 =	vld.idx.msk [tilespmem:v8+s20+$0x0], $0xffff;
	[tilespmem:s11+$0x2060] =	vst v60  }
0x329: {  	s29 =	sadd.s32 $0x1, s29;
	[tilespmem:s5+$0x2070] =	vst v14;
	v11 =	vld.idx.msk [tilespmem:v62+s20+$0x0], $0xffff  }
0x32a: {  	p0 =	sne.s32 s29, $0x32;
	[tilespmem:s0+$0x0] =	vst v63  }
.Ltmp11:
0x32b: {  	[tilespmem:s26+$0x2070] =	vst v9;
	(pc) =	sbr.rel @p0 .LBB2_2-.Ltmp11, $4  }
0x32c: {  	[tilespmem:s12+$0x2070] =	vst v10  }
0x32d: {  	[tilespmem:s9+$0x0] =	vst v8  }
0x32e: {  	s31 =	sadd.s32 s1, s7;
	[tilespmem:s11+$0x2070] =	vst v11  }
0x32f: {  	[hbm4b:s31+s17] =	stream.strided.scatter [tilespmem:s25], [sflag:$0x4], $0x2000, s18, s17, $0x38;
	[tilespmem:$0x1AC00] =	vst v63  }
0x330: {  	s0 =	simm.s32 $0x3  }
0x331: {  	_ =	swait.ge [sflag:s0], $0x4000  }
0x332: {  	[sflag:s0] =	ssyncset.done $0x0  }
0x333: {  	[sflag:s0] =	ssyncadd.s32 $0xFFFFC000  }
0x334: {  	_ =	swait.ge [sflag:s23], $0x4000  }
0x335: {  	s1 =	rddreg [dreg:$0x6]  }
0x336: {  	s31 =	rddreg [dreg:$0x5];
	s1 =	sadd.s32 $0x1, s1  }
0x337: {  	p0 =	sne.s32 s1, s31  }
.Ltmp12:
0x338: {  	_ = 	snop;
	(pc) =	sbr.rel @p0 .LBB2_1-.Ltmp12, $3  }
0x339: {  	_ =	sdelay $0x1  }
0x33a: {  	[sflag:s23] =	ssyncset.done $0x0  }
0x33b: {  	[sflag:s23] =	ssyncadd.s32 $0xFFFFC000  }
0x33c: {  	_ =	sfence.sel $0x180000  }
0x33d: {  	[bflag:$0x0] =	sbarrier.arrive $0xFFFF  }
0x33e: {  	_ =	strace $0x90000047  }
0x33f: {  	s0 =	stileid.u32;
	[bflag:$0x2] =	sbarrier.arrive $0xFFFF  }
0x340: {  	p0 =	sne.s32 s0, $0x0;
	s0 =	rddreg [dreg:$0x3]  }
0x341: {  	s0 =	sadd.s32 @!p0 $0x100000, s0  }
0x342: {  	[sflag:s0] =	ssyncadd.tile.s32 @!p0 $0x1;
	_ =	shalt  }
.Lfunc_end2:
_tile_overlayer_lowered:
.L_overlay_start_2:
0x343: {  	(tag) =	ssettag $0x2  }
0x344: {  	s0 =	rddreg [dreg:$0x0];
	s2 =	stileid.u32  }
0x345: {  	s1 =	rddreg [dreg:$0x1];
	p0 =	sne.s32 s2, $0x0  }
0x346: {  	s3 =	rddreg [dreg:$0x2];
	[bflag:$0x3] =	sbarrier.arrive $0xFFFF;
	s2 =	simm.s32 @!p0 $0x1C05  }
0x347: {  	[timem:s3], [sflag:s2] =	dma.local @!p0 [hbm:s0], s1  }
0x348: {  	s0 =	simm.s32 @!p0 $0x5  }
0x349: {  	_ =	swait.ge @!p0 [sflag:s0], s1  }
0x34a: {  	s1 =	ssub.s32 @!p0 $0x0, s1;
	[sflag:s0] =	ssyncset.done @!p0 $0x0  }
0x34b: {  	[sflag:s0] =	ssyncadd.s32 @!p0 s1  }
0x34c: {  	[bflag:$0x3] =	sbarrier.arrive $0xFFFF  }
0x34d: {  	_ =	shalt  }

</sc_bundles>
